<compile_context>
chip_gen: v7x
topology: tpu7x:2x2x1
jax: 0.10.2.dev20260603
libtpu: 0.0.44.dev20260713+nightly
codegen_flags: <defaults>
</compile_context>

<pallas_src>
import functools

import jax
import jax.numpy as jnp
from jax import lax
from jax.experimental import pallas as pl
from jax.experimental.pallas import tpu as pltpu
from jax.experimental.pallas import tpu_sc as plsc

_B = 4096
_D = 512
_K = 1000
_LANES = 16
_NC = 2
_NS = 16
_NW = _NC * _NS
_BPW = _B // _NW
_RPT = 64
_HALF = _RPT // 2
_SCALE = 0.01 / _B

_mesh = plsc.VectorSubcoreMesh(core_axis_name="c", subcore_axis_name="s")


@functools.partial(
    pl.kernel,
    out_type=jax.ShapeDtypeStruct((_NW, _LANES), jnp.float32),
    mesh=_mesh,
    scratch_types=[
        pltpu.VMEM((2, _HALF, _D), jnp.float32),
        pltpu.VMEM((_RPT * _LANES,), jnp.float32),
        pltpu.VMEM((_K * _LANES,), jnp.float32),
        pltpu.VMEM((_BPW,), jnp.int32),
        pltpu.VMEM((_LANES,), jnp.float32),
        pltpu.VMEM_SHARED((_K * _LANES,), jnp.float32),
        pltpu.SemaphoreType.DMA,
        pltpu.SemaphoreType.DMA,
    ],
)
def _norm_gather_sc(lab_hbm, cent_hbm, out_hbm,
                    crows_v, p_v, tbl_v, lab_v, acc_v, tbl_sh, sem_l, sem_c):
    c = lax.axis_index("c")
    s = lax.axis_index("s")
    wid = s * _NC + c
    row_start = jnp.where(s == _NS - 1, _K - _RPT, s * _RPT)

    lab_cp = pltpu.async_copy(lab_hbm.at[pl.ds(wid * _BPW, _BPW)], lab_v, sem_l)
    cp0 = pltpu.async_copy(
        cent_hbm.at[pl.ds(row_start, _HALF)], crows_v.at[0], sem_c)
    cp1 = pltpu.async_copy(
        cent_hbm.at[pl.ds(row_start + _HALF, _HALF)], crows_v.at[1], sem_c)

    for half, cp in ((0, cp0), (1, cp1)):
        cp.wait()

        def quad_body(i, carry, half=half):
            for u in range(4):
                r = i * 4 + u
                acc = jnp.zeros((_LANES,), jnp.float32)
                for k in range(_D // _LANES):
                    v = crows_v[half, r, pl.ds(k * _LANES, _LANES)]
                    acc = acc + v * v
                p_v[pl.ds((half * _HALF + r) * _LANES, _LANES)] = acc
            return carry

        lax.fori_loop(0, _HALF // 4, quad_body, 0)

    pltpu.sync_copy(p_v, tbl_sh.at[pl.ds(row_start * _LANES, _RPT * _LANES)])
    plsc.subcore_barrier()
    pltpu.sync_copy(tbl_sh, tbl_v)

    lab_cp.wait()

    def lab_body(i, tot):
        lv = lab_v[pl.ds(i * _LANES, _LANES)] * _LANES
        for u in range(_LANES):
            tot = tot + tbl_v[pl.ds(lv[u], _LANES)]
        return tot

    tot = lax.fori_loop(0, _BPW // _LANES, lab_body,
                        jnp.zeros((_LANES,), jnp.float32))
    acc_v[...] = tot
    pltpu.sync_copy(acc_v, out_hbm.at[wid])


_BLK = 1024
_GRID = _B // _BLK


def _cross_tc_body(lab_ref, feat_ref, cent_ref, out_ref):
    f = feat_ref[...]
    lab = lab_ref[0, 0, :]
    oh = (lab[:, None] == lax.broadcasted_iota(jnp.int32, (_BLK, _K), 1))
    cb = lax.dot_general(
        oh.astype(jnp.bfloat16), cent_ref[...].astype(jnp.bfloat16),
        (((1,), (0,)), ((), ())), preferred_element_type=jnp.float32)
    t = f * (f - 2.0 * cb)
    out_ref[...] = jnp.sum(t, axis=0).reshape(1, 1, _D)


_cross_tc = pl.pallas_call(
    _cross_tc_body,
    grid=(_GRID,),
    in_specs=[
        pl.BlockSpec((1, 1, _BLK), lambda i: (i, 0, 0)),
        pl.BlockSpec((_BLK, _D), lambda i: (i, 0)),
        pl.BlockSpec((_K, _D), lambda i: (0, 0)),
    ],
    out_specs=pl.BlockSpec((1, 1, _D), lambda i: (i, 0, 0)),
    out_shape=jax.ShapeDtypeStruct((_GRID, 1, _D), jnp.float32),
)


def kernel(features, labels, centers):
    labels = labels.astype(jnp.int32)
    sc_part = _norm_gather_sc(labels, centers)
    tc_part = _cross_tc(labels.reshape(_GRID, 1, _BLK), features, centers)
    return _SCALE * (jnp.sum(sc_part) + jnp.sum(tc_part))

# --- scband reference (transcript-rebuilt; emitter-appended) ---
"""Pipeline reference for scband-center-loss-81235011437115 (READ-ONLY COPY).

The authoritative reference and input builder live on the scoring server;
editing this copy changes nothing except your own understanding.
"""

import jax, jax.numpy as jnp
import numpy as np

NUM_CLASSES = 1000
FEATURE_DIM = 512
BATCH = 4096
LAMBDA_C = 0.01


def setup_inputs(seed: int = 0) -> dict:
    key = jax.random.key(seed)
    k1, k2, k3 = jax.random.split(key, 3)
    features = jax.random.normal(k1, (BATCH, FEATURE_DIM), dtype=jnp.float32)
    labels = jax.random.randint(k2, (BATCH,), 0, NUM_CLASSES, dtype=jnp.int64 if jax.config.jax_enable_x64 else jnp.int32)
    centers = jax.random.normal(k3, (NUM_CLASSES, FEATURE_DIM), dtype=jnp.float32)
    return {"features": features, "labels": labels, "centers": centers}


def reference(features, labels, centers):
    # centers_batch = self.centers[labels]
    centers_batch = jnp.take(centers, labels, axis=0)
    diff = features - centers_batch
    center_loss = jnp.mean(jnp.sum(diff ** 2, axis=1))
    return LAMBDA_C * center_loss

if __name__ == "__main__":
    import jax
    _d = setup_inputs()
    print(jax.jit(kernel)(*tuple(_d.values())))

</pallas_src>

<mosaic_0001>
#map = affine_map<(d0, d1) -> (0)>
#map1 = affine_map<(d0, d1) -> (0, 0)>
module attributes {stable_mosaic.version = 14 : i64} {
  func.func @_norm_gather_sc(%arg0: i32, %arg1: i32, %arg2: memref<4096xi32, #tpu.memory_space<hbm>>, %arg3: memref<1000x512xf32, #tpu.memory_space<hbm>>, %arg4: memref<32x16xf32, #tpu.memory_space<hbm>>, %arg5: memref<2x32x512xf32, #tpu.memory_space<vmem>>, %arg6: memref<1024xf32, #tpu.memory_space<vmem>>, %arg7: memref<16000xf32, #tpu.memory_space<vmem>>, %arg8: memref<128xi32, #tpu.memory_space<vmem>>, %arg9: memref<16xf32, #tpu.memory_space<vmem>>, %arg10: memref<16000xf32, #tpu.memory_space<vmem_shared>>, %arg11: memref<!tpu.dma_semaphore, #tpu.memory_space<semaphore_mem>>, %arg12: memref<!tpu.dma_semaphore, #tpu.memory_space<semaphore_mem>>) attributes {dimension_semantics = [#tpu.dimension_semantics<core_parallel>, #tpu.dimension_semantics<subcore_parallel>], iteration_bounds = array<i64: 2, 16>, scalar_prefetch = 0 : i64, scratch_operands = 8 : i64, tpu.core_type = #tpu.core_type<sc_vector_subcore>, window_params = [{transform_indices = #map}, {transform_indices = #map1}, {transform_indices = #map1}]} {
    %mul3A = arith.constant 2 : i32
    %mul3A_0 = arith.muli %arg1, %mul3A : i32
    %add3A = arith.addi %mul3A_0, %arg0 : i32
    %eq3A = arith.constant 15 : i32
    %eq3A_1 = arith.cmpi eq, %arg1, %eq3A : i32
    %mul3A_2 = arith.constant 64 : i32
    %mul3A_3 = arith.muli %arg1, %mul3A_2 : i32
    %jit3A = arith.constant 936 : i32
    %select_n3A = arith.select %eq3A_1, %jit3A, %mul3A_3 : i32
    %mul3A_4 = arith.constant 128 : i32
    %mul3A_5 = arith.muli %add3A, %mul3A_4 : i32
    %dma_start3A = tpu.memref_slice %arg2[%mul3A_5] : memref<4096xi32, #tpu.memory_space<hbm>> -> memref<128xi32, #tpu.memory_space<hbm>>
    %dma_start3A_6 = tpu.memref_slice %arg2[%mul3A_5] : memref<4096xi32, #tpu.memory_space<hbm>> -> memref<128xi32, #tpu.memory_space<hbm>>
    tpu.enqueue_dma source(%dma_start3A_6 : memref<128xi32, #tpu.memory_space<hbm>>) target(%arg8 : memref<128xi32, #tpu.memory_space<vmem>>) target_semaphore(%arg11 : memref<!tpu.dma_semaphore, #tpu.memory_space<semaphore_mem>>)
    %dma_start3A_7 = arith.constant 0 : i32
    %dma_start3A_8 = arith.constant 0 : i32
    %dma_start3A_9 = arith.constant 0 : i32
    %dma_start3A_10 = tpu.memref_slice %arg5[%dma_start3A_7, %dma_start3A_8, %dma_start3A_9] : memref<2x32x512xf32, #tpu.memory_space<vmem>> -> memref<1x32x512xf32, #tpu.memory_space<vmem>>
    %dma_start3A_11 = tpu.memref_squeeze %dma_start3A_10 : memref<1x32x512xf32, #tpu.memory_space<vmem>> -> memref<32x512xf32, #tpu.memory_space<vmem>>
    %dma_start3A_12 = arith.constant 0 : i32
    %dma_start3A_13 = tpu.memref_slice %arg3[%select_n3A, %dma_start3A_12] : memref<1000x512xf32, #tpu.memory_space<hbm>> -> memref<32x512xf32, #tpu.memory_space<hbm>>
    %dma_start3A_14 = arith.constant 0 : i32
    %dma_start3A_15 = arith.constant 0 : i32
    %dma_start3A_16 = tpu.memref_slice %arg5[%dma_start3A_7, %dma_start3A_14, %dma_start3A_15] : memref<2x32x512xf32, #tpu.memory_space<vmem>> -> memref<1x32x512xf32, #tpu.memory_space<vmem>>
    %dma_start3A_17 = tpu.memref_squeeze %dma_start3A_16 : memref<1x32x512xf32, #tpu.memory_space<vmem>> -> memref<32x512xf32, #tpu.memory_space<vmem>>
    %dma_start3A_18 = arith.constant 0 : i32
    %dma_start3A_19 = tpu.memref_slice %arg3[%select_n3A, %dma_start3A_18] : memref<1000x512xf32, #tpu.memory_space<hbm>> -> memref<32x512xf32, #tpu.memory_space<hbm>>
    tpu.enqueue_dma source(%dma_start3A_19 : memref<32x512xf32, #tpu.memory_space<hbm>>) target(%dma_start3A_17 : memref<32x512xf32, #tpu.memory_space<vmem>>) target_semaphore(%arg12 : memref<!tpu.dma_semaphore, #tpu.memory_space<semaphore_mem>>)
    %add3A_20 = arith.constant 32 : i32
    %add3A_21 = arith.addi %select_n3A, %add3A_20 : i32
    %dma_start3A_22 = arith.constant 1 : i32
    %dma_start3A_23 = arith.constant 0 : i32
    %dma_start3A_24 = arith.constant 0 : i32
    %dma_start3A_25 = tpu.memref_slice %arg5[%dma_start3A_22, %dma_start3A_23, %dma_start3A_24] : memref<2x32x512xf32, #tpu.memory_space<vmem>> -> memref<1x32x512xf32, #tpu.memory_space<vmem>>
    %dma_start3A_26 = tpu.memref_squeeze %dma_start3A_25 : memref<1x32x512xf32, #tpu.memory_space<vmem>> -> memref<32x512xf32, #tpu.memory_space<vmem>>
    %dma_start3A_27 = arith.constant 0 : i32
    %dma_start3A_28 = tpu.memref_slice %arg3[%add3A_21, %dma_start3A_27] : memref<1000x512xf32, #tpu.memory_space<hbm>> -> memref<32x512xf32, #tpu.memory_space<hbm>>
    %dma_start3A_29 = arith.constant 0 : i32
    %dma_start3A_30 = arith.constant 0 : i32
    %dma_start3A_31 = tpu.memref_slice %arg5[%dma_start3A_22, %dma_start3A_29, %dma_start3A_30] : memref<2x32x512xf32, #tpu.memory_space<vmem>> -> memref<1x32x512xf32, #tpu.memory_space<vmem>>
    %dma_start3A_32 = tpu.memref_squeeze %dma_start3A_31 : memref<1x32x512xf32, #tpu.memory_space<vmem>> -> memref<32x512xf32, #tpu.memory_space<vmem>>
    %dma_start3A_33 = arith.constant 0 : i32
    %dma_start3A_34 = tpu.memref_slice %arg3[%add3A_21, %dma_start3A_33] : memref<1000x512xf32, #tpu.memory_space<hbm>> -> memref<32x512xf32, #tpu.memory_space<hbm>>
    tpu.enqueue_dma source(%dma_start3A_34 : memref<32x512xf32, #tpu.memory_space<hbm>>) target(%dma_start3A_32 : memref<32x512xf32, #tpu.memory_space<vmem>>) target_semaphore(%arg12 : memref<!tpu.dma_semaphore, #tpu.memory_space<semaphore_mem>>)
    %dma_wait3A = arith.constant 0 : i32
    %dma_wait3A_35 = arith.constant 0 : i32
    %dma_wait3A_36 = arith.constant 0 : i32
    %dma_wait3A_37 = tpu.memref_slice %arg5[%dma_wait3A, %dma_wait3A_35, %dma_wait3A_36] : memref<2x32x512xf32, #tpu.memory_space<vmem>> -> memref<1x32x512xf32, #tpu.memory_space<vmem>>
    %dma_wait3A_38 = tpu.memref_squeeze %dma_wait3A_37 : memref<1x32x512xf32, #tpu.memory_space<vmem>> -> memref<32x512xf32, #tpu.memory_space<vmem>>
    %dma_wait3A_39 = arith.constant 0 : i32
    %dma_wait3A_40 = tpu.memref_slice %arg3[%select_n3A, %dma_wait3A_39] : memref<1000x512xf32, #tpu.memory_space<hbm>> -> memref<32x512xf32, #tpu.memory_space<hbm>>
    %dma_wait3A_41 = arith.constant 0 : i32
    %dma_wait3A_42 = arith.constant 0 : i32
    %dma_wait3A_43 = tpu.memref_slice %arg5[%dma_wait3A, %dma_wait3A_41, %dma_wait3A_42] : memref<2x32x512xf32, #tpu.memory_space<vmem>> -> memref<1x32x512xf32, #tpu.memory_space<vmem>>
    %dma_wait3A_44 = tpu.memref_squeeze %dma_wait3A_43 : memref<1x32x512xf32, #tpu.memory_space<vmem>> -> memref<32x512xf32, #tpu.memory_space<vmem>>
    %dma_wait3A_45 = arith.constant 0 : i32
    %dma_wait3A_46 = tpu.memref_slice %arg3[%select_n3A, %dma_wait3A_45] : memref<1000x512xf32, #tpu.memory_space<hbm>> -> memref<32x512xf32, #tpu.memory_space<hbm>>
    tpu.wait_dma2 semaphore(%arg12 : memref<!tpu.dma_semaphore, #tpu.memory_space<semaphore_mem>>) src(%dma_wait3A_46 : memref<32x512xf32, #tpu.memory_space<hbm>>) dst(%dma_wait3A_44 : memref<32x512xf32, #tpu.memory_space<vmem>>)
    %scan3A = arith.constant 0 : i32
    %scan3A_47 = arith.constant 0 : i32
    %scan3A_48 = arith.constant 8 : i32
    %scan3A_49 = arith.addi %scan3A_47, %scan3A_48 : i32
    %scan3A_50 = arith.constant 1 : i32
    scf.for %scan3A_85 = %scan3A_47 to %scan3A_49 step %scan3A_50  : i32 {
      %mul3A_86 = arith.constant 4 : i32
      %mul3A_87 = arith.muli %scan3A_85, %mul3A_86 : i32
      %add3A_88 = arith.constant 0 : i32
      %add3A_89 = arith.addi %mul3A_87, %add3A_88 : i32
      %broadcast_in_dim3A_90 = arith.constant 0.000000e+00 : f32
      %broadcast_in_dim3A_91 = vector.broadcast %broadcast_in_dim3A_90 : f32 to vector<16xf32>
      %get3A = arith.constant 0 : i32
      %get3A_92 = arith.index_cast %get3A : i32 to index
      %get3A_93 = arith.index_cast %add3A_89 : i32 to index
      %get3A_94 = arith.constant 0 : index
      %get3A_95 = tpu.vector_load %arg5[%get3A_92, %get3A_93, %get3A_94] {strides = array<i32>} : memref<2x32x512xf32, #tpu.memory_space<vmem>>, vector<1x1x16xf32>,
      %get3A_96 = vector.shape_cast %get3A_95 : vector<1x1x16xf32> to vector<16xf32>
      %mul3A_97 = arith.mulf %get3A_96, %get3A_96 : vector<16xf32>
      %add3A_98 = arith.addf %broadcast_in_dim3A_91, %mul3A_97 : vector<16xf32>
      %get3A_99 = arith.constant 0 : i32
      %get3A_100 = arith.index_cast %get3A_99 : i32 to index
      %get3A_101 = arith.index_cast %add3A_89 : i32 to index
      %get3A_102 = arith.constant 16 : index
      %get3A_103 = tpu.vector_load %arg5[%get3A_100, %get3A_101, %get3A_102] {strides = array<i32>} : memref<2x32x512xf32, #tpu.memory_space<vmem>>, vector<1x1x16xf32>,
      %get3A_104 = vector.shape_cast %get3A_103 : vector<1x1x16xf32> to vector<16xf32>
      %mul3A_105 = arith.mulf %get3A_104, %get3A_104 : vector<16xf32>
      %add3A_106 = arith.addf %add3A_98, %mul3A_105 : vector<16xf32>
      %get3A_107 = arith.constant 0 : i32
      %get3A_108 = arith.index_cast %get3A_107 : i32 to index
      %get3A_109 = arith.index_cast %add3A_89 : i32 to index
      %get3A_110 = arith.constant 32 : index
      %get3A_111 = tpu.vector_load %arg5[%get3A_108, %get3A_109, %get3A_110] {strides = array<i32>} : memref<2x32x512xf32, #tpu.memory_space<vmem>>, vector<1x1x16xf32>,
      %get3A_112 = vector.shape_cast %get3A_111 : vector<1x1x16xf32> to vector<16xf32>
      %mul3A_113 = arith.mulf %get3A_112, %get3A_112 : vector<16xf32>
      %add3A_114 = arith.addf %add3A_106, %mul3A_113 : vector<16xf32>
      %get3A_115 = arith.constant 0 : i32
      %get3A_116 = arith.index_cast %get3A_115 : i32 to index
      %get3A_117 = arith.index_cast %add3A_89 : i32 to index
      %get3A_118 = arith.constant 48 : index
      %get3A_119 = tpu.vector_load %arg5[%get3A_116, %get3A_117, %get3A_118] {strides = array<i32>} : memref<2x32x512xf32, #tpu.memory_space<vmem>>, vector<1x1x16xf32>,
      %get3A_120 = vector.shape_cast %get3A_119 : vector<1x1x16xf32> to vector<16xf32>
      %mul3A_121 = arith.mulf %get3A_120, %get3A_120 : vector<16xf32>
      %add3A_122 = arith.addf %add3A_114, %mul3A_121 : vector<16xf32>
      %get3A_123 = arith.constant 0 : i32
      %get3A_124 = arith.index_cast %get3A_123 : i32 to index
      %get3A_125 = arith.index_cast %add3A_89 : i32 to index
      %get3A_126 = arith.constant 64 : index
      %get3A_127 = tpu.vector_load %arg5[%get3A_124, %get3A_125, %get3A_126] {strides = array<i32>} : memref<2x32x512xf32, #tpu.memory_space<vmem>>, vector<1x1x16xf32>,
      %get3A_128 = vector.shape_cast %get3A_127 : vector<1x1x16xf32> to vector<16xf32>
      %mul3A_129 = arith.mulf %get3A_128, %get3A_128 : vector<16xf32>
      %add3A_130 = arith.addf %add3A_122, %mul3A_129 : vector<16xf32>
      %get3A_131 = arith.constant 0 : i32
      %get3A_132 = arith.index_cast %get3A_131 : i32 to index
      %get3A_133 = arith.index_cast %add3A_89 : i32 to index
      %get3A_134 = arith.constant 80 : index
      %get3A_135 = tpu.vector_load %arg5[%get3A_132, %get3A_133, %get3A_134] {strides = array<i32>} : memref<2x32x512xf32, #tpu.memory_space<vmem>>, vector<1x1x16xf32>,
      %get3A_136 = vector.shape_cast %get3A_135 : vector<1x1x16xf32> to vector<16xf32>
      %mul3A_137 = arith.mulf %get3A_136, %get3A_136 : vector<16xf32>
      %add3A_138 = arith.addf %add3A_130, %mul3A_137 : vector<16xf32>
      %get3A_139 = arith.constant 0 : i32
      %get3A_140 = arith.index_cast %get3A_139 : i32 to index
      %get3A_141 = arith.index_cast %add3A_89 : i32 to index
      %get3A_142 = arith.constant 96 : index
      %get3A_143 = tpu.vector_load %arg5[%get3A_140, %get3A_141, %get3A_142] {strides = array<i32>} : memref<2x32x512xf32, #tpu.memory_space<vmem>>, vector<1x1x16xf32>,
      %get3A_144 = vector.shape_cast %get3A_143 : vector<1x1x16xf32> to vector<16xf32>
      %mul3A_145 = arith.mulf %get3A_144, %get3A_144 : vector<16xf32>
      %add3A_146 = arith.addf %add3A_138, %mul3A_145 : vector<16xf32>
      %get3A_147 = arith.constant 0 : i32
      %get3A_148 = arith.index_cast %get3A_147 : i32 to index
      %get3A_149 = arith.index_cast %add3A_89 : i32 to index
      %get3A_150 = arith.constant 112 : index
      %get3A_151 = tpu.vector_load %arg5[%get3A_148, %get3A_149, %get3A_150] {strides = array<i32>} : memref<2x32x512xf32, #tpu.memory_space<vmem>>, vector<1x1x16xf32>,
      %get3A_152 = vector.shape_cast %get3A_151 : vector<1x1x16xf32> to vector<16xf32>
      %mul3A_153 = arith.mulf %get3A_152, %get3A_152 : vector<16xf32>
      %add3A_154 = arith.addf %add3A_146, %mul3A_153 : vector<16xf32>
      %get3A_155 = arith.constant 0 : i32
      %get3A_156 = arith.index_cast %get3A_155 : i32 to index
      %get3A_157 = arith.index_cast %add3A_89 : i32 to index
      %get3A_158 = arith.constant 128 : index
      %get3A_159 = tpu.vector_load %arg5[%get3A_156, %get3A_157, %get3A_158] {strides = array<i32>} : memref<2x32x512xf32, #tpu.memory_space<vmem>>, vector<1x1x16xf32>,
      %get3A_160 = vector.shape_cast %get3A_159 : vector<1x1x16xf32> to vector<16xf32>
      %mul3A_161 = arith.mulf %get3A_160, %get3A_160 : vector<16xf32>
      %add3A_162 = arith.addf %add3A_154, %mul3A_161 : vector<16xf32>
      %get3A_163 = arith.constant 0 : i32
      %get3A_164 = arith.index_cast %get3A_163 : i32 to index
      %get3A_165 = arith.index_cast %add3A_89 : i32 to index
      %get3A_166 = arith.constant 144 : index
      %get3A_167 = tpu.vector_load %arg5[%get3A_164, %get3A_165, %get3A_166] {strides = array<i32>} : memref<2x32x512xf32, #tpu.memory_space<vmem>>, vector<1x1x16xf32>,
      %get3A_168 = vector.shape_cast %get3A_167 : vector<1x1x16xf32> to vector<16xf32>
      %mul3A_169 = arith.mulf %get3A_168, %get3A_168 : vector<16xf32>
      %add3A_170 = arith.addf %add3A_162, %mul3A_169 : vector<16xf32>
      %get3A_171 = arith.constant 0 : i32
      %get3A_172 = arith.index_cast %get3A_171 : i32 to index
      %get3A_173 = arith.index_cast %add3A_89 : i32 to index
      %get3A_174 = arith.constant 160 : index
      %get3A_175 = tpu.vector_load %arg5[%get3A_172, %get3A_173, %get3A_174] {strides = array<i32>} : memref<2x32x512xf32, #tpu.memory_space<vmem>>, vector<1x1x16xf32>,
      %get3A_176 = vector.shape_cast %get3A_175 : vector<1x1x16xf32> to vector<16xf32>
      %mul3A_177 = arith.mulf %get3A_176, %get3A_176 : vector<16xf32>
      %add3A_178 = arith.addf %add3A_170, %mul3A_177 : vector<16xf32>
      %get3A_179 = arith.constant 0 : i32
      %get3A_180 = arith.index_cast %get3A_179 : i32 to index
      %get3A_181 = arith.index_cast %add3A_89 : i32 to index
      %get3A_182 = arith.constant 176 : index
      %get3A_183 = tpu.vector_load %arg5[%get3A_180, %get3A_181, %get3A_182] {strides = array<i32>} : memref<2x32x512xf32, #tpu.memory_space<vmem>>, vector<1x1x16xf32>,
      %get3A_184 = vector.shape_cast %get3A_183 : vector<1x1x16xf32> to vector<16xf32>
      %mul3A_185 = arith.mulf %get3A_184, %get3A_184 : vector<16xf32>
      %add3A_186 = arith.addf %add3A_178, %mul3A_185 : vector<16xf32>
      %get3A_187 = arith.constant 0 : i32
      %get3A_188 = arith.index_cast %get3A_187 : i32 to index
      %get3A_189 = arith.index_cast %add3A_89 : i32 to index
      %get3A_190 = arith.constant 192 : index
      %get3A_191 = tpu.vector_load %arg5[%get3A_188, %get3A_189, %get3A_190] {strides = array<i32>} : memref<2x32x512xf32, #tpu.memory_space<vmem>>, vector<1x1x16xf32>,
      %get3A_192 = vector.shape_cast %get3A_191 : vector<1x1x16xf32> to vector<16xf32>
      %mul3A_193 = arith.mulf %get3A_192, %get3A_192 : vector<16xf32>
      %add3A_194 = arith.addf %add3A_186, %mul3A_193 : vector<16xf32>
      %get3A_195 = arith.constant 0 : i32
      %get3A_196 = arith.index_cast %get3A_195 : i32 to index
      %get3A_197 = arith.index_cast %add3A_89 : i32 to index
      %get3A_198 = arith.constant 208 : index
      %get3A_199 = tpu.vector_load %arg5[%get3A_196, %get3A_197, %get3A_198] {strides = array<i32>} : memref<2x32x512xf32, #tpu.memory_space<vmem>>, vector<1x1x16xf32>,
      %get3A_200 = vector.shape_cast %get3A_199 : vector<1x1x16xf32> to vector<16xf32>
      %mul3A_201 = arith.mulf %get3A_200, %get3A_200 : vector<16xf32>
      %add3A_202 = arith.addf %add3A_194, %mul3A_201 : vector<16xf32>
      %get3A_203 = arith.constant 0 : i32
      %get3A_204 = arith.index_cast %get3A_203 : i32 to index
      %get3A_205 = arith.index_cast %add3A_89 : i32 to index
      %get3A_206 = arith.constant 224 : index
      %get3A_207 = tpu.vector_load %arg5[%get3A_204, %get3A_205, %get3A_206] {strides = array<i32>} : memref<2x32x512xf32, #tpu.memory_space<vmem>>, vector<1x1x16xf32>,
      %get3A_208 = vector.shape_cast %get3A_207 : vector<1x1x16xf32> to vector<16xf32>
      %mul3A_209 = arith.mulf %get3A_208, %get3A_208 : vector<16xf32>
      %add3A_210 = arith.addf %add3A_202, %mul3A_209 : vector<16xf32>
      %get3A_211 = arith.constant 0 : i32
      %get3A_212 = arith.index_cast %get3A_211 : i32 to index
      %get3A_213 = arith.index_cast %add3A_89 : i32 to index
      %get3A_214 = arith.constant 240 : index
      %get3A_215 = tpu.vector_load %arg5[%get3A_212, %get3A_213, %get3A_214] {strides = array<i32>} : memref<2x32x512xf32, #tpu.memory_space<vmem>>, vector<1x1x16xf32>,
      %get3A_216 = vector.shape_cast %get3A_215 : vector<1x1x16xf32> to vector<16xf32>
      %mul3A_217 = arith.mulf %get3A_216, %get3A_216 : vector<16xf32>
      %add3A_218 = arith.addf %add3A_210, %mul3A_217 : vector<16xf32>
      %get3A_219 = arith.constant 0 : i32
      %get3A_220 = arith.index_cast %get3A_219 : i32 to index
      %get3A_221 = arith.index_cast %add3A_89 : i32 to index
      %get3A_222 = arith.constant 256 : index
      %get3A_223 = tpu.vector_load %arg5[%get3A_220, %get3A_221, %get3A_222] {strides = array<i32>} : memref<2x32x512xf32, #tpu.memory_space<vmem>>, vector<1x1x16xf32>,
      %get3A_224 = vector.shape_cast %get3A_223 : vector<1x1x16xf32> to vector<16xf32>
      %mul3A_225 = arith.mulf %get3A_224, %get3A_224 : vector<16xf32>
      %add3A_226 = arith.addf %add3A_218, %mul3A_225 : vector<16xf32>
      %get3A_227 = arith.constant 0 : i32
      %get3A_228 = arith.index_cast %get3A_227 : i32 to index
      %get3A_229 = arith.index_cast %add3A_89 : i32 to index
      %get3A_230 = arith.constant 272 : index
      %get3A_231 = tpu.vector_load %arg5[%get3A_228, %get3A_229, %get3A_230] {strides = array<i32>} : memref<2x32x512xf32, #tpu.memory_space<vmem>>, vector<1x1x16xf32>,
      %get3A_232 = vector.shape_cast %get3A_231 : vector<1x1x16xf32> to vector<16xf32>
      %mul3A_233 = arith.mulf %get3A_232, %get3A_232 : vector<16xf32>
      %add3A_234 = arith.addf %add3A_226, %mul3A_233 : vector<16xf32>
      %get3A_235 = arith.constant 0 : i32
      %get3A_236 = arith.index_cast %get3A_235 : i32 to index
      %get3A_237 = arith.index_cast %add3A_89 : i32 to index
      %get3A_238 = arith.constant 288 : index
      %get3A_239 = tpu.vector_load %arg5[%get3A_236, %get3A_237, %get3A_238] {strides = array<i32>} : memref<2x32x512xf32, #tpu.memory_space<vmem>>, vector<1x1x16xf32>,
      %get3A_240 = vector.shape_cast %get3A_239 : vector<1x1x16xf32> to vector<16xf32>
      %mul3A_241 = arith.mulf %get3A_240, %get3A_240 : vector<16xf32>
      %add3A_242 = arith.addf %add3A_234, %mul3A_241 : vector<16xf32>
      %get3A_243 = arith.constant 0 : i32
      %get3A_244 = arith.index_cast %get3A_243 : i32 to index
      %get3A_245 = arith.index_cast %add3A_89 : i32 to index
      %get3A_246 = arith.constant 304 : index
      %get3A_247 = tpu.vector_load %arg5[%get3A_244, %get3A_245, %get3A_246] {strides = array<i32>} : memref<2x32x512xf32, #tpu.memory_space<vmem>>, vector<1x1x16xf32>,
      %get3A_248 = vector.shape_cast %get3A_247 : vector<1x1x16xf32> to vector<16xf32>
      %mul3A_249 = arith.mulf %get3A_248, %get3A_248 : vector<16xf32>
      %add3A_250 = arith.addf %add3A_242, %mul3A_249 : vector<16xf32>
      %get3A_251 = arith.constant 0 : i32
      %get3A_252 = arith.index_cast %get3A_251 : i32 to index
      %get3A_253 = arith.index_cast %add3A_89 : i32 to index
      %get3A_254 = arith.constant 320 : index
      %get3A_255 = tpu.vector_load %arg5[%get3A_252, %get3A_253, %get3A_254] {strides = array<i32>} : memref<2x32x512xf32, #tpu.memory_space<vmem>>, vector<1x1x16xf32>,
      %get3A_256 = vector.shape_cast %get3A_255 : vector<1x1x16xf32> to vector<16xf32>
      %mul3A_257 = arith.mulf %get3A_256, %get3A_256 : vector<16xf32>
      %add3A_258 = arith.addf %add3A_250, %mul3A_257 : vector<16xf32>
      %get3A_259 = arith.constant 0 : i32
      %get3A_260 = arith.index_cast %get3A_259 : i32 to index
      %get3A_261 = arith.index_cast %add3A_89 : i32 to index
      %get3A_262 = arith.constant 336 : index
      %get3A_263 = tpu.vector_load %arg5[%get3A_260, %get3A_261, %get3A_262] {strides = array<i32>} : memref<2x32x512xf32, #tpu.memory_space<vmem>>, vector<1x1x16xf32>,
      %get3A_264 = vector.shape_cast %get3A_263 : vector<1x1x16xf32> to vector<16xf32>
      %mul3A_265 = arith.mulf %get3A_264, %get3A_264 : vector<16xf32>
      %add3A_266 = arith.addf %add3A_258, %mul3A_265 : vector<16xf32>
      %get3A_267 = arith.constant 0 : i32
      %get3A_268 = arith.index_cast %get3A_267 : i32 to index
      %get3A_269 = arith.index_cast %add3A_89 : i32 to index
      %get3A_270 = arith.constant 352 : index
      %get3A_271 = tpu.vector_load %arg5[%get3A_268, %get3A_269, %get3A_270] {strides = array<i32>} : memref<2x32x512xf32, #tpu.memory_space<vmem>>, vector<1x1x16xf32>,
      %get3A_272 = vector.shape_cast %get3A_271 : vector<1x1x16xf32> to vector<16xf32>
      %mul3A_273 = arith.mulf %get3A_272, %get3A_272 : vector<16xf32>
      %add3A_274 = arith.addf %add3A_266, %mul3A_273 : vector<16xf32>
      %get3A_275 = arith.constant 0 : i32
      %get3A_276 = arith.index_cast %get3A_275 : i32 to index
      %get3A_277 = arith.index_cast %add3A_89 : i32 to index
      %get3A_278 = arith.constant 368 : index
      %get3A_279 = tpu.vector_load %arg5[%get3A_276, %get3A_277, %get3A_278] {strides = array<i32>} : memref<2x32x512xf32, #tpu.memory_space<vmem>>, vector<1x1x16xf32>,
      %get3A_280 = vector.shape_cast %get3A_279 : vector<1x1x16xf32> to vector<16xf32>
      %mul3A_281 = arith.mulf %get3A_280, %get3A_280 : vector<16xf32>
      %add3A_282 = arith.addf %add3A_274, %mul3A_281 : vector<16xf32>
      %get3A_283 = arith.constant 0 : i32
      %get3A_284 = arith.index_cast %get3A_283 : i32 to index
      %get3A_285 = arith.index_cast %add3A_89 : i32 to index
      %get3A_286 = arith.constant 384 : index
      %get3A_287 = tpu.vector_load %arg5[%get3A_284, %get3A_285, %get3A_286] {strides = array<i32>} : memref<2x32x512xf32, #tpu.memory_space<vmem>>, vector<1x1x16xf32>,
      %get3A_288 = vector.shape_cast %get3A_287 : vector<1x1x16xf32> to vector<16xf32>
      %mul3A_289 = arith.mulf %get3A_288, %get3A_288 : vector<16xf32>
      %add3A_290 = arith.addf %add3A_282, %mul3A_289 : vector<16xf32>
      %get3A_291 = arith.constant 0 : i32
      %get3A_292 = arith.index_cast %get3A_291 : i32 to index
      %get3A_293 = arith.index_cast %add3A_89 : i32 to index
      %get3A_294 = arith.constant 400 : index
      %get3A_295 = tpu.vector_load %arg5[%get3A_292, %get3A_293, %get3A_294] {strides = array<i32>} : memref<2x32x512xf32, #tpu.memory_space<vmem>>, vector<1x1x16xf32>,
      %get3A_296 = vector.shape_cast %get3A_295 : vector<1x1x16xf32> to vector<16xf32>
      %mul3A_297 = arith.mulf %get3A_296, %get3A_296 : vector<16xf32>
      %add3A_298 = arith.addf %add3A_290, %mul3A_297 : vector<16xf32>
      %get3A_299 = arith.constant 0 : i32
      %get3A_300 = arith.index_cast %get3A_299 : i32 to index
      %get3A_301 = arith.index_cast %add3A_89 : i32 to index
      %get3A_302 = arith.constant 416 : index
      %get3A_303 = tpu.vector_load %arg5[%get3A_300, %get3A_301, %get3A_302] {strides = array<i32>} : memref<2x32x512xf32, #tpu.memory_space<vmem>>, vector<1x1x16xf32>,
      %get3A_304 = vector.shape_cast %get3A_303 : vector<1x1x16xf32> to vector<16xf32>
      %mul3A_305 = arith.mulf %get3A_304, %get3A_304 : vector<16xf32>
      %add3A_306 = arith.addf %add3A_298, %mul3A_305 : vector<16xf32>
      %get3A_307 = arith.constant 0 : i32
      %get3A_308 = arith.index_cast %get3A_307 : i32 to index
      %get3A_309 = arith.index_cast %add3A_89 : i32 to index
      %get3A_310 = arith.constant 432 : index
      %get3A_311 = tpu.vector_load %arg5[%get3A_308, %get3A_309, %get3A_310] {strides = array<i32>} : memref<2x32x512xf32, #tpu.memory_space<vmem>>, vector<1x1x16xf32>,
      %get3A_312 = vector.shape_cast %get3A_311 : vector<1x1x16xf32> to vector<16xf32>
      %mul3A_313 = arith.mulf %get3A_312, %get3A_312 : vector<16xf32>
      %add3A_314 = arith.addf %add3A_306, %mul3A_313 : vector<16xf32>
      %get3A_315 = arith.constant 0 : i32
      %get3A_316 = arith.index_cast %get3A_315 : i32 to index
      %get3A_317 = arith.index_cast %add3A_89 : i32 to index
      %get3A_318 = arith.constant 448 : index
      %get3A_319 = tpu.vector_load %arg5[%get3A_316, %get3A_317, %get3A_318] {strides = array<i32>} : memref<2x32x512xf32, #tpu.memory_space<vmem>>, vector<1x1x16xf32>,
      %get3A_320 = vector.shape_cast %get3A_319 : vector<1x1x16xf32> to vector<16xf32>
      %mul3A_321 = arith.mulf %get3A_320, %get3A_320 : vector<16xf32>
      %add3A_322 = arith.addf %add3A_314, %mul3A_321 : vector<16xf32>
      %get3A_323 = arith.constant 0 : i32
      %get3A_324 = arith.index_cast %get3A_323 : i32 to index
      %get3A_325 = arith.index_cast %add3A_89 : i32 to index
      %get3A_326 = arith.constant 464 : index
      %get3A_327 = tpu.vector_load %arg5[%get3A_324, %get3A_325, %get3A_326] {strides = array<i32>} : memref<2x32x512xf32, #tpu.memory_space<vmem>>, vector<1x1x16xf32>,
      %get3A_328 = vector.shape_cast %get3A_327 : vector<1x1x16xf32> to vector<16xf32>
      %mul3A_329 = arith.mulf %get3A_328, %get3A_328 : vector<16xf32>
      %add3A_330 = arith.addf %add3A_322, %mul3A_329 : vector<16xf32>
      %get3A_331 = arith.constant 0 : i32
      %get3A_332 = arith.index_cast %get3A_331 : i32 to index
      %get3A_333 = arith.index_cast %add3A_89 : i32 to index
      %get3A_334 = arith.constant 480 : index
      %get3A_335 = tpu.vector_load %arg5[%get3A_332, %get3A_333, %get3A_334] {strides = array<i32>} : memref<2x32x512xf32, #tpu.memory_space<vmem>>, vector<1x1x16xf32>,
      %get3A_336 = vector.shape_cast %get3A_335 : vector<1x1x16xf32> to vector<16xf32>
      %mul3A_337 = arith.mulf %get3A_336, %get3A_336 : vector<16xf32>
      %add3A_338 = arith.addf %add3A_330, %mul3A_337 : vector<16xf32>
      %get3A_339 = arith.constant 0 : i32
      %get3A_340 = arith.index_cast %get3A_339 : i32 to index
      %get3A_341 = arith.index_cast %add3A_89 : i32 to index
      %get3A_342 = arith.constant 496 : index
      %get3A_343 = tpu.vector_load %arg5[%get3A_340, %get3A_341, %get3A_342] {strides = array<i32>} : memref<2x32x512xf32, #tpu.memory_space<vmem>>, vector<1x1x16xf32>,
      %get3A_344 = vector.shape_cast %get3A_343 : vector<1x1x16xf32> to vector<16xf32>
      %mul3A_345 = arith.mulf %get3A_344, %get3A_344 : vector<16xf32>
      %add3A_346 = arith.addf %add3A_338, %mul3A_345 : vector<16xf32>
      %add3A_347 = arith.constant 0 : i32
      %add3A_348 = arith.addi %add3A_347, %add3A_89 : i32
      %mul3A_349 = arith.constant 16 : i32
      %mul3A_350 = arith.muli %add3A_348, %mul3A_349 : i32
      %swap3A_351 = arith.index_cast %mul3A_350 : i32 to index
      %swap3A_352 = tpu.vector_load %arg6[%swap3A_351] {strides = array<i32>} : memref<1024xf32, #tpu.memory_space<vmem>>, vector<16xf32>,
      %swap3A_353 = vector.shape_cast %swap3A_352 : vector<16xf32> to vector<16xf32>
      %swap3A_354 = vector.shape_cast %add3A_346 : vector<16xf32> to vector<16xf32>
      tpu.vector_store %arg6[%swap3A_351], %swap3A_354 {strides = array<i32>} : memref<1024xf32, #tpu.memory_space<vmem>>, vector<16xf32>,
      %mul3A_355 = arith.constant 4 : i32
      %mul3A_356 = arith.muli %scan3A_85, %mul3A_355 : i32
      %add3A_357 = arith.constant 1 : i32
      %add3A_358 = arith.addi %mul3A_356, %add3A_357 : i32
      %broadcast_in_dim3A_359 = arith.constant 0.000000e+00 : f32
      %broadcast_in_dim3A_360 = vector.broadcast %broadcast_in_dim3A_359 : f32 to vector<16xf32>
      %get3A_361 = arith.constant 0 : i32
      %get3A_362 = arith.index_cast %get3A_361 : i32 to index
      %get3A_363 = arith.index_cast %add3A_358 : i32 to index
      %get3A_364 = arith.constant 0 : index
      %get3A_365 = tpu.vector_load %arg5[%get3A_362, %get3A_363, %get3A_364] {strides = array<i32>} : memref<2x32x512xf32, #tpu.memory_space<vmem>>, vector<1x1x16xf32>,
      %get3A_366 = vector.shape_cast %get3A_365 : vector<1x1x16xf32> to vector<16xf32>
      %mul3A_367 = arith.mulf %get3A_366, %get3A_366 : vector<16xf32>
      %add3A_368 = arith.addf %broadcast_in_dim3A_360, %mul3A_367 : vector<16xf32>
      %get3A_369 = arith.constant 0 : i32
      %get3A_370 = arith.index_cast %get3A_369 : i32 to index
      %get3A_371 = arith.index_cast %add3A_358 : i32 to index
      %get3A_372 = arith.constant 16 : index
      %get3A_373 = tpu.vector_load %arg5[%get3A_370, %get3A_371, %get3A_372] {strides = array<i32>} : memref<2x32x512xf32, #tpu.memory_space<vmem>>, vector<1x1x16xf32>,
      %get3A_374 = vector.shape_cast %get3A_373 : vector<1x1x16xf32> to vector<16xf32>
      %mul3A_375 = arith.mulf %get3A_374, %get3A_374 : vector<16xf32>
      %add3A_376 = arith.addf %add3A_368, %mul3A_375 : vector<16xf32>
      %get3A_377 = arith.constant 0 : i32
      %get3A_378 = arith.index_cast %get3A_377 : i32 to index
      %get3A_379 = arith.index_cast %add3A_358 : i32 to index
      %get3A_380 = arith.constant 32 : index
      %get3A_381 = tpu.vector_load %arg5[%get3A_378, %get3A_379, %get3A_380] {strides = array<i32>} : memref<2x32x512xf32, #tpu.memory_space<vmem>>, vector<1x1x16xf32>,
      %get3A_382 = vector.shape_cast %get3A_381 : vector<1x1x16xf32> to vector<16xf32>
      %mul3A_383 = arith.mulf %get3A_382, %get3A_382 : vector<16xf32>
      %add3A_384 = arith.addf %add3A_376, %mul3A_383 : vector<16xf32>
      %get3A_385 = arith.constant 0 : i32
      %get3A_386 = arith.index_cast %get3A_385 : i32 to index
      %get3A_387 = arith.index_cast %add3A_358 : i32 to index
      %get3A_388 = arith.constant 48 : index
      %get3A_389 = tpu.vector_load %arg5[%get3A_386, %get3A_387, %get3A_388] {strides = array<i32>} : memref<2x32x512xf32, #tpu.memory_space<vmem>>, vector<1x1x16xf32>,
      %get3A_390 = vector.shape_cast %get3A_389 : vector<1x1x16xf32> to vector<16xf32>
      %mul3A_391 = arith.mulf %get3A_390, %get3A_390 : vector<16xf32>
      %add3A_392 = arith.addf %add3A_384, %mul3A_391 : vector<16xf32>
      %get3A_393 = arith.constant 0 : i32
      %get3A_394 = arith.index_cast %get3A_393 : i32 to index
      %get3A_395 = arith.index_cast %add3A_358 : i32 to index
      %get3A_396 = arith.constant 64 : index
      %get3A_397 = tpu.vector_load %arg5[%get3A_394, %get3A_395, %get3A_396] {strides = array<i32>} : memref<2x32x512xf32, #tpu.memory_space<vmem>>, vector<1x1x16xf32>,
      %get3A_398 = vector.shape_cast %get3A_397 : vector<1x1x16xf32> to vector<16xf32>
      %mul3A_399 = arith.mulf %get3A_398, %get3A_398 : vector<16xf32>
      %add3A_400 = arith.addf %add3A_392, %mul3A_399 : vector<16xf32>
      %get3A_401 = arith.constant 0 : i32
      %get3A_402 = arith.index_cast %get3A_401 : i32 to index
      %get3A_403 = arith.index_cast %add3A_358 : i32 to index
      %get3A_404 = arith.constant 80 : index
      %get3A_405 = tpu.vector_load %arg5[%get3A_402, %get3A_403, %get3A_404] {strides = array<i32>} : memref<2x32x512xf32, #tpu.memory_space<vmem>>, vector<1x1x16xf32>,
      %get3A_406 = vector.shape_cast %get3A_405 : vector<1x1x16xf32> to vector<16xf32>
      %mul3A_407 = arith.mulf %get3A_406, %get3A_406 : vector<16xf32>
      %add3A_408 = arith.addf %add3A_400, %mul3A_407 : vector<16xf32>
      %get3A_409 = arith.constant 0 : i32
      %get3A_410 = arith.index_cast %get3A_409 : i32 to index
      %get3A_411 = arith.index_cast %add3A_358 : i32 to index
      %get3A_412 = arith.constant 96 : index
      %get3A_413 = tpu.vector_load %arg5[%get3A_410, %get3A_411, %get3A_412] {strides = array<i32>} : memref<2x32x512xf32, #tpu.memory_space<vmem>>, vector<1x1x16xf32>,
      %get3A_414 = vector.shape_cast %get3A_413 : vector<1x1x16xf32> to vector<16xf32>
      %mul3A_415 = arith.mulf %get3A_414, %get3A_414 : vector<16xf32>
      %add3A_416 = arith.addf %add3A_408, %mul3A_415 : vector<16xf32>
      %get3A_417 = arith.constant 0 : i32
      %get3A_418 = arith.index_cast %get3A_417 : i32 to index
      %get3A_419 = arith.index_cast %add3A_358 : i32 to index
      %get3A_420 = arith.constant 112 : index
      %get3A_421 = tpu.vector_load %arg5[%get3A_418, %get3A_419, %get3A_420] {strides = array<i32>} : memref<2x32x512xf32, #tpu.memory_space<vmem>>, vector<1x1x16xf32>,
      %get3A_422 = vector.shape_cast %get3A_421 : vector<1x1x16xf32> to vector<16xf32>
      %mul3A_423 = arith.mulf %get3A_422, %get3A_422 : vector<16xf32>
      %add3A_424 = arith.addf %add3A_416, %mul3A_423 : vector<16xf32>
      %get3A_425 = arith.constant 0 : i32
      %get3A_426 = arith.index_cast %get3A_425 : i32 to index
      %get3A_427 = arith.index_cast %add3A_358 : i32 to index
      %get3A_428 = arith.constant 128 : index
      %get3A_429 = tpu.vector_load %arg5[%get3A_426, %get3A_427, %get3A_428] {strides = array<i32>} : memref<2x32x512xf32, #tpu.memory_space<vmem>>, vector<1x1x16xf32>,
      %get3A_430 = vector.shape_cast %get3A_429 : vector<1x1x16xf32> to vector<16xf32>
      %mul3A_431 = arith.mulf %get3A_430, %get3A_430 : vector<16xf32>
      %add3A_432 = arith.addf %add3A_424, %mul3A_431 : vector<16xf32>
      %get3A_433 = arith.constant 0 : i32
      %get3A_434 = arith.index_cast %get3A_433 : i32 to index
      %get3A_435 = arith.index_cast %add3A_358 : i32 to index
      %get3A_436 = arith.constant 144 : index
      %get3A_437 = tpu.vector_load %arg5[%get3A_434, %get3A_435, %get3A_436] {strides = array<i32>} : memref<2x32x512xf32, #tpu.memory_space<vmem>>, vector<1x1x16xf32>,
      %get3A_438 = vector.shape_cast %get3A_437 : vector<1x1x16xf32> to vector<16xf32>
      %mul3A_439 = arith.mulf %get3A_438, %get3A_438 : vector<16xf32>
      %add3A_440 = arith.addf %add3A_432, %mul3A_439 : vector<16xf32>
      %get3A_441 = arith.constant 0 : i32
      %get3A_442 = arith.index_cast %get3A_441 : i32 to index
      %get3A_443 = arith.index_cast %add3A_358 : i32 to index
      %get3A_444 = arith.constant 160 : index
      %get3A_445 = tpu.vector_load %arg5[%get3A_442, %get3A_443, %get3A_444] {strides = array<i32>} : memref<2x32x512xf32, #tpu.memory_space<vmem>>, vector<1x1x16xf32>,
      %get3A_446 = vector.shape_cast %get3A_445 : vector<1x1x16xf32> to vector<16xf32>
      %mul3A_447 = arith.mulf %get3A_446, %get3A_446 : vector<16xf32>
      %add3A_448 = arith.addf %add3A_440, %mul3A_447 : vector<16xf32>
      %get3A_449 = arith.constant 0 : i32
      %get3A_450 = arith.index_cast %get3A_449 : i32 to index
      %get3A_451 = arith.index_cast %add3A_358 : i32 to index
      %get3A_452 = arith.constant 176 : index
      %get3A_453 = tpu.vector_load %arg5[%get3A_450, %get3A_451, %get3A_452] {strides = array<i32>} : memref<2x32x512xf32, #tpu.memory_space<vmem>>, vector<1x1x16xf32>,
      %get3A_454 = vector.shape_cast %get3A_453 : vector<1x1x16xf32> to vector<16xf32>
      %mul3A_455 = arith.mulf %get3A_454, %get3A_454 : vector<16xf32>
      %add3A_456 = arith.addf %add3A_448, %mul3A_455 : vector<16xf32>
      %get3A_457 = arith.constant 0 : i32
      %get3A_458 = arith.index_cast %get3A_457 : i32 to index
      %get3A_459 = arith.index_cast %add3A_358 : i32 to index
      %get3A_460 = arith.constant 192 : index
      %get3A_461 = tpu.vector_load %arg5[%get3A_458, %get3A_459, %get3A_460] {strides = array<i32>} : memref<2x32x512xf32, #tpu.memory_space<vmem>>, vector<1x1x16xf32>,
      %get3A_462 = vector.shape_cast %get3A_461 : vector<1x1x16xf32> to vector<16xf32>
      %mul3A_463 = arith.mulf %get3A_462, %get3A_462 : vector<16xf32>
      %add3A_464 = arith.addf %add3A_456, %mul3A_463 : vector<16xf32>
      %get3A_465 = arith.constant 0 : i32
      %get3A_466 = arith.index_cast %get3A_465 : i32 to index
      %get3A_467 = arith.index_cast %add3A_358 : i32 to index
      %get3A_468 = arith.constant 208 : index
      %get3A_469 = tpu.vector_load %arg5[%get3A_466, %get3A_467, %get3A_468] {strides = array<i32>} : memref<2x32x512xf32, #tpu.memory_space<vmem>>, vector<1x1x16xf32>,
      %get3A_470 = vector.shape_cast %get3A_469 : vector<1x1x16xf32> to vector<16xf32>
      %mul3A_471 = arith.mulf %get3A_470, %get3A_470 : vector<16xf32>
      %add3A_472 = arith.addf %add3A_464, %mul3A_471 : vector<16xf32>
      %get3A_473 = arith.constant 0 : i32
      %get3A_474 = arith.index_cast %get3A_473 : i32 to index
      %get3A_475 = arith.index_cast %add3A_358 : i32 to index
      %get3A_476 = arith.constant 224 : index
      %get3A_477 = tpu.vector_load %arg5[%get3A_474, %get3A_475, %get3A_476] {strides = array<i32>} : memref<2x32x512xf32, #tpu.memory_space<vmem>>, vector<1x1x16xf32>,
      %get3A_478 = vector.shape_cast %get3A_477 : vector<1x1x16xf32> to vector<16xf32>
      %mul3A_479 = arith.mulf %get3A_478, %get3A_478 : vector<16xf32>
      %add3A_480 = arith.addf %add3A_472, %mul3A_479 : vector<16xf32>
      %get3A_481 = arith.constant 0 : i32
      %get3A_482 = arith.index_cast %get3A_481 : i32 to index
      %get3A_483 = arith.index_cast %add3A_358 : i32 to index
      %get3A_484 = arith.constant 240 : index
      %get3A_485 = tpu.vector_load %arg5[%get3A_482, %get3A_483, %get3A_484] {strides = array<i32>} : memref<2x32x512xf32, #tpu.memory_space<vmem>>, vector<1x1x16xf32>,
      %get3A_486 = vector.shape_cast %get3A_485 : vector<1x1x16xf32> to vector<16xf32>
      %mul3A_487 = arith.mulf %get3A_486, %get3A_486 : vector<16xf32>
      %add3A_488 = arith.addf %add3A_480, %mul3A_487 : vector<16xf32>
      %get3A_489 = arith.constant 0 : i32
      %get3A_490 = arith.index_cast %get3A_489 : i32 to index
      %get3A_491 = arith.index_cast %add3A_358 : i32 to index
      %get3A_492 = arith.constant 256 : index
      %get3A_493 = tpu.vector_load %arg5[%get3A_490, %get3A_491, %get3A_492] {strides = array<i32>} : memref<2x32x512xf32, #tpu.memory_space<vmem>>, vector<1x1x16xf32>,
      %get3A_494 = vector.shape_cast %get3A_493 : vector<1x1x16xf32> to vector<16xf32>
      %mul3A_495 = arith.mulf %get3A_494, %get3A_494 : vector<16xf32>
      %add3A_496 = arith.addf %add3A_488, %mul3A_495 : vector<16xf32>
      %get3A_497 = arith.constant 0 : i32
      %get3A_498 = arith.index_cast %get3A_497 : i32 to index
      %get3A_499 = arith.index_cast %add3A_358 : i32 to index
      %get3A_500 = arith.constant 272 : index
      %get3A_501 = tpu.vector_load %arg5[%get3A_498, %get3A_499, %get3A_500] {strides = array<i32>} : memref<2x32x512xf32, #tpu.memory_space<vmem>>, vector<1x1x16xf32>,
      %get3A_502 = vector.shape_cast %get3A_501 : vector<1x1x16xf32> to vector<16xf32>
      %mul3A_503 = arith.mulf %get3A_502, %get3A_502 : vector<16xf32>
      %add3A_504 = arith.addf %add3A_496, %mul3A_503 : vector<16xf32>
      %get3A_505 = arith.constant 0 : i32
      %get3A_506 = arith.index_cast %get3A_505 : i32 to index
      %get3A_507 = arith.index_cast %add3A_358 : i32 to index
      %get3A_508 = arith.constant 288 : index
      %get3A_509 = tpu.vector_load %arg5[%get3A_506, %get3A_507, %get3A_508] {strides = array<i32>} : memref<2x32x512xf32, #tpu.memory_space<vmem>>, vector<1x1x16xf32>,
      %get3A_510 = vector.shape_cast %get3A_509 : vector<1x1x16xf32> to vector<16xf32>
      %mul3A_511 = arith.mulf %get3A_510, %get3A_510 : vector<16xf32>
      %add3A_512 = arith.addf %add3A_504, %mul3A_511 : vector<16xf32>
      %get3A_513 = arith.constant 0 : i32
      %get3A_514 = arith.index_cast %get3A_513 : i32 to index
      %get3A_515 = arith.index_cast %add3A_358 : i32 to index
      %get3A_516 = arith.constant 304 : index
      %get3A_517 = tpu.vector_load %arg5[%get3A_514, %get3A_515, %get3A_516] {strides = array<i32>} : memref<2x32x512xf32, #tpu.memory_space<vmem>>, vector<1x1x16xf32>,
      %get3A_518 = vector.shape_cast %get3A_517 : vector<1x1x16xf32> to vector<16xf32>
      %mul3A_519 = arith.mulf %get3A_518, %get3A_518 : vector<16xf32>
      %add3A_520 = arith.addf %add3A_512, %mul3A_519 : vector<16xf32>
      %get3A_521 = arith.constant 0 : i32
      %get3A_522 = arith.index_cast %get3A_521 : i32 to index
      %get3A_523 = arith.index_cast %add3A_358 : i32 to index
      %get3A_524 = arith.constant 320 : index
      %get3A_525 = tpu.vector_load %arg5[%get3A_522, %get3A_523, %get3A_524] {strides = array<i32>} : memref<2x32x512xf32, #tpu.memory_space<vmem>>, vector<1x1x16xf32>,
      %get3A_526 = vector.shape_cast %get3A_525 : vector<1x1x16xf32> to vector<16xf32>
      %mul3A_527 = arith.mulf %get3A_526, %get3A_526 : vector<16xf32>
      %add3A_528 = arith.addf %add3A_520, %mul3A_527 : vector<16xf32>
      %get3A_529 = arith.constant 0 : i32
      %get3A_530 = arith.index_cast %get3A_529 : i32 to index
      %get3A_531 = arith.index_cast %add3A_358 : i32 to index
      %get3A_532 = arith.constant 336 : index
      %get3A_533 = tpu.vector_load %arg5[%get3A_530, %get3A_531, %get3A_532] {strides = array<i32>} : memref<2x32x512xf32, #tpu.memory_space<vmem>>, vector<1x1x16xf32>,
      %get3A_534 = vector.shape_cast %get3A_533 : vector<1x1x16xf32> to vector<16xf32>
      %mul3A_535 = arith.mulf %get3A_534, %get3A_534 : vector<16xf32>
      %add3A_536 = arith.addf %add3A_528, %mul3A_535 : vector<16xf32>
      %get3A_537 = arith.constant 0 : i32
      %get3A_538 = arith.index_cast %get3A_537 : i32 to index
      %get3A_539 = arith.index_cast %add3A_358 : i32 to index
      %get3A_540 = arith.constant 352 : index
      %get3A_541 = tpu.vector_load %arg5[%get3A_538, %get3A_539, %get3A_540] {strides = array<i32>} : memref<2x32x512xf32, #tpu.memory_space<vmem>>, vector<1x1x16xf32>,
      %get3A_542 = vector.shape_cast %get3A_541 : vector<1x1x16xf32> to vector<16xf32>
      %mul3A_543 = arith.mulf %get3A_542, %get3A_542 : vector<16xf32>
      %add3A_544 = arith.addf %add3A_536, %mul3A_543 : vector<16xf32>
      %get3A_545 = arith.constant 0 : i32
      %get3A_546 = arith.index_cast %get3A_545 : i32 to index
      %get3A_547 = arith.index_cast %add3A_358 : i32 to index
      %get3A_548 = arith.constant 368 : index
      %get3A_549 = tpu.vector_load %arg5[%get3A_546, %get3A_547, %get3A_548] {strides = array<i32>} : memref<2x32x512xf32, #tpu.memory_space<vmem>>, vector<1x1x16xf32>,
      %get3A_550 = vector.shape_cast %get3A_549 : vector<1x1x16xf32> to vector<16xf32>
      %mul3A_551 = arith.mulf %get3A_550, %get3A_550 : vector<16xf32>
      %add3A_552 = arith.addf %add3A_544, %mul3A_551 : vector<16xf32>
      %get3A_553 = arith.constant 0 : i32
      %get3A_554 = arith.index_cast %get3A_553 : i32 to index
      %get3A_555 = arith.index_cast %add3A_358 : i32 to index
      %get3A_556 = arith.constant 384 : index
      %get3A_557 = tpu.vector_load %arg5[%get3A_554, %get3A_555, %get3A_556] {strides = array<i32>} : memref<2x32x512xf32, #tpu.memory_space<vmem>>, vector<1x1x16xf32>,
      %get3A_558 = vector.shape_cast %get3A_557 : vector<1x1x16xf32> to vector<16xf32>
      %mul3A_559 = arith.mulf %get3A_558, %get3A_558 : vector<16xf32>
      %add3A_560 = arith.addf %add3A_552, %mul3A_559 : vector<16xf32>
      %get3A_561 = arith.constant 0 : i32
      %get3A_562 = arith.index_cast %get3A_561 : i32 to index
      %get3A_563 = arith.index_cast %add3A_358 : i32 to index
      %get3A_564 = arith.constant 400 : index
      %get3A_565 = tpu.vector_load %arg5[%get3A_562, %get3A_563, %get3A_564] {strides = array<i32>} : memref<2x32x512xf32, #tpu.memory_space<vmem>>, vector<1x1x16xf32>,
      %get3A_566 = vector.shape_cast %get3A_565 : vector<1x1x16xf32> to vector<16xf32>
      %mul3A_567 = arith.mulf %get3A_566, %get3A_566 : vector<16xf32>
      %add3A_568 = arith.addf %add3A_560, %mul3A_567 : vector<16xf32>
      %get3A_569 = arith.constant 0 : i32
      %get3A_570 = arith.index_cast %get3A_569 : i32 to index
      %get3A_571 = arith.index_cast %add3A_358 : i32 to index
      %get3A_572 = arith.constant 416 : index
      %get3A_573 = tpu.vector_load %arg5[%get3A_570, %get3A_571, %get3A_572] {strides = array<i32>} : memref<2x32x512xf32, #tpu.memory_space<vmem>>, vector<1x1x16xf32>,
      %get3A_574 = vector.shape_cast %get3A_573 : vector<1x1x16xf32> to vector<16xf32>
      %mul3A_575 = arith.mulf %get3A_574, %get3A_574 : vector<16xf32>
      %add3A_576 = arith.addf %add3A_568, %mul3A_575 : vector<16xf32>
      %get3A_577 = arith.constant 0 : i32
      %get3A_578 = arith.index_cast %get3A_577 : i32 to index
      %get3A_579 = arith.index_cast %add3A_358 : i32 to index
      %get3A_580 = arith.constant 432 : index
      %get3A_581 = tpu.vector_load %arg5[%get3A_578, %get3A_579, %get3A_580] {strides = array<i32>} : memref<2x32x512xf32, #tpu.memory_space<vmem>>, vector<1x1x16xf32>,
      %get3A_582 = vector.shape_cast %get3A_581 : vector<1x1x16xf32> to vector<16xf32>
      %mul3A_583 = arith.mulf %get3A_582, %get3A_582 : vector<16xf32>
      %add3A_584 = arith.addf %add3A_576, %mul3A_583 : vector<16xf32>
      %get3A_585 = arith.constant 0 : i32
      %get3A_586 = arith.index_cast %get3A_585 : i32 to index
      %get3A_587 = arith.index_cast %add3A_358 : i32 to index
      %get3A_588 = arith.constant 448 : index
      %get3A_589 = tpu.vector_load %arg5[%get3A_586, %get3A_587, %get3A_588] {strides = array<i32>} : memref<2x32x512xf32, #tpu.memory_space<vmem>>, vector<1x1x16xf32>,
      %get3A_590 = vector.shape_cast %get3A_589 : vector<1x1x16xf32> to vector<16xf32>
      %mul3A_591 = arith.mulf %get3A_590, %get3A_590 : vector<16xf32>
      %add3A_592 = arith.addf %add3A_584, %mul3A_591 : vector<16xf32>
      %get3A_593 = arith.constant 0 : i32
      %get3A_594 = arith.index_cast %get3A_593 : i32 to index
      %get3A_595 = arith.index_cast %add3A_358 : i32 to index
      %get3A_596 = arith.constant 464 : index
      %get3A_597 = tpu.vector_load %arg5[%get3A_594, %get3A_595, %get3A_596] {strides = array<i32>} : memref<2x32x512xf32, #tpu.memory_space<vmem>>, vector<1x1x16xf32>,
      %get3A_598 = vector.shape_cast %get3A_597 : vector<1x1x16xf32> to vector<16xf32>
      %mul3A_599 = arith.mulf %get3A_598, %get3A_598 : vector<16xf32>
      %add3A_600 = arith.addf %add3A_592, %mul3A_599 : vector<16xf32>
      %get3A_601 = arith.constant 0 : i32
      %get3A_602 = arith.index_cast %get3A_601 : i32 to index
      %get3A_603 = arith.index_cast %add3A_358 : i32 to index
      %get3A_604 = arith.constant 480 : index
      %get3A_605 = tpu.vector_load %arg5[%get3A_602, %get3A_603, %get3A_604] {strides = array<i32>} : memref<2x32x512xf32, #tpu.memory_space<vmem>>, vector<1x1x16xf32>,
      %get3A_606 = vector.shape_cast %get3A_605 : vector<1x1x16xf32> to vector<16xf32>
      %mul3A_607 = arith.mulf %get3A_606, %get3A_606 : vector<16xf32>
      %add3A_608 = arith.addf %add3A_600, %mul3A_607 : vector<16xf32>
      %get3A_609 = arith.constant 0 : i32
      %get3A_610 = arith.index_cast %get3A_609 : i32 to index
      %get3A_611 = arith.index_cast %add3A_358 : i32 to index
      %get3A_612 = arith.constant 496 : index
      %get3A_613 = tpu.vector_load %arg5[%get3A_610, %get3A_611, %get3A_612] {strides = array<i32>} : memref<2x32x512xf32, #tpu.memory_space<vmem>>, vector<1x1x16xf32>,
      %get3A_614 = vector.shape_cast %get3A_613 : vector<1x1x16xf32> to vector<16xf32>
      %mul3A_615 = arith.mulf %get3A_614, %get3A_614 : vector<16xf32>
      %add3A_616 = arith.addf %add3A_608, %mul3A_615 : vector<16xf32>
      %add3A_617 = arith.constant 0 : i32
      %add3A_618 = arith.addi %add3A_617, %add3A_358 : i32
      %mul3A_619 = arith.constant 16 : i32
      %mul3A_620 = arith.muli %add3A_618, %mul3A_619 : i32
      %swap3A_621 = arith.index_cast %mul3A_620 : i32 to index
      %swap3A_622 = tpu.vector_load %arg6[%swap3A_621] {strides = array<i32>} : memref<1024xf32, #tpu.memory_space<vmem>>, vector<16xf32>,
      %swap3A_623 = vector.shape_cast %swap3A_622 : vector<16xf32> to vector<16xf32>
      %swap3A_624 = vector.shape_cast %add3A_616 : vector<16xf32> to vector<16xf32>
      tpu.vector_store %arg6[%swap3A_621], %swap3A_624 {strides = array<i32>} : memref<1024xf32, #tpu.memory_space<vmem>>, vector<16xf32>,
      %mul3A_625 = arith.constant 4 : i32
      %mul3A_626 = arith.muli %scan3A_85, %mul3A_625 : i32
      %add3A_627 = arith.constant 2 : i32
      %add3A_628 = arith.addi %mul3A_626, %add3A_627 : i32
      %broadcast_in_dim3A_629 = arith.constant 0.000000e+00 : f32
      %broadcast_in_dim3A_630 = vector.broadcast %broadcast_in_dim3A_629 : f32 to vector<16xf32>
      %get3A_631 = arith.constant 0 : i32
      %get3A_632 = arith.index_cast %get3A_631 : i32 to index
      %get3A_633 = arith.index_cast %add3A_628 : i32 to index
      %get3A_634 = arith.constant 0 : index
      %get3A_635 = tpu.vector_load %arg5[%get3A_632, %get3A_633, %get3A_634] {strides = array<i32>} : memref<2x32x512xf32, #tpu.memory_space<vmem>>, vector<1x1x16xf32>,
      %get3A_636 = vector.shape_cast %get3A_635 : vector<1x1x16xf32> to vector<16xf32>
      %mul3A_637 = arith.mulf %get3A_636, %get3A_636 : vector<16xf32>
      %add3A_638 = arith.addf %broadcast_in_dim3A_630, %mul3A_637 : vector<16xf32>
      %get3A_639 = arith.constant 0 : i32
      %get3A_640 = arith.index_cast %get3A_639 : i32 to index
      %get3A_641 = arith.index_cast %add3A_628 : i32 to index
      %get3A_642 = arith.constant 16 : index
      %get3A_643 = tpu.vector_load %arg5[%get3A_640, %get3A_641, %get3A_642] {strides = array<i32>} : memref<2x32x512xf32, #tpu.memory_space<vmem>>, vector<1x1x16xf32>,
      %get3A_644 = vector.shape_cast %get3A_643 : vector<1x1x16xf32> to vector<16xf32>
      %mul3A_645 = arith.mulf %get3A_644, %get3A_644 : vector<16xf32>
      %add3A_646 = arith.addf %add3A_638, %mul3A_645 : vector<16xf32>
      %get3A_647 = arith.constant 0 : i32
      %get3A_648 = arith.index_cast %get3A_647 : i32 to index
      %get3A_649 = arith.index_cast %add3A_628 : i32 to index
      %get3A_650 = arith.constant 32 : index
      %get3A_651 = tpu.vector_load %arg5[%get3A_648, %get3A_649, %get3A_650] {strides = array<i32>} : memref<2x32x512xf32, #tpu.memory_space<vmem>>, vector<1x1x16xf32>,
      %get3A_652 = vector.shape_cast %get3A_651 : vector<1x1x16xf32> to vector<16xf32>
      %mul3A_653 = arith.mulf %get3A_652, %get3A_652 : vector<16xf32>
      %add3A_654 = arith.addf %add3A_646, %mul3A_653 : vector<16xf32>
      %get3A_655 = arith.constant 0 : i32
      %get3A_656 = arith.index_cast %get3A_655 : i32 to index
      %get3A_657 = arith.index_cast %add3A_628 : i32 to index
      %get3A_658 = arith.constant 48 : index
      %get3A_659 = tpu.vector_load %arg5[%get3A_656, %get3A_657, %get3A_658] {strides = array<i32>} : memref<2x32x512xf32, #tpu.memory_space<vmem>>, vector<1x1x16xf32>,
      %get3A_660 = vector.shape_cast %get3A_659 : vector<1x1x16xf32> to vector<16xf32>
      %mul3A_661 = arith.mulf %get3A_660, %get3A_660 : vector<16xf32>
      %add3A_662 = arith.addf %add3A_654, %mul3A_661 : vector<16xf32>
      %get3A_663 = arith.constant 0 : i32
      %get3A_664 = arith.index_cast %get3A_663 : i32 to index
      %get3A_665 = arith.index_cast %add3A_628 : i32 to index
      %get3A_666 = arith.constant 64 : index
      %get3A_667 = tpu.vector_load %arg5[%get3A_664, %get3A_665, %get3A_666] {strides = array<i32>} : memref<2x32x512xf32, #tpu.memory_space<vmem>>, vector<1x1x16xf32>,
      %get3A_668 = vector.shape_cast %get3A_667 : vector<1x1x16xf32> to vector<16xf32>
      %mul3A_669 = arith.mulf %get3A_668, %get3A_668 : vector<16xf32>
      %add3A_670 = arith.addf %add3A_662, %mul3A_669 : vector<16xf32>
      %get3A_671 = arith.constant 0 : i32
      %get3A_672 = arith.index_cast %get3A_671 : i32 to index
      %get3A_673 = arith.index_cast %add3A_628 : i32 to index
      %get3A_674 = arith.constant 80 : index
      %get3A_675 = tpu.vector_load %arg5[%get3A_672, %get3A_673, %get3A_674] {strides = array<i32>} : memref<2x32x512xf32, #tpu.memory_space<vmem>>, vector<1x1x16xf32>,
      %get3A_676 = vector.shape_cast %get3A_675 : vector<1x1x16xf32> to vector<16xf32>
      %mul3A_677 = arith.mulf %get3A_676, %get3A_676 : vector<16xf32>
      %add3A_678 = arith.addf %add3A_670, %mul3A_677 : vector<16xf32>
      %get3A_679 = arith.constant 0 : i32
      %get3A_680 = arith.index_cast %get3A_679 : i32 to index
      %get3A_681 = arith.index_cast %add3A_628 : i32 to index
      %get3A_682 = arith.constant 96 : index
      %get3A_683 = tpu.vector_load %arg5[%get3A_680, %get3A_681, %get3A_682] {strides = array<i32>} : memref<2x32x512xf32, #tpu.memory_space<vmem>>, vector<1x1x16xf32>,
      %get3A_684 = vector.shape_cast %get3A_683 : vector<1x1x16xf32> to vector<16xf32>
      %mul3A_685 = arith.mulf %get3A_684, %get3A_684 : vector<16xf32>
      %add3A_686 = arith.addf %add3A_678, %mul3A_685 : vector<16xf32>
      %get3A_687 = arith.constant 0 : i32
      %get3A_688 = arith.index_cast %get3A_687 : i32 to index
      %get3A_689 = arith.index_cast %add3A_628 : i32 to index
      %get3A_690 = arith.constant 112 : index
      %get3A_691 = tpu.vector_load %arg5[%get3A_688, %get3A_689, %get3A_690] {strides = array<i32>} : memref<2x32x512xf32, #tpu.memory_space<vmem>>, vector<1x1x16xf32>,
      %get3A_692 = vector.shape_cast %get3A_691 : vector<1x1x16xf32> to vector<16xf32>
      %mul3A_693 = arith.mulf %get3A_692, %get3A_692 : vector<16xf32>
      %add3A_694 = arith.addf %add3A_686, %mul3A_693 : vector<16xf32>
      %get3A_695 = arith.constant 0 : i32
      %get3A_696 = arith.index_cast %get3A_695 : i32 to index
      %get3A_697 = arith.index_cast %add3A_628 : i32 to index
      %get3A_698 = arith.constant 128 : index
      %get3A_699 = tpu.vector_load %arg5[%get3A_696, %get3A_697, %get3A_698] {strides = array<i32>} : memref<2x32x512xf32, #tpu.memory_space<vmem>>, vector<1x1x16xf32>,
      %get3A_700 = vector.shape_cast %get3A_699 : vector<1x1x16xf32> to vector<16xf32>
      %mul3A_701 = arith.mulf %get3A_700, %get3A_700 : vector<16xf32>
      %add3A_702 = arith.addf %add3A_694, %mul3A_701 : vector<16xf32>
      %get3A_703 = arith.constant 0 : i32
      %get3A_704 = arith.index_cast %get3A_703 : i32 to index
      %get3A_705 = arith.index_cast %add3A_628 : i32 to index
      %get3A_706 = arith.constant 144 : index
      %get3A_707 = tpu.vector_load %arg5[%get3A_704, %get3A_705, %get3A_706] {strides = array<i32>} : memref<2x32x512xf32, #tpu.memory_space<vmem>>, vector<1x1x16xf32>,
      %get3A_708 = vector.shape_cast %get3A_707 : vector<1x1x16xf32> to vector<16xf32>
      %mul3A_709 = arith.mulf %get3A_708, %get3A_708 : vector<16xf32>
      %add3A_710 = arith.addf %add3A_702, %mul3A_709 : vector<16xf32>
      %get3A_711 = arith.constant 0 : i32
      %get3A_712 = arith.index_cast %get3A_711 : i32 to index
      %get3A_713 = arith.index_cast %add3A_628 : i32 to index
      %get3A_714 = arith.constant 160 : index
      %get3A_715 = tpu.vector_load %arg5[%get3A_712, %get3A_713, %get3A_714] {strides = array<i32>} : memref<2x32x512xf32, #tpu.memory_space<vmem>>, vector<1x1x16xf32>,
      %get3A_716 = vector.shape_cast %get3A_715 : vector<1x1x16xf32> to vector<16xf32>
      %mul3A_717 = arith.mulf %get3A_716, %get3A_716 : vector<16xf32>
      %add3A_718 = arith.addf %add3A_710, %mul3A_717 : vector<16xf32>
      %get3A_719 = arith.constant 0 : i32
      %get3A_720 = arith.index_cast %get3A_719 : i32 to index
      %get3A_721 = arith.index_cast %add3A_628 : i32 to index
      %get3A_722 = arith.constant 176 : index
      %get3A_723 = tpu.vector_load %arg5[%get3A_720, %get3A_721, %get3A_722] {strides = array<i32>} : memref<2x32x512xf32, #tpu.memory_space<vmem>>, vector<1x1x16xf32>,
      %get3A_724 = vector.shape_cast %get3A_723 : vector<1x1x16xf32> to vector<16xf32>
      %mul3A_725 = arith.mulf %get3A_724, %get3A_724 : vector<16xf32>
      %add3A_726 = arith.addf %add3A_718, %mul3A_725 : vector<16xf32>
      %get3A_727 = arith.constant 0 : i32
      %get3A_728 = arith.index_cast %get3A_727 : i32 to index
      %get3A_729 = arith.index_cast %add3A_628 : i32 to index
      %get3A_730 = arith.constant 192 : index
      %get3A_731 = tpu.vector_load %arg5[%get3A_728, %get3A_729, %get3A_730] {strides = array<i32>} : memref<2x32x512xf32, #tpu.memory_space<vmem>>, vector<1x1x16xf32>,
      %get3A_732 = vector.shape_cast %get3A_731 : vector<1x1x16xf32> to vector<16xf32>
      %mul3A_733 = arith.mulf %get3A_732, %get3A_732 : vector<16xf32>
      %add3A_734 = arith.addf %add3A_726, %mul3A_733 : vector<16xf32>
      %get3A_735 = arith.constant 0 : i32
      %get3A_736 = arith.index_cast %get3A_735 : i32 to index
      %get3A_737 = arith.index_cast %add3A_628 : i32 to index
      %get3A_738 = arith.constant 208 : index
      %get3A_739 = tpu.vector_load %arg5[%get3A_736, %get3A_737, %get3A_738] {strides = array<i32>} : memref<2x32x512xf32, #tpu.memory_space<vmem>>, vector<1x1x16xf32>,
      %get3A_740 = vector.shape_cast %get3A_739 : vector<1x1x16xf32> to vector<16xf32>
      %mul3A_741 = arith.mulf %get3A_740, %get3A_740 : vector<16xf32>
      %add3A_742 = arith.addf %add3A_734, %mul3A_741 : vector<16xf32>
      %get3A_743 = arith.constant 0 : i32
      %get3A_744 = arith.index_cast %get3A_743 : i32 to index
      %get3A_745 = arith.index_cast %add3A_628 : i32 to index
      %get3A_746 = arith.constant 224 : index
      %get3A_747 = tpu.vector_load %arg5[%get3A_744, %get3A_745, %get3A_746] {strides = array<i32>} : memref<2x32x512xf32, #tpu.memory_space<vmem>>, vector<1x1x16xf32>,
      %get3A_748 = vector.shape_cast %get3A_747 : vector<1x1x16xf32> to vector<16xf32>
      %mul3A_749 = arith.mulf %get3A_748, %get3A_748 : vector<16xf32>
      %add3A_750 = arith.addf %add3A_742, %mul3A_749 : vector<16xf32>
      %get3A_751 = arith.constant 0 : i32
      %get3A_752 = arith.index_cast %get3A_751 : i32 to index
      %get3A_753 = arith.index_cast %add3A_628 : i32 to index
      %get3A_754 = arith.constant 240 : index
      %get3A_755 = tpu.vector_load %arg5[%get3A_752, %get3A_753, %get3A_754] {strides = array<i32>} : memref<2x32x512xf32, #tpu.memory_space<vmem>>, vector<1x1x16xf32>,
      %get3A_756 = vector.shape_cast %get3A_755 : vector<1x1x16xf32> to vector<16xf32>
      %mul3A_757 = arith.mulf %get3A_756, %get3A_756 : vector<16xf32>
      %add3A_758 = arith.addf %add3A_750, %mul3A_757 : vector<16xf32>
      %get3A_759 = arith.constant 0 : i32
      %get3A_760 = arith.index_cast %get3A_759 : i32 to index
      %get3A_761 = arith.index_cast %add3A_628 : i32 to index
      %get3A_762 = arith.constant 256 : index
      %get3A_763 = tpu.vector_load %arg5[%get3A_760, %get3A_761, %get3A_762] {strides = array<i32>} : memref<2x32x512xf32, #tpu.memory_space<vmem>>, vector<1x1x16xf32>,
      %get3A_764 = vector.shape_cast %get3A_763 : vector<1x1x16xf32> to vector<16xf32>
      %mul3A_765 = arith.mulf %get3A_764, %get3A_764 : vector<16xf32>
      %add3A_766 = arith.addf %add3A_758, %mul3A_765 : vector<16xf32>
      %get3A_767 = arith.constant 0 : i32
      %get3A_768 = arith.index_cast %get3A_767 : i32 to index
      %get3A_769 = arith.index_cast %add3A_628 : i32 to index
      %get3A_770 = arith.constant 272 : index
      %get3A_771 = tpu.vector_load %arg5[%get3A_768, %get3A_769, %get3A_770] {strides = array<i32>} : memref<2x32x512xf32, #tpu.memory_space<vmem>>, vector<1x1x16xf32>,
      %get3A_772 = vector.shape_cast %get3A_771 : vector<1x1x16xf32> to vector<16xf32>
      %mul3A_773 = arith.mulf %get3A_772, %get3A_772 : vector<16xf32>
      %add3A_774 = arith.addf %add3A_766, %mul3A_773 : vector<16xf32>
      %get3A_775 = arith.constant 0 : i32
      %get3A_776 = arith.index_cast %get3A_775 : i32 to index
      %get3A_777 = arith.index_cast %add3A_628 : i32 to index
      %get3A_778 = arith.constant 288 : index
      %get3A_779 = tpu.vector_load %arg5[%get3A_776, %get3A_777, %get3A_778] {strides = array<i32>} : memref<2x32x512xf32, #tpu.memory_space<vmem>>, vector<1x1x16xf32>,
      %get3A_780 = vector.shape_cast %get3A_779 : vector<1x1x16xf32> to vector<16xf32>
      %mul3A_781 = arith.mulf %get3A_780, %get3A_780 : vector<16xf32>
      %add3A_782 = arith.addf %add3A_774, %mul3A_781 : vector<16xf32>
      %get3A_783 = arith.constant 0 : i32
      %get3A_784 = arith.index_cast %get3A_783 : i32 to index
      %get3A_785 = arith.index_cast %add3A_628 : i32 to index
      %get3A_786 = arith.constant 304 : index
      %get3A_787 = tpu.vector_load %arg5[%get3A_784, %get3A_785, %get3A_786] {strides = array<i32>} : memref<2x32x512xf32, #tpu.memory_space<vmem>>, vector<1x1x16xf32>,
      %get3A_788 = vector.shape_cast %get3A_787 : vector<1x1x16xf32> to vector<16xf32>
      %mul3A_789 = arith.mulf %get3A_788, %get3A_788 : vector<16xf32>
      %add3A_790 = arith.addf %add3A_782, %mul3A_789 : vector<16xf32>
      %get3A_791 = arith.constant 0 : i32
      %get3A_792 = arith.index_cast %get3A_791 : i32 to index
      %get3A_793 = arith.index_cast %add3A_628 : i32 to index
      %get3A_794 = arith.constant 320 : index
      %get3A_795 = tpu.vector_load %arg5[%get3A_792, %get3A_793, %get3A_794] {strides = array<i32>} : memref<2x32x512xf32, #tpu.memory_space<vmem>>, vector<1x1x16xf32>,
      %get3A_796 = vector.shape_cast %get3A_795 : vector<1x1x16xf32> to vector<16xf32>
      %mul3A_797 = arith.mulf %get3A_796, %get3A_796 : vector<16xf32>
      %add3A_798 = arith.addf %add3A_790, %mul3A_797 : vector<16xf32>
      %get3A_799 = arith.constant 0 : i32
      %get3A_800 = arith.index_cast %get3A_799 : i32 to index
      %get3A_801 = arith.index_cast %add3A_628 : i32 to index
      %get3A_802 = arith.constant 336 : index
      %get3A_803 = tpu.vector_load %arg5[%get3A_800, %get3A_801, %get3A_802] {strides = array<i32>} : memref<2x32x512xf32, #tpu.memory_space<vmem>>, vector<1x1x16xf32>,
      %get3A_804 = vector.shape_cast %get3A_803 : vector<1x1x16xf32> to vector<16xf32>
      %mul3A_805 = arith.mulf %get3A_804, %get3A_804 : vector<16xf32>
      %add3A_806 = arith.addf %add3A_798, %mul3A_805 : vector<16xf32>
      %get3A_807 = arith.constant 0 : i32
      %get3A_808 = arith.index_cast %get3A_807 : i32 to index
      %get3A_809 = arith.index_cast %add3A_628 : i32 to index
      %get3A_810 = arith.constant 352 : index
      %get3A_811 = tpu.vector_load %arg5[%get3A_808, %get3A_809, %get3A_810] {strides = array<i32>} : memref<2x32x512xf32, #tpu.memory_space<vmem>>, vector<1x1x16xf32>,
      %get3A_812 = vector.shape_cast %get3A_811 : vector<1x1x16xf32> to vector<16xf32>
      %mul3A_813 = arith.mulf %get3A_812, %get3A_812 : vector<16xf32>
      %add3A_814 = arith.addf %add3A_806, %mul3A_813 : vector<16xf32>
      %get3A_815 = arith.constant 0 : i32
      %get3A_816 = arith.index_cast %get3A_815 : i32 to index
      %get3A_817 = arith.index_cast %add3A_628 : i32 to index
      %get3A_818 = arith.constant 368 : index
      %get3A_819 = tpu.vector_load %arg5[%get3A_816, %get3A_817, %get3A_818] {strides = array<i32>} : memref<2x32x512xf32, #tpu.memory_space<vmem>>, vector<1x1x16xf32>,
      %get3A_820 = vector.shape_cast %get3A_819 : vector<1x1x16xf32> to vector<16xf32>
      %mul3A_821 = arith.mulf %get3A_820, %get3A_820 : vector<16xf32>
      %add3A_822 = arith.addf %add3A_814, %mul3A_821 : vector<16xf32>
      %get3A_823 = arith.constant 0 : i32
      %get3A_824 = arith.index_cast %get3A_823 : i32 to index
      %get3A_825 = arith.index_cast %add3A_628 : i32 to index
      %get3A_826 = arith.constant 384 : index
      %get3A_827 = tpu.vector_load %arg5[%get3A_824, %get3A_825, %get3A_826] {strides = array<i32>} : memref<2x32x512xf32, #tpu.memory_space<vmem>>, vector<1x1x16xf32>,
      %get3A_828 = vector.shape_cast %get3A_827 : vector<1x1x16xf32> to vector<16xf32>
      %mul3A_829 = arith.mulf %get3A_828, %get3A_828 : vector<16xf32>
      %add3A_830 = arith.addf %add3A_822, %mul3A_829 : vector<16xf32>
      %get3A_831 = arith.constant 0 : i32
      %get3A_832 = arith.index_cast %get3A_831 : i32 to index
      %get3A_833 = arith.index_cast %add3A_628 : i32 to index
      %get3A_834 = arith.constant 400 : index
      %get3A_835 = tpu.vector_load %arg5[%get3A_832, %get3A_833, %get3A_834] {strides = array<i32>} : memref<2x32x512xf32, #tpu.memory_space<vmem>>, vector<1x1x16xf32>,
      %get3A_836 = vector.shape_cast %get3A_835 : vector<1x1x16xf32> to vector<16xf32>
      %mul3A_837 = arith.mulf %get3A_836, %get3A_836 : vector<16xf32>
      %add3A_838 = arith.addf %add3A_830, %mul3A_837 : vector<16xf32>
      %get3A_839 = arith.constant 0 : i32
      %get3A_840 = arith.index_cast %get3A_839 : i32 to index
      %get3A_841 = arith.index_cast %add3A_628 : i32 to index
      %get3A_842 = arith.constant 416 : index
      %get3A_843 = tpu.vector_load %arg5[%get3A_840, %get3A_841, %get3A_842] {strides = array<i32>} : memref<2x32x512xf32, #tpu.memory_space<vmem>>, vector<1x1x16xf32>,
      %get3A_844 = vector.shape_cast %get3A_843 : vector<1x1x16xf32> to vector<16xf32>
      %mul3A_845 = arith.mulf %get3A_844, %get3A_844 : vector<16xf32>
      %add3A_846 = arith.addf %add3A_838, %mul3A_845 : vector<16xf32>
      %get3A_847 = arith.constant 0 : i32
      %get3A_848 = arith.index_cast %get3A_847 : i32 to index
      %get3A_849 = arith.index_cast %add3A_628 : i32 to index
      %get3A_850 = arith.constant 432 : index
      %get3A_851 = tpu.vector_load %arg5[%get3A_848, %get3A_849, %get3A_850] {strides = array<i32>} : memref<2x32x512xf32, #tpu.memory_space<vmem>>, vector<1x1x16xf32>,
      %get3A_852 = vector.shape_cast %get3A_851 : vector<1x1x16xf32> to vector<16xf32>
      %mul3A_853 = arith.mulf %get3A_852, %get3A_852 : vector<16xf32>
      %add3A_854 = arith.addf %add3A_846, %mul3A_853 : vector<16xf32>
      %get3A_855 = arith.constant 0 : i32
      %get3A_856 = arith.index_cast %get3A_855 : i32 to index
      %get3A_857 = arith.index_cast %add3A_628 : i32 to index
      %get3A_858 = arith.constant 448 : index
      %get3A_859 = tpu.vector_load %arg5[%get3A_856, %get3A_857, %get3A_858] {strides = array<i32>} : memref<2x32x512xf32, #tpu.memory_space<vmem>>, vector<1x1x16xf32>,
      %get3A_860 = vector.shape_cast %get3A_859 : vector<1x1x16xf32> to vector<16xf32>
      %mul3A_861 = arith.mulf %get3A_860, %get3A_860 : vector<16xf32>
      %add3A_862 = arith.addf %add3A_854, %mul3A_861 : vector<16xf32>
      %get3A_863 = arith.constant 0 : i32
      %get3A_864 = arith.index_cast %get3A_863 : i32 to index
      %get3A_865 = arith.index_cast %add3A_628 : i32 to index
      %get3A_866 = arith.constant 464 : index
      %get3A_867 = tpu.vector_load %arg5[%get3A_864, %get3A_865, %get3A_866] {strides = array<i32>} : memref<2x32x512xf32, #tpu.memory_space<vmem>>, vector<1x1x16xf32>,
      %get3A_868 = vector.shape_cast %get3A_867 : vector<1x1x16xf32> to vector<16xf32>
      %mul3A_869 = arith.mulf %get3A_868, %get3A_868 : vector<16xf32>
      %add3A_870 = arith.addf %add3A_862, %mul3A_869 : vector<16xf32>
      %get3A_871 = arith.constant 0 : i32
      %get3A_872 = arith.index_cast %get3A_871 : i32 to index
      %get3A_873 = arith.index_cast %add3A_628 : i32 to index
      %get3A_874 = arith.constant 480 : index
      %get3A_875 = tpu.vector_load %arg5[%get3A_872, %get3A_873, %get3A_874] {strides = array<i32>} : memref<2x32x512xf32, #tpu.memory_space<vmem>>, vector<1x1x16xf32>,
      %get3A_876 = vector.shape_cast %get3A_875 : vector<1x1x16xf32> to vector<16xf32>
      %mul3A_877 = arith.mulf %get3A_876, %get3A_876 : vector<16xf32>
      %add3A_878 = arith.addf %add3A_870, %mul3A_877 : vector<16xf32>
      %get3A_879 = arith.constant 0 : i32
      %get3A_880 = arith.index_cast %get3A_879 : i32 to index
      %get3A_881 = arith.index_cast %add3A_628 : i32 to index
      %get3A_882 = arith.constant 496 : index
      %get3A_883 = tpu.vector_load %arg5[%get3A_880, %get3A_881, %get3A_882] {strides = array<i32>} : memref<2x32x512xf32, #tpu.memory_space<vmem>>, vector<1x1x16xf32>,
      %get3A_884 = vector.shape_cast %get3A_883 : vector<1x1x16xf32> to vector<16xf32>
      %mul3A_885 = arith.mulf %get3A_884, %get3A_884 : vector<16xf32>
      %add3A_886 = arith.addf %add3A_878, %mul3A_885 : vector<16xf32>
      %add3A_887 = arith.constant 0 : i32
      %add3A_888 = arith.addi %add3A_887, %add3A_628 : i32
      %mul3A_889 = arith.constant 16 : i32
      %mul3A_890 = arith.muli %add3A_888, %mul3A_889 : i32
      %swap3A_891 = arith.index_cast %mul3A_890 : i32 to index
      %swap3A_892 = tpu.vector_load %arg6[%swap3A_891] {strides = array<i32>} : memref<1024xf32, #tpu.memory_space<vmem>>, vector<16xf32>,
      %swap3A_893 = vector.shape_cast %swap3A_892 : vector<16xf32> to vector<16xf32>
      %swap3A_894 = vector.shape_cast %add3A_886 : vector<16xf32> to vector<16xf32>
      tpu.vector_store %arg6[%swap3A_891], %swap3A_894 {strides = array<i32>} : memref<1024xf32, #tpu.memory_space<vmem>>, vector<16xf32>,
      %mul3A_895 = arith.constant 4 : i32
      %mul3A_896 = arith.muli %scan3A_85, %mul3A_895 : i32
      %add3A_897 = arith.constant 3 : i32
      %add3A_898 = arith.addi %mul3A_896, %add3A_897 : i32
      %broadcast_in_dim3A_899 = arith.constant 0.000000e+00 : f32
      %broadcast_in_dim3A_900 = vector.broadcast %broadcast_in_dim3A_899 : f32 to vector<16xf32>
      %get3A_901 = arith.constant 0 : i32
      %get3A_902 = arith.index_cast %get3A_901 : i32 to index
      %get3A_903 = arith.index_cast %add3A_898 : i32 to index
      %get3A_904 = arith.constant 0 : index
      %get3A_905 = tpu.vector_load %arg5[%get3A_902, %get3A_903, %get3A_904] {strides = array<i32>} : memref<2x32x512xf32, #tpu.memory_space<vmem>>, vector<1x1x16xf32>,
      %get3A_906 = vector.shape_cast %get3A_905 : vector<1x1x16xf32> to vector<16xf32>
      %mul3A_907 = arith.mulf %get3A_906, %get3A_906 : vector<16xf32>
      %add3A_908 = arith.addf %broadcast_in_dim3A_900, %mul3A_907 : vector<16xf32>
      %get3A_909 = arith.constant 0 : i32
      %get3A_910 = arith.index_cast %get3A_909 : i32 to index
      %get3A_911 = arith.index_cast %add3A_898 : i32 to index
      %get3A_912 = arith.constant 16 : index
      %get3A_913 = tpu.vector_load %arg5[%get3A_910, %get3A_911, %get3A_912] {strides = array<i32>} : memref<2x32x512xf32, #tpu.memory_space<vmem>>, vector<1x1x16xf32>,
      %get3A_914 = vector.shape_cast %get3A_913 : vector<1x1x16xf32> to vector<16xf32>
      %mul3A_915 = arith.mulf %get3A_914, %get3A_914 : vector<16xf32>
      %add3A_916 = arith.addf %add3A_908, %mul3A_915 : vector<16xf32>
      %get3A_917 = arith.constant 0 : i32
      %get3A_918 = arith.index_cast %get3A_917 : i32 to index
      %get3A_919 = arith.index_cast %add3A_898 : i32 to index
      %get3A_920 = arith.constant 32 : index
      %get3A_921 = tpu.vector_load %arg5[%get3A_918, %get3A_919, %get3A_920] {strides = array<i32>} : memref<2x32x512xf32, #tpu.memory_space<vmem>>, vector<1x1x16xf32>,
      %get3A_922 = vector.shape_cast %get3A_921 : vector<1x1x16xf32> to vector<16xf32>
      %mul3A_923 = arith.mulf %get3A_922, %get3A_922 : vector<16xf32>
      %add3A_924 = arith.addf %add3A_916, %mul3A_923 : vector<16xf32>
      %get3A_925 = arith.constant 0 : i32
      %get3A_926 = arith.index_cast %get3A_925 : i32 to index
      %get3A_927 = arith.index_cast %add3A_898 : i32 to index
      %get3A_928 = arith.constant 48 : index
      %get3A_929 = tpu.vector_load %arg5[%get3A_926, %get3A_927, %get3A_928] {strides = array<i32>} : memref<2x32x512xf32, #tpu.memory_space<vmem>>, vector<1x1x16xf32>,
      %get3A_930 = vector.shape_cast %get3A_929 : vector<1x1x16xf32> to vector<16xf32>
      %mul3A_931 = arith.mulf %get3A_930, %get3A_930 : vector<16xf32>
      %add3A_932 = arith.addf %add3A_924, %mul3A_931 : vector<16xf32>
      %get3A_933 = arith.constant 0 : i32
      %get3A_934 = arith.index_cast %get3A_933 : i32 to index
      %get3A_935 = arith.index_cast %add3A_898 : i32 to index
      %get3A_936 = arith.constant 64 : index
      %get3A_937 = tpu.vector_load %arg5[%get3A_934, %get3A_935, %get3A_936] {strides = array<i32>} : memref<2x32x512xf32, #tpu.memory_space<vmem>>, vector<1x1x16xf32>,
      %get3A_938 = vector.shape_cast %get3A_937 : vector<1x1x16xf32> to vector<16xf32>
      %mul3A_939 = arith.mulf %get3A_938, %get3A_938 : vector<16xf32>
      %add3A_940 = arith.addf %add3A_932, %mul3A_939 : vector<16xf32>
      %get3A_941 = arith.constant 0 : i32
      %get3A_942 = arith.index_cast %get3A_941 : i32 to index
      %get3A_943 = arith.index_cast %add3A_898 : i32 to index
      %get3A_944 = arith.constant 80 : index
      %get3A_945 = tpu.vector_load %arg5[%get3A_942, %get3A_943, %get3A_944] {strides = array<i32>} : memref<2x32x512xf32, #tpu.memory_space<vmem>>, vector<1x1x16xf32>,
      %get3A_946 = vector.shape_cast %get3A_945 : vector<1x1x16xf32> to vector<16xf32>
      %mul3A_947 = arith.mulf %get3A_946, %get3A_946 : vector<16xf32>
      %add3A_948 = arith.addf %add3A_940, %mul3A_947 : vector<16xf32>
      %get3A_949 = arith.constant 0 : i32
      %get3A_950 = arith.index_cast %get3A_949 : i32 to index
      %get3A_951 = arith.index_cast %add3A_898 : i32 to index
      %get3A_952 = arith.constant 96 : index
      %get3A_953 = tpu.vector_load %arg5[%get3A_950, %get3A_951, %get3A_952] {strides = array<i32>} : memref<2x32x512xf32, #tpu.memory_space<vmem>>, vector<1x1x16xf32>,
      %get3A_954 = vector.shape_cast %get3A_953 : vector<1x1x16xf32> to vector<16xf32>
      %mul3A_955 = arith.mulf %get3A_954, %get3A_954 : vector<16xf32>
      %add3A_956 = arith.addf %add3A_948, %mul3A_955 : vector<16xf32>
      %get3A_957 = arith.constant 0 : i32
      %get3A_958 = arith.index_cast %get3A_957 : i32 to index
      %get3A_959 = arith.index_cast %add3A_898 : i32 to index
      %get3A_960 = arith.constant 112 : index
      %get3A_961 = tpu.vector_load %arg5[%get3A_958, %get3A_959, %get3A_960] {strides = array<i32>} : memref<2x32x512xf32, #tpu.memory_space<vmem>>, vector<1x1x16xf32>,
      %get3A_962 = vector.shape_cast %get3A_961 : vector<1x1x16xf32> to vector<16xf32>
      %mul3A_963 = arith.mulf %get3A_962, %get3A_962 : vector<16xf32>
      %add3A_964 = arith.addf %add3A_956, %mul3A_963 : vector<16xf32>
      %get3A_965 = arith.constant 0 : i32
      %get3A_966 = arith.index_cast %get3A_965 : i32 to index
      %get3A_967 = arith.index_cast %add3A_898 : i32 to index
      %get3A_968 = arith.constant 128 : index
      %get3A_969 = tpu.vector_load %arg5[%get3A_966, %get3A_967, %get3A_968] {strides = array<i32>} : memref<2x32x512xf32, #tpu.memory_space<vmem>>, vector<1x1x16xf32>,
      %get3A_970 = vector.shape_cast %get3A_969 : vector<1x1x16xf32> to vector<16xf32>
      %mul3A_971 = arith.mulf %get3A_970, %get3A_970 : vector<16xf32>
      %add3A_972 = arith.addf %add3A_964, %mul3A_971 : vector<16xf32>
      %get3A_973 = arith.constant 0 : i32
      %get3A_974 = arith.index_cast %get3A_973 : i32 to index
      %get3A_975 = arith.index_cast %add3A_898 : i32 to index
      %get3A_976 = arith.constant 144 : index
      %get3A_977 = tpu.vector_load %arg5[%get3A_974, %get3A_975, %get3A_976] {strides = array<i32>} : memref<2x32x512xf32, #tpu.memory_space<vmem>>, vector<1x1x16xf32>,
      %get3A_978 = vector.shape_cast %get3A_977 : vector<1x1x16xf32> to vector<16xf32>
      %mul3A_979 = arith.mulf %get3A_978, %get3A_978 : vector<16xf32>
      %add3A_980 = arith.addf %add3A_972, %mul3A_979 : vector<16xf32>
      %get3A_981 = arith.constant 0 : i32
      %get3A_982 = arith.index_cast %get3A_981 : i32 to index
      %get3A_983 = arith.index_cast %add3A_898 : i32 to index
      %get3A_984 = arith.constant 160 : index
      %get3A_985 = tpu.vector_load %arg5[%get3A_982, %get3A_983, %get3A_984] {strides = array<i32>} : memref<2x32x512xf32, #tpu.memory_space<vmem>>, vector<1x1x16xf32>,
      %get3A_986 = vector.shape_cast %get3A_985 : vector<1x1x16xf32> to vector<16xf32>
      %mul3A_987 = arith.mulf %get3A_986, %get3A_986 : vector<16xf32>
      %add3A_988 = arith.addf %add3A_980, %mul3A_987 : vector<16xf32>
      %get3A_989 = arith.constant 0 : i32
      %get3A_990 = arith.index_cast %get3A_989 : i32 to index
      %get3A_991 = arith.index_cast %add3A_898 : i32 to index
      %get3A_992 = arith.constant 176 : index
      %get3A_993 = tpu.vector_load %arg5[%get3A_990, %get3A_991, %get3A_992] {strides = array<i32>} : memref<2x32x512xf32, #tpu.memory_space<vmem>>, vector<1x1x16xf32>,
      %get3A_994 = vector.shape_cast %get3A_993 : vector<1x1x16xf32> to vector<16xf32>
      %mul3A_995 = arith.mulf %get3A_994, %get3A_994 : vector<16xf32>
      %add3A_996 = arith.addf %add3A_988, %mul3A_995 : vector<16xf32>
      %get3A_997 = arith.constant 0 : i32
      %get3A_998 = arith.index_cast %get3A_997 : i32 to index
      %get3A_999 = arith.index_cast %add3A_898 : i32 to index
      %get3A_1000 = arith.constant 192 : index
      %get3A_1001 = tpu.vector_load %arg5[%get3A_998, %get3A_999, %get3A_1000] {strides = array<i32>} : memref<2x32x512xf32, #tpu.memory_space<vmem>>, vector<1x1x16xf32>,
      %get3A_1002 = vector.shape_cast %get3A_1001 : vector<1x1x16xf32> to vector<16xf32>
      %mul3A_1003 = arith.mulf %get3A_1002, %get3A_1002 : vector<16xf32>
      %add3A_1004 = arith.addf %add3A_996, %mul3A_1003 : vector<16xf32>
      %get3A_1005 = arith.constant 0 : i32
      %get3A_1006 = arith.index_cast %get3A_1005 : i32 to index
      %get3A_1007 = arith.index_cast %add3A_898 : i32 to index
      %get3A_1008 = arith.constant 208 : index
      %get3A_1009 = tpu.vector_load %arg5[%get3A_1006, %get3A_1007, %get3A_1008] {strides = array<i32>} : memref<2x32x512xf32, #tpu.memory_space<vmem>>, vector<1x1x16xf32>,
      %get3A_1010 = vector.shape_cast %get3A_1009 : vector<1x1x16xf32> to vector<16xf32>
      %mul3A_1011 = arith.mulf %get3A_1010, %get3A_1010 : vector<16xf32>
      %add3A_1012 = arith.addf %add3A_1004, %mul3A_1011 : vector<16xf32>
      %get3A_1013 = arith.constant 0 : i32
      %get3A_1014 = arith.index_cast %get3A_1013 : i32 to index
      %get3A_1015 = arith.index_cast %add3A_898 : i32 to index
      %get3A_1016 = arith.constant 224 : index
      %get3A_1017 = tpu.vector_load %arg5[%get3A_1014, %get3A_1015, %get3A_1016] {strides = array<i32>} : memref<2x32x512xf32, #tpu.memory_space<vmem>>, vector<1x1x16xf32>,
      %get3A_1018 = vector.shape_cast %get3A_1017 : vector<1x1x16xf32> to vector<16xf32>
      %mul3A_1019 = arith.mulf %get3A_1018, %get3A_1018 : vector<16xf32>
      %add3A_1020 = arith.addf %add3A_1012, %mul3A_1019 : vector<16xf32>
      %get3A_1021 = arith.constant 0 : i32
      %get3A_1022 = arith.index_cast %get3A_1021 : i32 to index
      %get3A_1023 = arith.index_cast %add3A_898 : i32 to index
      %get3A_1024 = arith.constant 240 : index
      %get3A_1025 = tpu.vector_load %arg5[%get3A_1022, %get3A_1023, %get3A_1024] {strides = array<i32>} : memref<2x32x512xf32, #tpu.memory_space<vmem>>, vector<1x1x16xf32>,
      %get3A_1026 = vector.shape_cast %get3A_1025 : vector<1x1x16xf32> to vector<16xf32>
      %mul3A_1027 = arith.mulf %get3A_1026, %get3A_1026 : vector<16xf32>
      %add3A_1028 = arith.addf %add3A_1020, %mul3A_1027 : vector<16xf32>
      %get3A_1029 = arith.constant 0 : i32
      %get3A_1030 = arith.index_cast %get3A_1029 : i32 to index
      %get3A_1031 = arith.index_cast %add3A_898 : i32 to index
      %get3A_1032 = arith.constant 256 : index
      %get3A_1033 = tpu.vector_load %arg5[%get3A_1030, %get3A_1031, %get3A_1032] {strides = array<i32>} : memref<2x32x512xf32, #tpu.memory_space<vmem>>, vector<1x1x16xf32>,
      %get3A_1034 = vector.shape_cast %get3A_1033 : vector<1x1x16xf32> to vector<16xf32>
      %mul3A_1035 = arith.mulf %get3A_1034, %get3A_1034 : vector<16xf32>
      %add3A_1036 = arith.addf %add3A_1028, %mul3A_1035 : vector<16xf32>
      %get3A_1037 = arith.constant 0 : i32
      %get3A_1038 = arith.index_cast %get3A_1037 : i32 to index
      %get3A_1039 = arith.index_cast %add3A_898 : i32 to index
      %get3A_1040 = arith.constant 272 : index
      %get3A_1041 = tpu.vector_load %arg5[%get3A_1038, %get3A_1039, %get3A_1040] {strides = array<i32>} : memref<2x32x512xf32, #tpu.memory_space<vmem>>, vector<1x1x16xf32>,
      %get3A_1042 = vector.shape_cast %get3A_1041 : vector<1x1x16xf32> to vector<16xf32>
      %mul3A_1043 = arith.mulf %get3A_1042, %get3A_1042 : vector<16xf32>
      %add3A_1044 = arith.addf %add3A_1036, %mul3A_1043 : vector<16xf32>
      %get3A_1045 = arith.constant 0 : i32
      %get3A_1046 = arith.index_cast %get3A_1045 : i32 to index
      %get3A_1047 = arith.index_cast %add3A_898 : i32 to index
      %get3A_1048 = arith.constant 288 : index
      %get3A_1049 = tpu.vector_load %arg5[%get3A_1046, %get3A_1047, %get3A_1048] {strides = array<i32>} : memref<2x32x512xf32, #tpu.memory_space<vmem>>, vector<1x1x16xf32>,
      %get3A_1050 = vector.shape_cast %get3A_1049 : vector<1x1x16xf32> to vector<16xf32>
      %mul3A_1051 = arith.mulf %get3A_1050, %get3A_1050 : vector<16xf32>
      %add3A_1052 = arith.addf %add3A_1044, %mul3A_1051 : vector<16xf32>
      %get3A_1053 = arith.constant 0 : i32
      %get3A_1054 = arith.index_cast %get3A_1053 : i32 to index
      %get3A_1055 = arith.index_cast %add3A_898 : i32 to index
      %get3A_1056 = arith.constant 304 : index
      %get3A_1057 = tpu.vector_load %arg5[%get3A_1054, %get3A_1055, %get3A_1056] {strides = array<i32>} : memref<2x32x512xf32, #tpu.memory_space<vmem>>, vector<1x1x16xf32>,
      %get3A_1058 = vector.shape_cast %get3A_1057 : vector<1x1x16xf32> to vector<16xf32>
      %mul3A_1059 = arith.mulf %get3A_1058, %get3A_1058 : vector<16xf32>
      %add3A_1060 = arith.addf %add3A_1052, %mul3A_1059 : vector<16xf32>
      %get3A_1061 = arith.constant 0 : i32
      %get3A_1062 = arith.index_cast %get3A_1061 : i32 to index
      %get3A_1063 = arith.index_cast %add3A_898 : i32 to index
      %get3A_1064 = arith.constant 320 : index
      %get3A_1065 = tpu.vector_load %arg5[%get3A_1062, %get3A_1063, %get3A_1064] {strides = array<i32>} : memref<2x32x512xf32, #tpu.memory_space<vmem>>, vector<1x1x16xf32>,
      %get3A_1066 = vector.shape_cast %get3A_1065 : vector<1x1x16xf32> to vector<16xf32>
      %mul3A_1067 = arith.mulf %get3A_1066, %get3A_1066 : vector<16xf32>
      %add3A_1068 = arith.addf %add3A_1060, %mul3A_1067 : vector<16xf32>
      %get3A_1069 = arith.constant 0 : i32
      %get3A_1070 = arith.index_cast %get3A_1069 : i32 to index
      %get3A_1071 = arith.index_cast %add3A_898 : i32 to index
      %get3A_1072 = arith.constant 336 : index
      %get3A_1073 = tpu.vector_load %arg5[%get3A_1070, %get3A_1071, %get3A_1072] {strides = array<i32>} : memref<2x32x512xf32, #tpu.memory_space<vmem>>, vector<1x1x16xf32>,
      %get3A_1074 = vector.shape_cast %get3A_1073 : vector<1x1x16xf32> to vector<16xf32>
      %mul3A_1075 = arith.mulf %get3A_1074, %get3A_1074 : vector<16xf32>
      %add3A_1076 = arith.addf %add3A_1068, %mul3A_1075 : vector<16xf32>
      %get3A_1077 = arith.constant 0 : i32
      %get3A_1078 = arith.index_cast %get3A_1077 : i32 to index
      %get3A_1079 = arith.index_cast %add3A_898 : i32 to index
      %get3A_1080 = arith.constant 352 : index
      %get3A_1081 = tpu.vector_load %arg5[%get3A_1078, %get3A_1079, %get3A_1080] {strides = array<i32>} : memref<2x32x512xf32, #tpu.memory_space<vmem>>, vector<1x1x16xf32>,
      %get3A_1082 = vector.shape_cast %get3A_1081 : vector<1x1x16xf32> to vector<16xf32>
      %mul3A_1083 = arith.mulf %get3A_1082, %get3A_1082 : vector<16xf32>
      %add3A_1084 = arith.addf %add3A_1076, %mul3A_1083 : vector<16xf32>
      %get3A_1085 = arith.constant 0 : i32
      %get3A_1086 = arith.index_cast %get3A_1085 : i32 to index
      %get3A_1087 = arith.index_cast %add3A_898 : i32 to index
      %get3A_1088 = arith.constant 368 : index
      %get3A_1089 = tpu.vector_load %arg5[%get3A_1086, %get3A_1087, %get3A_1088] {strides = array<i32>} : memref<2x32x512xf32, #tpu.memory_space<vmem>>, vector<1x1x16xf32>,
      %get3A_1090 = vector.shape_cast %get3A_1089 : vector<1x1x16xf32> to vector<16xf32>
      %mul3A_1091 = arith.mulf %get3A_1090, %get3A_1090 : vector<16xf32>
      %add3A_1092 = arith.addf %add3A_1084, %mul3A_1091 : vector<16xf32>
      %get3A_1093 = arith.constant 0 : i32
      %get3A_1094 = arith.index_cast %get3A_1093 : i32 to index
      %get3A_1095 = arith.index_cast %add3A_898 : i32 to index
      %get3A_1096 = arith.constant 384 : index
      %get3A_1097 = tpu.vector_load %arg5[%get3A_1094, %get3A_1095, %get3A_1096] {strides = array<i32>} : memref<2x32x512xf32, #tpu.memory_space<vmem>>, vector<1x1x16xf32>,
      %get3A_1098 = vector.shape_cast %get3A_1097 : vector<1x1x16xf32> to vector<16xf32>
      %mul3A_1099 = arith.mulf %get3A_1098, %get3A_1098 : vector<16xf32>
      %add3A_1100 = arith.addf %add3A_1092, %mul3A_1099 : vector<16xf32>
      %get3A_1101 = arith.constant 0 : i32
      %get3A_1102 = arith.index_cast %get3A_1101 : i32 to index
      %get3A_1103 = arith.index_cast %add3A_898 : i32 to index
      %get3A_1104 = arith.constant 400 : index
      %get3A_1105 = tpu.vector_load %arg5[%get3A_1102, %get3A_1103, %get3A_1104] {strides = array<i32>} : memref<2x32x512xf32, #tpu.memory_space<vmem>>, vector<1x1x16xf32>,
      %get3A_1106 = vector.shape_cast %get3A_1105 : vector<1x1x16xf32> to vector<16xf32>
      %mul3A_1107 = arith.mulf %get3A_1106, %get3A_1106 : vector<16xf32>
      %add3A_1108 = arith.addf %add3A_1100, %mul3A_1107 : vector<16xf32>
      %get3A_1109 = arith.constant 0 : i32
      %get3A_1110 = arith.index_cast %get3A_1109 : i32 to index
      %get3A_1111 = arith.index_cast %add3A_898 : i32 to index
      %get3A_1112 = arith.constant 416 : index
      %get3A_1113 = tpu.vector_load %arg5[%get3A_1110, %get3A_1111, %get3A_1112] {strides = array<i32>} : memref<2x32x512xf32, #tpu.memory_space<vmem>>, vector<1x1x16xf32>,
      %get3A_1114 = vector.shape_cast %get3A_1113 : vector<1x1x16xf32> to vector<16xf32>
      %mul3A_1115 = arith.mulf %get3A_1114, %get3A_1114 : vector<16xf32>
      %add3A_1116 = arith.addf %add3A_1108, %mul3A_1115 : vector<16xf32>
      %get3A_1117 = arith.constant 0 : i32
      %get3A_1118 = arith.index_cast %get3A_1117 : i32 to index
      %get3A_1119 = arith.index_cast %add3A_898 : i32 to index
      %get3A_1120 = arith.constant 432 : index
      %get3A_1121 = tpu.vector_load %arg5[%get3A_1118, %get3A_1119, %get3A_1120] {strides = array<i32>} : memref<2x32x512xf32, #tpu.memory_space<vmem>>, vector<1x1x16xf32>,
      %get3A_1122 = vector.shape_cast %get3A_1121 : vector<1x1x16xf32> to vector<16xf32>
      %mul3A_1123 = arith.mulf %get3A_1122, %get3A_1122 : vector<16xf32>
      %add3A_1124 = arith.addf %add3A_1116, %mul3A_1123 : vector<16xf32>
      %get3A_1125 = arith.constant 0 : i32
      %get3A_1126 = arith.index_cast %get3A_1125 : i32 to index
      %get3A_1127 = arith.index_cast %add3A_898 : i32 to index
      %get3A_1128 = arith.constant 448 : index
      %get3A_1129 = tpu.vector_load %arg5[%get3A_1126, %get3A_1127, %get3A_1128] {strides = array<i32>} : memref<2x32x512xf32, #tpu.memory_space<vmem>>, vector<1x1x16xf32>,
      %get3A_1130 = vector.shape_cast %get3A_1129 : vector<1x1x16xf32> to vector<16xf32>
      %mul3A_1131 = arith.mulf %get3A_1130, %get3A_1130 : vector<16xf32>
      %add3A_1132 = arith.addf %add3A_1124, %mul3A_1131 : vector<16xf32>
      %get3A_1133 = arith.constant 0 : i32
      %get3A_1134 = arith.index_cast %get3A_1133 : i32 to index
      %get3A_1135 = arith.index_cast %add3A_898 : i32 to index
      %get3A_1136 = arith.constant 464 : index
      %get3A_1137 = tpu.vector_load %arg5[%get3A_1134, %get3A_1135, %get3A_1136] {strides = array<i32>} : memref<2x32x512xf32, #tpu.memory_space<vmem>>, vector<1x1x16xf32>,
      %get3A_1138 = vector.shape_cast %get3A_1137 : vector<1x1x16xf32> to vector<16xf32>
      %mul3A_1139 = arith.mulf %get3A_1138, %get3A_1138 : vector<16xf32>
      %add3A_1140 = arith.addf %add3A_1132, %mul3A_1139 : vector<16xf32>
      %get3A_1141 = arith.constant 0 : i32
      %get3A_1142 = arith.index_cast %get3A_1141 : i32 to index
      %get3A_1143 = arith.index_cast %add3A_898 : i32 to index
      %get3A_1144 = arith.constant 480 : index
      %get3A_1145 = tpu.vector_load %arg5[%get3A_1142, %get3A_1143, %get3A_1144] {strides = array<i32>} : memref<2x32x512xf32, #tpu.memory_space<vmem>>, vector<1x1x16xf32>,
      %get3A_1146 = vector.shape_cast %get3A_1145 : vector<1x1x16xf32> to vector<16xf32>
      %mul3A_1147 = arith.mulf %get3A_1146, %get3A_1146 : vector<16xf32>
      %add3A_1148 = arith.addf %add3A_1140, %mul3A_1147 : vector<16xf32>
      %get3A_1149 = arith.constant 0 : i32
      %get3A_1150 = arith.index_cast %get3A_1149 : i32 to index
      %get3A_1151 = arith.index_cast %add3A_898 : i32 to index
      %get3A_1152 = arith.constant 496 : index
      %get3A_1153 = tpu.vector_load %arg5[%get3A_1150, %get3A_1151, %get3A_1152] {strides = array<i32>} : memref<2x32x512xf32, #tpu.memory_space<vmem>>, vector<1x1x16xf32>,
      %get3A_1154 = vector.shape_cast %get3A_1153 : vector<1x1x16xf32> to vector<16xf32>
      %mul3A_1155 = arith.mulf %get3A_1154, %get3A_1154 : vector<16xf32>
      %add3A_1156 = arith.addf %add3A_1148, %mul3A_1155 : vector<16xf32>
      %add3A_1157 = arith.constant 0 : i32
      %add3A_1158 = arith.addi %add3A_1157, %add3A_898 : i32
      %mul3A_1159 = arith.constant 16 : i32
      %mul3A_1160 = arith.muli %add3A_1158, %mul3A_1159 : i32
      %swap3A_1161 = arith.index_cast %mul3A_1160 : i32 to index
      %swap3A_1162 = tpu.vector_load %arg6[%swap3A_1161] {strides = array<i32>} : memref<1024xf32, #tpu.memory_space<vmem>>, vector<16xf32>,
      %swap3A_1163 = vector.shape_cast %swap3A_1162 : vector<16xf32> to vector<16xf32>
      %swap3A_1164 = vector.shape_cast %add3A_1156 : vector<16xf32> to vector<16xf32>
      tpu.vector_store %arg6[%swap3A_1161], %swap3A_1164 {strides = array<i32>} : memref<1024xf32, #tpu.memory_space<vmem>>, vector<16xf32>,
    }
    %scan3A_51 = arith.constant 8 : i32
    %dma_wait3A_52 = arith.constant 1 : i32
    %dma_wait3A_53 = arith.constant 0 : i32
    %dma_wait3A_54 = arith.constant 0 : i32
    %dma_wait3A_55 = tpu.memref_slice %arg5[%dma_wait3A_52, %dma_wait3A_53, %dma_wait3A_54] : memref<2x32x512xf32, #tpu.memory_space<vmem>> -> memref<1x32x512xf32, #tpu.memory_space<vmem>>
    %dma_wait3A_56 = tpu.memref_squeeze %dma_wait3A_55 : memref<1x32x512xf32, #tpu.memory_space<vmem>> -> memref<32x512xf32, #tpu.memory_space<vmem>>
    %dma_wait3A_57 = arith.constant 0 : i32
    %dma_wait3A_58 = tpu.memref_slice %arg3[%add3A_21, %dma_wait3A_57] : memref<1000x512xf32, #tpu.memory_space<hbm>> -> memref<32x512xf32, #tpu.memory_space<hbm>>
    %dma_wait3A_59 = arith.constant 0 : i32
    %dma_wait3A_60 = arith.constant 0 : i32
    %dma_wait3A_61 = tpu.memref_slice %arg5[%dma_wait3A_52, %dma_wait3A_59, %dma_wait3A_60] : memref<2x32x512xf32, #tpu.memory_space<vmem>> -> memref<1x32x512xf32, #tpu.memory_space<vmem>>
    %dma_wait3A_62 = tpu.memref_squeeze %dma_wait3A_61 : memref<1x32x512xf32, #tpu.memory_space<vmem>> -> memref<32x512xf32, #tpu.memory_space<vmem>>
    %dma_wait3A_63 = arith.constant 0 : i32
    %dma_wait3A_64 = tpu.memref_slice %arg3[%add3A_21, %dma_wait3A_63] : memref<1000x512xf32, #tpu.memory_space<hbm>> -> memref<32x512xf32, #tpu.memory_space<hbm>>
    tpu.wait_dma2 semaphore(%arg12 : memref<!tpu.dma_semaphore, #tpu.memory_space<semaphore_mem>>) src(%dma_wait3A_64 : memref<32x512xf32, #tpu.memory_space<hbm>>) dst(%dma_wait3A_62 : memref<32x512xf32, #tpu.memory_space<vmem>>)
    %scan3A_65 = arith.constant 0 : i32
    %scan3A_66 = arith.constant 0 : i32
    %scan3A_67 = arith.constant 8 : i32
    %scan3A_68 = arith.addi %scan3A_66, %scan3A_67 : i32
    %scan3A_69 = arith.constant 1 : i32
    scf.for %scan3A_85 = %scan3A_66 to %scan3A_68 step %scan3A_69  : i32 {
      %mul3A_86 = arith.constant 4 : i32
      %mul3A_87 = arith.muli %scan3A_85, %mul3A_86 : i32
      %add3A_88 = arith.constant 0 : i32
      %add3A_89 = arith.addi %mul3A_87, %add3A_88 : i32
      %broadcast_in_dim3A_90 = arith.constant 0.000000e+00 : f32
      %broadcast_in_dim3A_91 = vector.broadcast %broadcast_in_dim3A_90 : f32 to vector<16xf32>
      %get3A = arith.constant 1 : i32
      %get3A_92 = arith.index_cast %get3A : i32 to index
      %get3A_93 = arith.index_cast %add3A_89 : i32 to index
      %get3A_94 = arith.constant 0 : index
      %get3A_95 = tpu.vector_load %arg5[%get3A_92, %get3A_93, %get3A_94] {strides = array<i32>} : memref<2x32x512xf32, #tpu.memory_space<vmem>>, vector<1x1x16xf32>,
      %get3A_96 = vector.shape_cast %get3A_95 : vector<1x1x16xf32> to vector<16xf32>
      %mul3A_97 = arith.mulf %get3A_96, %get3A_96 : vector<16xf32>
      %add3A_98 = arith.addf %broadcast_in_dim3A_91, %mul3A_97 : vector<16xf32>
      %get3A_99 = arith.constant 1 : i32
      %get3A_100 = arith.index_cast %get3A_99 : i32 to index
      %get3A_101 = arith.index_cast %add3A_89 : i32 to index
      %get3A_102 = arith.constant 16 : index
      %get3A_103 = tpu.vector_load %arg5[%get3A_100, %get3A_101, %get3A_102] {strides = array<i32>} : memref<2x32x512xf32, #tpu.memory_space<vmem>>, vector<1x1x16xf32>,
      %get3A_104 = vector.shape_cast %get3A_103 : vector<1x1x16xf32> to vector<16xf32>
      %mul3A_105 = arith.mulf %get3A_104, %get3A_104 : vector<16xf32>
      %add3A_106 = arith.addf %add3A_98, %mul3A_105 : vector<16xf32>
      %get3A_107 = arith.constant 1 : i32
      %get3A_108 = arith.index_cast %get3A_107 : i32 to index
      %get3A_109 = arith.index_cast %add3A_89 : i32 to index
      %get3A_110 = arith.constant 32 : index
      %get3A_111 = tpu.vector_load %arg5[%get3A_108, %get3A_109, %get3A_110] {strides = array<i32>} : memref<2x32x512xf32, #tpu.memory_space<vmem>>, vector<1x1x16xf32>,
      %get3A_112 = vector.shape_cast %get3A_111 : vector<1x1x16xf32> to vector<16xf32>
      %mul3A_113 = arith.mulf %get3A_112, %get3A_112 : vector<16xf32>
      %add3A_114 = arith.addf %add3A_106, %mul3A_113 : vector<16xf32>
      %get3A_115 = arith.constant 1 : i32
      %get3A_116 = arith.index_cast %get3A_115 : i32 to index
      %get3A_117 = arith.index_cast %add3A_89 : i32 to index
      %get3A_118 = arith.constant 48 : index
      %get3A_119 = tpu.vector_load %arg5[%get3A_116, %get3A_117, %get3A_118] {strides = array<i32>} : memref<2x32x512xf32, #tpu.memory_space<vmem>>, vector<1x1x16xf32>,
      %get3A_120 = vector.shape_cast %get3A_119 : vector<1x1x16xf32> to vector<16xf32>
      %mul3A_121 = arith.mulf %get3A_120, %get3A_120 : vector<16xf32>
      %add3A_122 = arith.addf %add3A_114, %mul3A_121 : vector<16xf32>
      %get3A_123 = arith.constant 1 : i32
      %get3A_124 = arith.index_cast %get3A_123 : i32 to index
      %get3A_125 = arith.index_cast %add3A_89 : i32 to index
      %get3A_126 = arith.constant 64 : index
      %get3A_127 = tpu.vector_load %arg5[%get3A_124, %get3A_125, %get3A_126] {strides = array<i32>} : memref<2x32x512xf32, #tpu.memory_space<vmem>>, vector<1x1x16xf32>,
      %get3A_128 = vector.shape_cast %get3A_127 : vector<1x1x16xf32> to vector<16xf32>
      %mul3A_129 = arith.mulf %get3A_128, %get3A_128 : vector<16xf32>
      %add3A_130 = arith.addf %add3A_122, %mul3A_129 : vector<16xf32>
      %get3A_131 = arith.constant 1 : i32
      %get3A_132 = arith.index_cast %get3A_131 : i32 to index
      %get3A_133 = arith.index_cast %add3A_89 : i32 to index
      %get3A_134 = arith.constant 80 : index
      %get3A_135 = tpu.vector_load %arg5[%get3A_132, %get3A_133, %get3A_134] {strides = array<i32>} : memref<2x32x512xf32, #tpu.memory_space<vmem>>, vector<1x1x16xf32>,
      %get3A_136 = vector.shape_cast %get3A_135 : vector<1x1x16xf32> to vector<16xf32>
      %mul3A_137 = arith.mulf %get3A_136, %get3A_136 : vector<16xf32>
      %add3A_138 = arith.addf %add3A_130, %mul3A_137 : vector<16xf32>
      %get3A_139 = arith.constant 1 : i32
      %get3A_140 = arith.index_cast %get3A_139 : i32 to index
      %get3A_141 = arith.index_cast %add3A_89 : i32 to index
      %get3A_142 = arith.constant 96 : index
      %get3A_143 = tpu.vector_load %arg5[%get3A_140, %get3A_141, %get3A_142] {strides = array<i32>} : memref<2x32x512xf32, #tpu.memory_space<vmem>>, vector<1x1x16xf32>,
      %get3A_144 = vector.shape_cast %get3A_143 : vector<1x1x16xf32> to vector<16xf32>
      %mul3A_145 = arith.mulf %get3A_144, %get3A_144 : vector<16xf32>
      %add3A_146 = arith.addf %add3A_138, %mul3A_145 : vector<16xf32>
      %get3A_147 = arith.constant 1 : i32
      %get3A_148 = arith.index_cast %get3A_147 : i32 to index
      %get3A_149 = arith.index_cast %add3A_89 : i32 to index
      %get3A_150 = arith.constant 112 : index
      %get3A_151 = tpu.vector_load %arg5[%get3A_148, %get3A_149, %get3A_150] {strides = array<i32>} : memref<2x32x512xf32, #tpu.memory_space<vmem>>, vector<1x1x16xf32>,
      %get3A_152 = vector.shape_cast %get3A_151 : vector<1x1x16xf32> to vector<16xf32>
      %mul3A_153 = arith.mulf %get3A_152, %get3A_152 : vector<16xf32>
      %add3A_154 = arith.addf %add3A_146, %mul3A_153 : vector<16xf32>
      %get3A_155 = arith.constant 1 : i32
      %get3A_156 = arith.index_cast %get3A_155 : i32 to index
      %get3A_157 = arith.index_cast %add3A_89 : i32 to index
      %get3A_158 = arith.constant 128 : index
      %get3A_159 = tpu.vector_load %arg5[%get3A_156, %get3A_157, %get3A_158] {strides = array<i32>} : memref<2x32x512xf32, #tpu.memory_space<vmem>>, vector<1x1x16xf32>,
      %get3A_160 = vector.shape_cast %get3A_159 : vector<1x1x16xf32> to vector<16xf32>
      %mul3A_161 = arith.mulf %get3A_160, %get3A_160 : vector<16xf32>
      %add3A_162 = arith.addf %add3A_154, %mul3A_161 : vector<16xf32>
      %get3A_163 = arith.constant 1 : i32
      %get3A_164 = arith.index_cast %get3A_163 : i32 to index
      %get3A_165 = arith.index_cast %add3A_89 : i32 to index
      %get3A_166 = arith.constant 144 : index
      %get3A_167 = tpu.vector_load %arg5[%get3A_164, %get3A_165, %get3A_166] {strides = array<i32>} : memref<2x32x512xf32, #tpu.memory_space<vmem>>, vector<1x1x16xf32>,
      %get3A_168 = vector.shape_cast %get3A_167 : vector<1x1x16xf32> to vector<16xf32>
      %mul3A_169 = arith.mulf %get3A_168, %get3A_168 : vector<16xf32>
      %add3A_170 = arith.addf %add3A_162, %mul3A_169 : vector<16xf32>
      %get3A_171 = arith.constant 1 : i32
      %get3A_172 = arith.index_cast %get3A_171 : i32 to index
      %get3A_173 = arith.index_cast %add3A_89 : i32 to index
      %get3A_174 = arith.constant 160 : index
      %get3A_175 = tpu.vector_load %arg5[%get3A_172, %get3A_173, %get3A_174] {strides = array<i32>} : memref<2x32x512xf32, #tpu.memory_space<vmem>>, vector<1x1x16xf32>,
      %get3A_176 = vector.shape_cast %get3A_175 : vector<1x1x16xf32> to vector<16xf32>
      %mul3A_177 = arith.mulf %get3A_176, %get3A_176 : vector<16xf32>
      %add3A_178 = arith.addf %add3A_170, %mul3A_177 : vector<16xf32>
      %get3A_179 = arith.constant 1 : i32
      %get3A_180 = arith.index_cast %get3A_179 : i32 to index
      %get3A_181 = arith.index_cast %add3A_89 : i32 to index
      %get3A_182 = arith.constant 176 : index
      %get3A_183 = tpu.vector_load %arg5[%get3A_180, %get3A_181, %get3A_182] {strides = array<i32>} : memref<2x32x512xf32, #tpu.memory_space<vmem>>, vector<1x1x16xf32>,
      %get3A_184 = vector.shape_cast %get3A_183 : vector<1x1x16xf32> to vector<16xf32>
      %mul3A_185 = arith.mulf %get3A_184, %get3A_184 : vector<16xf32>
      %add3A_186 = arith.addf %add3A_178, %mul3A_185 : vector<16xf32>
      %get3A_187 = arith.constant 1 : i32
      %get3A_188 = arith.index_cast %get3A_187 : i32 to index
      %get3A_189 = arith.index_cast %add3A_89 : i32 to index
      %get3A_190 = arith.constant 192 : index
      %get3A_191 = tpu.vector_load %arg5[%get3A_188, %get3A_189, %get3A_190] {strides = array<i32>} : memref<2x32x512xf32, #tpu.memory_space<vmem>>, vector<1x1x16xf32>,
      %get3A_192 = vector.shape_cast %get3A_191 : vector<1x1x16xf32> to vector<16xf32>
      %mul3A_193 = arith.mulf %get3A_192, %get3A_192 : vector<16xf32>
      %add3A_194 = arith.addf %add3A_186, %mul3A_193 : vector<16xf32>
      %get3A_195 = arith.constant 1 : i32
      %get3A_196 = arith.index_cast %get3A_195 : i32 to index
      %get3A_197 = arith.index_cast %add3A_89 : i32 to index
      %get3A_198 = arith.constant 208 : index
      %get3A_199 = tpu.vector_load %arg5[%get3A_196, %get3A_197, %get3A_198] {strides = array<i32>} : memref<2x32x512xf32, #tpu.memory_space<vmem>>, vector<1x1x16xf32>,
      %get3A_200 = vector.shape_cast %get3A_199 : vector<1x1x16xf32> to vector<16xf32>
      %mul3A_201 = arith.mulf %get3A_200, %get3A_200 : vector<16xf32>
      %add3A_202 = arith.addf %add3A_194, %mul3A_201 : vector<16xf32>
      %get3A_203 = arith.constant 1 : i32
      %get3A_204 = arith.index_cast %get3A_203 : i32 to index
      %get3A_205 = arith.index_cast %add3A_89 : i32 to index
      %get3A_206 = arith.constant 224 : index
      %get3A_207 = tpu.vector_load %arg5[%get3A_204, %get3A_205, %get3A_206] {strides = array<i32>} : memref<2x32x512xf32, #tpu.memory_space<vmem>>, vector<1x1x16xf32>,
      %get3A_208 = vector.shape_cast %get3A_207 : vector<1x1x16xf32> to vector<16xf32>
      %mul3A_209 = arith.mulf %get3A_208, %get3A_208 : vector<16xf32>
      %add3A_210 = arith.addf %add3A_202, %mul3A_209 : vector<16xf32>
      %get3A_211 = arith.constant 1 : i32
      %get3A_212 = arith.index_cast %get3A_211 : i32 to index
      %get3A_213 = arith.index_cast %add3A_89 : i32 to index
      %get3A_214 = arith.constant 240 : index
      %get3A_215 = tpu.vector_load %arg5[%get3A_212, %get3A_213, %get3A_214] {strides = array<i32>} : memref<2x32x512xf32, #tpu.memory_space<vmem>>, vector<1x1x16xf32>,
      %get3A_216 = vector.shape_cast %get3A_215 : vector<1x1x16xf32> to vector<16xf32>
      %mul3A_217 = arith.mulf %get3A_216, %get3A_216 : vector<16xf32>
      %add3A_218 = arith.addf %add3A_210, %mul3A_217 : vector<16xf32>
      %get3A_219 = arith.constant 1 : i32
      %get3A_220 = arith.index_cast %get3A_219 : i32 to index
      %get3A_221 = arith.index_cast %add3A_89 : i32 to index
      %get3A_222 = arith.constant 256 : index
      %get3A_223 = tpu.vector_load %arg5[%get3A_220, %get3A_221, %get3A_222] {strides = array<i32>} : memref<2x32x512xf32, #tpu.memory_space<vmem>>, vector<1x1x16xf32>,
      %get3A_224 = vector.shape_cast %get3A_223 : vector<1x1x16xf32> to vector<16xf32>
      %mul3A_225 = arith.mulf %get3A_224, %get3A_224 : vector<16xf32>
      %add3A_226 = arith.addf %add3A_218, %mul3A_225 : vector<16xf32>
      %get3A_227 = arith.constant 1 : i32
      %get3A_228 = arith.index_cast %get3A_227 : i32 to index
      %get3A_229 = arith.index_cast %add3A_89 : i32 to index
      %get3A_230 = arith.constant 272 : index
      %get3A_231 = tpu.vector_load %arg5[%get3A_228, %get3A_229, %get3A_230] {strides = array<i32>} : memref<2x32x512xf32, #tpu.memory_space<vmem>>, vector<1x1x16xf32>,
      %get3A_232 = vector.shape_cast %get3A_231 : vector<1x1x16xf32> to vector<16xf32>
      %mul3A_233 = arith.mulf %get3A_232, %get3A_232 : vector<16xf32>
      %add3A_234 = arith.addf %add3A_226, %mul3A_233 : vector<16xf32>
      %get3A_235 = arith.constant 1 : i32
      %get3A_236 = arith.index_cast %get3A_235 : i32 to index
      %get3A_237 = arith.index_cast %add3A_89 : i32 to index
      %get3A_238 = arith.constant 288 : index
      %get3A_239 = tpu.vector_load %arg5[%get3A_236, %get3A_237, %get3A_238] {strides = array<i32>} : memref<2x32x512xf32, #tpu.memory_space<vmem>>, vector<1x1x16xf32>,
      %get3A_240 = vector.shape_cast %get3A_239 : vector<1x1x16xf32> to vector<16xf32>
      %mul3A_241 = arith.mulf %get3A_240, %get3A_240 : vector<16xf32>
      %add3A_242 = arith.addf %add3A_234, %mul3A_241 : vector<16xf32>
      %get3A_243 = arith.constant 1 : i32
      %get3A_244 = arith.index_cast %get3A_243 : i32 to index
      %get3A_245 = arith.index_cast %add3A_89 : i32 to index
      %get3A_246 = arith.constant 304 : index
      %get3A_247 = tpu.vector_load %arg5[%get3A_244, %get3A_245, %get3A_246] {strides = array<i32>} : memref<2x32x512xf32, #tpu.memory_space<vmem>>, vector<1x1x16xf32>,
      %get3A_248 = vector.shape_cast %get3A_247 : vector<1x1x16xf32> to vector<16xf32>
      %mul3A_249 = arith.mulf %get3A_248, %get3A_248 : vector<16xf32>
      %add3A_250 = arith.addf %add3A_242, %mul3A_249 : vector<16xf32>
      %get3A_251 = arith.constant 1 : i32
      %get3A_252 = arith.index_cast %get3A_251 : i32 to index
      %get3A_253 = arith.index_cast %add3A_89 : i32 to index
      %get3A_254 = arith.constant 320 : index
      %get3A_255 = tpu.vector_load %arg5[%get3A_252, %get3A_253, %get3A_254] {strides = array<i32>} : memref<2x32x512xf32, #tpu.memory_space<vmem>>, vector<1x1x16xf32>,
      %get3A_256 = vector.shape_cast %get3A_255 : vector<1x1x16xf32> to vector<16xf32>
      %mul3A_257 = arith.mulf %get3A_256, %get3A_256 : vector<16xf32>
      %add3A_258 = arith.addf %add3A_250, %mul3A_257 : vector<16xf32>
      %get3A_259 = arith.constant 1 : i32
      %get3A_260 = arith.index_cast %get3A_259 : i32 to index
      %get3A_261 = arith.index_cast %add3A_89 : i32 to index
      %get3A_262 = arith.constant 336 : index
      %get3A_263 = tpu.vector_load %arg5[%get3A_260, %get3A_261, %get3A_262] {strides = array<i32>} : memref<2x32x512xf32, #tpu.memory_space<vmem>>, vector<1x1x16xf32>,
      %get3A_264 = vector.shape_cast %get3A_263 : vector<1x1x16xf32> to vector<16xf32>
      %mul3A_265 = arith.mulf %get3A_264, %get3A_264 : vector<16xf32>
      %add3A_266 = arith.addf %add3A_258, %mul3A_265 : vector<16xf32>
      %get3A_267 = arith.constant 1 : i32
      %get3A_268 = arith.index_cast %get3A_267 : i32 to index
      %get3A_269 = arith.index_cast %add3A_89 : i32 to index
      %get3A_270 = arith.constant 352 : index
      %get3A_271 = tpu.vector_load %arg5[%get3A_268, %get3A_269, %get3A_270] {strides = array<i32>} : memref<2x32x512xf32, #tpu.memory_space<vmem>>, vector<1x1x16xf32>,
      %get3A_272 = vector.shape_cast %get3A_271 : vector<1x1x16xf32> to vector<16xf32>
      %mul3A_273 = arith.mulf %get3A_272, %get3A_272 : vector<16xf32>
      %add3A_274 = arith.addf %add3A_266, %mul3A_273 : vector<16xf32>
      %get3A_275 = arith.constant 1 : i32
      %get3A_276 = arith.index_cast %get3A_275 : i32 to index
      %get3A_277 = arith.index_cast %add3A_89 : i32 to index
      %get3A_278 = arith.constant 368 : index
      %get3A_279 = tpu.vector_load %arg5[%get3A_276, %get3A_277, %get3A_278] {strides = array<i32>} : memref<2x32x512xf32, #tpu.memory_space<vmem>>, vector<1x1x16xf32>,
      %get3A_280 = vector.shape_cast %get3A_279 : vector<1x1x16xf32> to vector<16xf32>
      %mul3A_281 = arith.mulf %get3A_280, %get3A_280 : vector<16xf32>
      %add3A_282 = arith.addf %add3A_274, %mul3A_281 : vector<16xf32>
      %get3A_283 = arith.constant 1 : i32
      %get3A_284 = arith.index_cast %get3A_283 : i32 to index
      %get3A_285 = arith.index_cast %add3A_89 : i32 to index
      %get3A_286 = arith.constant 384 : index
      %get3A_287 = tpu.vector_load %arg5[%get3A_284, %get3A_285, %get3A_286] {strides = array<i32>} : memref<2x32x512xf32, #tpu.memory_space<vmem>>, vector<1x1x16xf32>,
      %get3A_288 = vector.shape_cast %get3A_287 : vector<1x1x16xf32> to vector<16xf32>
      %mul3A_289 = arith.mulf %get3A_288, %get3A_288 : vector<16xf32>
      %add3A_290 = arith.addf %add3A_282, %mul3A_289 : vector<16xf32>
      %get3A_291 = arith.constant 1 : i32
      %get3A_292 = arith.index_cast %get3A_291 : i32 to index
      %get3A_293 = arith.index_cast %add3A_89 : i32 to index
      %get3A_294 = arith.constant 400 : index
      %get3A_295 = tpu.vector_load %arg5[%get3A_292, %get3A_293, %get3A_294] {strides = array<i32>} : memref<2x32x512xf32, #tpu.memory_space<vmem>>, vector<1x1x16xf32>,
      %get3A_296 = vector.shape_cast %get3A_295 : vector<1x1x16xf32> to vector<16xf32>
      %mul3A_297 = arith.mulf %get3A_296, %get3A_296 : vector<16xf32>
      %add3A_298 = arith.addf %add3A_290, %mul3A_297 : vector<16xf32>
      %get3A_299 = arith.constant 1 : i32
      %get3A_300 = arith.index_cast %get3A_299 : i32 to index
      %get3A_301 = arith.index_cast %add3A_89 : i32 to index
      %get3A_302 = arith.constant 416 : index
      %get3A_303 = tpu.vector_load %arg5[%get3A_300, %get3A_301, %get3A_302] {strides = array<i32>} : memref<2x32x512xf32, #tpu.memory_space<vmem>>, vector<1x1x16xf32>,
      %get3A_304 = vector.shape_cast %get3A_303 : vector<1x1x16xf32> to vector<16xf32>
      %mul3A_305 = arith.mulf %get3A_304, %get3A_304 : vector<16xf32>
      %add3A_306 = arith.addf %add3A_298, %mul3A_305 : vector<16xf32>
      %get3A_307 = arith.constant 1 : i32
      %get3A_308 = arith.index_cast %get3A_307 : i32 to index
      %get3A_309 = arith.index_cast %add3A_89 : i32 to index
      %get3A_310 = arith.constant 432 : index
      %get3A_311 = tpu.vector_load %arg5[%get3A_308, %get3A_309, %get3A_310] {strides = array<i32>} : memref<2x32x512xf32, #tpu.memory_space<vmem>>, vector<1x1x16xf32>,
      %get3A_312 = vector.shape_cast %get3A_311 : vector<1x1x16xf32> to vector<16xf32>
      %mul3A_313 = arith.mulf %get3A_312, %get3A_312 : vector<16xf32>
      %add3A_314 = arith.addf %add3A_306, %mul3A_313 : vector<16xf32>
      %get3A_315 = arith.constant 1 : i32
      %get3A_316 = arith.index_cast %get3A_315 : i32 to index
      %get3A_317 = arith.index_cast %add3A_89 : i32 to index
      %get3A_318 = arith.constant 448 : index
      %get3A_319 = tpu.vector_load %arg5[%get3A_316, %get3A_317, %get3A_318] {strides = array<i32>} : memref<2x32x512xf32, #tpu.memory_space<vmem>>, vector<1x1x16xf32>,
      %get3A_320 = vector.shape_cast %get3A_319 : vector<1x1x16xf32> to vector<16xf32>
      %mul3A_321 = arith.mulf %get3A_320, %get3A_320 : vector<16xf32>
      %add3A_322 = arith.addf %add3A_314, %mul3A_321 : vector<16xf32>
      %get3A_323 = arith.constant 1 : i32
      %get3A_324 = arith.index_cast %get3A_323 : i32 to index
      %get3A_325 = arith.index_cast %add3A_89 : i32 to index
      %get3A_326 = arith.constant 464 : index
      %get3A_327 = tpu.vector_load %arg5[%get3A_324, %get3A_325, %get3A_326] {strides = array<i32>} : memref<2x32x512xf32, #tpu.memory_space<vmem>>, vector<1x1x16xf32>,
      %get3A_328 = vector.shape_cast %get3A_327 : vector<1x1x16xf32> to vector<16xf32>
      %mul3A_329 = arith.mulf %get3A_328, %get3A_328 : vector<16xf32>
      %add3A_330 = arith.addf %add3A_322, %mul3A_329 : vector<16xf32>
      %get3A_331 = arith.constant 1 : i32
      %get3A_332 = arith.index_cast %get3A_331 : i32 to index
      %get3A_333 = arith.index_cast %add3A_89 : i32 to index
      %get3A_334 = arith.constant 480 : index
      %get3A_335 = tpu.vector_load %arg5[%get3A_332, %get3A_333, %get3A_334] {strides = array<i32>} : memref<2x32x512xf32, #tpu.memory_space<vmem>>, vector<1x1x16xf32>,
      %get3A_336 = vector.shape_cast %get3A_335 : vector<1x1x16xf32> to vector<16xf32>
      %mul3A_337 = arith.mulf %get3A_336, %get3A_336 : vector<16xf32>
      %add3A_338 = arith.addf %add3A_330, %mul3A_337 : vector<16xf32>
      %get3A_339 = arith.constant 1 : i32
      %get3A_340 = arith.index_cast %get3A_339 : i32 to index
      %get3A_341 = arith.index_cast %add3A_89 : i32 to index
      %get3A_342 = arith.constant 496 : index
      %get3A_343 = tpu.vector_load %arg5[%get3A_340, %get3A_341, %get3A_342] {strides = array<i32>} : memref<2x32x512xf32, #tpu.memory_space<vmem>>, vector<1x1x16xf32>,
      %get3A_344 = vector.shape_cast %get3A_343 : vector<1x1x16xf32> to vector<16xf32>
      %mul3A_345 = arith.mulf %get3A_344, %get3A_344 : vector<16xf32>
      %add3A_346 = arith.addf %add3A_338, %mul3A_345 : vector<16xf32>
      %add3A_347 = arith.constant 32 : i32
      %add3A_348 = arith.addi %add3A_347, %add3A_89 : i32
      %mul3A_349 = arith.constant 16 : i32
      %mul3A_350 = arith.muli %add3A_348, %mul3A_349 : i32
      %swap3A_351 = arith.index_cast %mul3A_350 : i32 to index
      %swap3A_352 = tpu.vector_load %arg6[%swap3A_351] {strides = array<i32>} : memref<1024xf32, #tpu.memory_space<vmem>>, vector<16xf32>,
      %swap3A_353 = vector.shape_cast %swap3A_352 : vector<16xf32> to vector<16xf32>
      %swap3A_354 = vector.shape_cast %add3A_346 : vector<16xf32> to vector<16xf32>
      tpu.vector_store %arg6[%swap3A_351], %swap3A_354 {strides = array<i32>} : memref<1024xf32, #tpu.memory_space<vmem>>, vector<16xf32>,
      %mul3A_355 = arith.constant 4 : i32
      %mul3A_356 = arith.muli %scan3A_85, %mul3A_355 : i32
      %add3A_357 = arith.constant 1 : i32
      %add3A_358 = arith.addi %mul3A_356, %add3A_357 : i32
      %broadcast_in_dim3A_359 = arith.constant 0.000000e+00 : f32
      %broadcast_in_dim3A_360 = vector.broadcast %broadcast_in_dim3A_359 : f32 to vector<16xf32>
      %get3A_361 = arith.constant 1 : i32
      %get3A_362 = arith.index_cast %get3A_361 : i32 to index
      %get3A_363 = arith.index_cast %add3A_358 : i32 to index
      %get3A_364 = arith.constant 0 : index
      %get3A_365 = tpu.vector_load %arg5[%get3A_362, %get3A_363, %get3A_364] {strides = array<i32>} : memref<2x32x512xf32, #tpu.memory_space<vmem>>, vector<1x1x16xf32>,
      %get3A_366 = vector.shape_cast %get3A_365 : vector<1x1x16xf32> to vector<16xf32>
      %mul3A_367 = arith.mulf %get3A_366, %get3A_366 : vector<16xf32>
      %add3A_368 = arith.addf %broadcast_in_dim3A_360, %mul3A_367 : vector<16xf32>
      %get3A_369 = arith.constant 1 : i32
      %get3A_370 = arith.index_cast %get3A_369 : i32 to index
      %get3A_371 = arith.index_cast %add3A_358 : i32 to index
      %get3A_372 = arith.constant 16 : index
      %get3A_373 = tpu.vector_load %arg5[%get3A_370, %get3A_371, %get3A_372] {strides = array<i32>} : memref<2x32x512xf32, #tpu.memory_space<vmem>>, vector<1x1x16xf32>,
      %get3A_374 = vector.shape_cast %get3A_373 : vector<1x1x16xf32> to vector<16xf32>
      %mul3A_375 = arith.mulf %get3A_374, %get3A_374 : vector<16xf32>
      %add3A_376 = arith.addf %add3A_368, %mul3A_375 : vector<16xf32>
      %get3A_377 = arith.constant 1 : i32
      %get3A_378 = arith.index_cast %get3A_377 : i32 to index
      %get3A_379 = arith.index_cast %add3A_358 : i32 to index
      %get3A_380 = arith.constant 32 : index
      %get3A_381 = tpu.vector_load %arg5[%get3A_378, %get3A_379, %get3A_380] {strides = array<i32>} : memref<2x32x512xf32, #tpu.memory_space<vmem>>, vector<1x1x16xf32>,
      %get3A_382 = vector.shape_cast %get3A_381 : vector<1x1x16xf32> to vector<16xf32>
      %mul3A_383 = arith.mulf %get3A_382, %get3A_382 : vector<16xf32>
      %add3A_384 = arith.addf %add3A_376, %mul3A_383 : vector<16xf32>
      %get3A_385 = arith.constant 1 : i32
      %get3A_386 = arith.index_cast %get3A_385 : i32 to index
      %get3A_387 = arith.index_cast %add3A_358 : i32 to index
      %get3A_388 = arith.constant 48 : index
      %get3A_389 = tpu.vector_load %arg5[%get3A_386, %get3A_387, %get3A_388] {strides = array<i32>} : memref<2x32x512xf32, #tpu.memory_space<vmem>>, vector<1x1x16xf32>,
      %get3A_390 = vector.shape_cast %get3A_389 : vector<1x1x16xf32> to vector<16xf32>
      %mul3A_391 = arith.mulf %get3A_390, %get3A_390 : vector<16xf32>
      %add3A_392 = arith.addf %add3A_384, %mul3A_391 : vector<16xf32>
      %get3A_393 = arith.constant 1 : i32
      %get3A_394 = arith.index_cast %get3A_393 : i32 to index
      %get3A_395 = arith.index_cast %add3A_358 : i32 to index
      %get3A_396 = arith.constant 64 : index
      %get3A_397 = tpu.vector_load %arg5[%get3A_394, %get3A_395, %get3A_396] {strides = array<i32>} : memref<2x32x512xf32, #tpu.memory_space<vmem>>, vector<1x1x16xf32>,
      %get3A_398 = vector.shape_cast %get3A_397 : vector<1x1x16xf32> to vector<16xf32>
      %mul3A_399 = arith.mulf %get3A_398, %get3A_398 : vector<16xf32>
      %add3A_400 = arith.addf %add3A_392, %mul3A_399 : vector<16xf32>
      %get3A_401 = arith.constant 1 : i32
      %get3A_402 = arith.index_cast %get3A_401 : i32 to index
      %get3A_403 = arith.index_cast %add3A_358 : i32 to index
      %get3A_404 = arith.constant 80 : index
      %get3A_405 = tpu.vector_load %arg5[%get3A_402, %get3A_403, %get3A_404] {strides = array<i32>} : memref<2x32x512xf32, #tpu.memory_space<vmem>>, vector<1x1x16xf32>,
      %get3A_406 = vector.shape_cast %get3A_405 : vector<1x1x16xf32> to vector<16xf32>
      %mul3A_407 = arith.mulf %get3A_406, %get3A_406 : vector<16xf32>
      %add3A_408 = arith.addf %add3A_400, %mul3A_407 : vector<16xf32>
      %get3A_409 = arith.constant 1 : i32
      %get3A_410 = arith.index_cast %get3A_409 : i32 to index
      %get3A_411 = arith.index_cast %add3A_358 : i32 to index
      %get3A_412 = arith.constant 96 : index
      %get3A_413 = tpu.vector_load %arg5[%get3A_410, %get3A_411, %get3A_412] {strides = array<i32>} : memref<2x32x512xf32, #tpu.memory_space<vmem>>, vector<1x1x16xf32>,
      %get3A_414 = vector.shape_cast %get3A_413 : vector<1x1x16xf32> to vector<16xf32>
      %mul3A_415 = arith.mulf %get3A_414, %get3A_414 : vector<16xf32>
      %add3A_416 = arith.addf %add3A_408, %mul3A_415 : vector<16xf32>
      %get3A_417 = arith.constant 1 : i32
      %get3A_418 = arith.index_cast %get3A_417 : i32 to index
      %get3A_419 = arith.index_cast %add3A_358 : i32 to index
      %get3A_420 = arith.constant 112 : index
      %get3A_421 = tpu.vector_load %arg5[%get3A_418, %get3A_419, %get3A_420] {strides = array<i32>} : memref<2x32x512xf32, #tpu.memory_space<vmem>>, vector<1x1x16xf32>,
      %get3A_422 = vector.shape_cast %get3A_421 : vector<1x1x16xf32> to vector<16xf32>
      %mul3A_423 = arith.mulf %get3A_422, %get3A_422 : vector<16xf32>
      %add3A_424 = arith.addf %add3A_416, %mul3A_423 : vector<16xf32>
      %get3A_425 = arith.constant 1 : i32
      %get3A_426 = arith.index_cast %get3A_425 : i32 to index
      %get3A_427 = arith.index_cast %add3A_358 : i32 to index
      %get3A_428 = arith.constant 128 : index
      %get3A_429 = tpu.vector_load %arg5[%get3A_426, %get3A_427, %get3A_428] {strides = array<i32>} : memref<2x32x512xf32, #tpu.memory_space<vmem>>, vector<1x1x16xf32>,
      %get3A_430 = vector.shape_cast %get3A_429 : vector<1x1x16xf32> to vector<16xf32>
      %mul3A_431 = arith.mulf %get3A_430, %get3A_430 : vector<16xf32>
      %add3A_432 = arith.addf %add3A_424, %mul3A_431 : vector<16xf32>
      %get3A_433 = arith.constant 1 : i32
      %get3A_434 = arith.index_cast %get3A_433 : i32 to index
      %get3A_435 = arith.index_cast %add3A_358 : i32 to index
      %get3A_436 = arith.constant 144 : index
      %get3A_437 = tpu.vector_load %arg5[%get3A_434, %get3A_435, %get3A_436] {strides = array<i32>} : memref<2x32x512xf32, #tpu.memory_space<vmem>>, vector<1x1x16xf32>,
      %get3A_438 = vector.shape_cast %get3A_437 : vector<1x1x16xf32> to vector<16xf32>
      %mul3A_439 = arith.mulf %get3A_438, %get3A_438 : vector<16xf32>
      %add3A_440 = arith.addf %add3A_432, %mul3A_439 : vector<16xf32>
      %get3A_441 = arith.constant 1 : i32
      %get3A_442 = arith.index_cast %get3A_441 : i32 to index
      %get3A_443 = arith.index_cast %add3A_358 : i32 to index
      %get3A_444 = arith.constant 160 : index
      %get3A_445 = tpu.vector_load %arg5[%get3A_442, %get3A_443, %get3A_444] {strides = array<i32>} : memref<2x32x512xf32, #tpu.memory_space<vmem>>, vector<1x1x16xf32>,
      %get3A_446 = vector.shape_cast %get3A_445 : vector<1x1x16xf32> to vector<16xf32>
      %mul3A_447 = arith.mulf %get3A_446, %get3A_446 : vector<16xf32>
      %add3A_448 = arith.addf %add3A_440, %mul3A_447 : vector<16xf32>
      %get3A_449 = arith.constant 1 : i32
      %get3A_450 = arith.index_cast %get3A_449 : i32 to index
      %get3A_451 = arith.index_cast %add3A_358 : i32 to index
      %get3A_452 = arith.constant 176 : index
      %get3A_453 = tpu.vector_load %arg5[%get3A_450, %get3A_451, %get3A_452] {strides = array<i32>} : memref<2x32x512xf32, #tpu.memory_space<vmem>>, vector<1x1x16xf32>,
      %get3A_454 = vector.shape_cast %get3A_453 : vector<1x1x16xf32> to vector<16xf32>
      %mul3A_455 = arith.mulf %get3A_454, %get3A_454 : vector<16xf32>
      %add3A_456 = arith.addf %add3A_448, %mul3A_455 : vector<16xf32>
      %get3A_457 = arith.constant 1 : i32
      %get3A_458 = arith.index_cast %get3A_457 : i32 to index
      %get3A_459 = arith.index_cast %add3A_358 : i32 to index
      %get3A_460 = arith.constant 192 : index
      %get3A_461 = tpu.vector_load %arg5[%get3A_458, %get3A_459, %get3A_460] {strides = array<i32>} : memref<2x32x512xf32, #tpu.memory_space<vmem>>, vector<1x1x16xf32>,
      %get3A_462 = vector.shape_cast %get3A_461 : vector<1x1x16xf32> to vector<16xf32>
      %mul3A_463 = arith.mulf %get3A_462, %get3A_462 : vector<16xf32>
      %add3A_464 = arith.addf %add3A_456, %mul3A_463 : vector<16xf32>
      %get3A_465 = arith.constant 1 : i32
      %get3A_466 = arith.index_cast %get3A_465 : i32 to index
      %get3A_467 = arith.index_cast %add3A_358 : i32 to index
      %get3A_468 = arith.constant 208 : index
      %get3A_469 = tpu.vector_load %arg5[%get3A_466, %get3A_467, %get3A_468] {strides = array<i32>} : memref<2x32x512xf32, #tpu.memory_space<vmem>>, vector<1x1x16xf32>,
      %get3A_470 = vector.shape_cast %get3A_469 : vector<1x1x16xf32> to vector<16xf32>
      %mul3A_471 = arith.mulf %get3A_470, %get3A_470 : vector<16xf32>
      %add3A_472 = arith.addf %add3A_464, %mul3A_471 : vector<16xf32>
      %get3A_473 = arith.constant 1 : i32
      %get3A_474 = arith.index_cast %get3A_473 : i32 to index
      %get3A_475 = arith.index_cast %add3A_358 : i32 to index
      %get3A_476 = arith.constant 224 : index
      %get3A_477 = tpu.vector_load %arg5[%get3A_474, %get3A_475, %get3A_476] {strides = array<i32>} : memref<2x32x512xf32, #tpu.memory_space<vmem>>, vector<1x1x16xf32>,
      %get3A_478 = vector.shape_cast %get3A_477 : vector<1x1x16xf32> to vector<16xf32>
      %mul3A_479 = arith.mulf %get3A_478, %get3A_478 : vector<16xf32>
      %add3A_480 = arith.addf %add3A_472, %mul3A_479 : vector<16xf32>
      %get3A_481 = arith.constant 1 : i32
      %get3A_482 = arith.index_cast %get3A_481 : i32 to index
      %get3A_483 = arith.index_cast %add3A_358 : i32 to index
      %get3A_484 = arith.constant 240 : index
      %get3A_485 = tpu.vector_load %arg5[%get3A_482, %get3A_483, %get3A_484] {strides = array<i32>} : memref<2x32x512xf32, #tpu.memory_space<vmem>>, vector<1x1x16xf32>,
      %get3A_486 = vector.shape_cast %get3A_485 : vector<1x1x16xf32> to vector<16xf32>
      %mul3A_487 = arith.mulf %get3A_486, %get3A_486 : vector<16xf32>
      %add3A_488 = arith.addf %add3A_480, %mul3A_487 : vector<16xf32>
      %get3A_489 = arith.constant 1 : i32
      %get3A_490 = arith.index_cast %get3A_489 : i32 to index
      %get3A_491 = arith.index_cast %add3A_358 : i32 to index
      %get3A_492 = arith.constant 256 : index
      %get3A_493 = tpu.vector_load %arg5[%get3A_490, %get3A_491, %get3A_492] {strides = array<i32>} : memref<2x32x512xf32, #tpu.memory_space<vmem>>, vector<1x1x16xf32>,
      %get3A_494 = vector.shape_cast %get3A_493 : vector<1x1x16xf32> to vector<16xf32>
      %mul3A_495 = arith.mulf %get3A_494, %get3A_494 : vector<16xf32>
      %add3A_496 = arith.addf %add3A_488, %mul3A_495 : vector<16xf32>
      %get3A_497 = arith.constant 1 : i32
      %get3A_498 = arith.index_cast %get3A_497 : i32 to index
      %get3A_499 = arith.index_cast %add3A_358 : i32 to index
      %get3A_500 = arith.constant 272 : index
      %get3A_501 = tpu.vector_load %arg5[%get3A_498, %get3A_499, %get3A_500] {strides = array<i32>} : memref<2x32x512xf32, #tpu.memory_space<vmem>>, vector<1x1x16xf32>,
      %get3A_502 = vector.shape_cast %get3A_501 : vector<1x1x16xf32> to vector<16xf32>
      %mul3A_503 = arith.mulf %get3A_502, %get3A_502 : vector<16xf32>
      %add3A_504 = arith.addf %add3A_496, %mul3A_503 : vector<16xf32>
      %get3A_505 = arith.constant 1 : i32
      %get3A_506 = arith.index_cast %get3A_505 : i32 to index
      %get3A_507 = arith.index_cast %add3A_358 : i32 to index
      %get3A_508 = arith.constant 288 : index
      %get3A_509 = tpu.vector_load %arg5[%get3A_506, %get3A_507, %get3A_508] {strides = array<i32>} : memref<2x32x512xf32, #tpu.memory_space<vmem>>, vector<1x1x16xf32>,
      %get3A_510 = vector.shape_cast %get3A_509 : vector<1x1x16xf32> to vector<16xf32>
      %mul3A_511 = arith.mulf %get3A_510, %get3A_510 : vector<16xf32>
      %add3A_512 = arith.addf %add3A_504, %mul3A_511 : vector<16xf32>
      %get3A_513 = arith.constant 1 : i32
      %get3A_514 = arith.index_cast %get3A_513 : i32 to index
      %get3A_515 = arith.index_cast %add3A_358 : i32 to index
      %get3A_516 = arith.constant 304 : index
      %get3A_517 = tpu.vector_load %arg5[%get3A_514, %get3A_515, %get3A_516] {strides = array<i32>} : memref<2x32x512xf32, #tpu.memory_space<vmem>>, vector<1x1x16xf32>,
      %get3A_518 = vector.shape_cast %get3A_517 : vector<1x1x16xf32> to vector<16xf32>
      %mul3A_519 = arith.mulf %get3A_518, %get3A_518 : vector<16xf32>
      %add3A_520 = arith.addf %add3A_512, %mul3A_519 : vector<16xf32>
      %get3A_521 = arith.constant 1 : i32
      %get3A_522 = arith.index_cast %get3A_521 : i32 to index
      %get3A_523 = arith.index_cast %add3A_358 : i32 to index
      %get3A_524 = arith.constant 320 : index
      %get3A_525 = tpu.vector_load %arg5[%get3A_522, %get3A_523, %get3A_524] {strides = array<i32>} : memref<2x32x512xf32, #tpu.memory_space<vmem>>, vector<1x1x16xf32>,
      %get3A_526 = vector.shape_cast %get3A_525 : vector<1x1x16xf32> to vector<16xf32>
      %mul3A_527 = arith.mulf %get3A_526, %get3A_526 : vector<16xf32>
      %add3A_528 = arith.addf %add3A_520, %mul3A_527 : vector<16xf32>
      %get3A_529 = arith.constant 1 : i32
      %get3A_530 = arith.index_cast %get3A_529 : i32 to index
      %get3A_531 = arith.index_cast %add3A_358 : i32 to index
      %get3A_532 = arith.constant 336 : index
      %get3A_533 = tpu.vector_load %arg5[%get3A_530, %get3A_531, %get3A_532] {strides = array<i32>} : memref<2x32x512xf32, #tpu.memory_space<vmem>>, vector<1x1x16xf32>,
      %get3A_534 = vector.shape_cast %get3A_533 : vector<1x1x16xf32> to vector<16xf32>
      %mul3A_535 = arith.mulf %get3A_534, %get3A_534 : vector<16xf32>
      %add3A_536 = arith.addf %add3A_528, %mul3A_535 : vector<16xf32>
      %get3A_537 = arith.constant 1 : i32
      %get3A_538 = arith.index_cast %get3A_537 : i32 to index
      %get3A_539 = arith.index_cast %add3A_358 : i32 to index
      %get3A_540 = arith.constant 352 : index
      %get3A_541 = tpu.vector_load %arg5[%get3A_538, %get3A_539, %get3A_540] {strides = array<i32>} : memref<2x32x512xf32, #tpu.memory_space<vmem>>, vector<1x1x16xf32>,
      %get3A_542 = vector.shape_cast %get3A_541 : vector<1x1x16xf32> to vector<16xf32>
      %mul3A_543 = arith.mulf %get3A_542, %get3A_542 : vector<16xf32>
      %add3A_544 = arith.addf %add3A_536, %mul3A_543 : vector<16xf32>
      %get3A_545 = arith.constant 1 : i32
      %get3A_546 = arith.index_cast %get3A_545 : i32 to index
      %get3A_547 = arith.index_cast %add3A_358 : i32 to index
      %get3A_548 = arith.constant 368 : index
      %get3A_549 = tpu.vector_load %arg5[%get3A_546, %get3A_547, %get3A_548] {strides = array<i32>} : memref<2x32x512xf32, #tpu.memory_space<vmem>>, vector<1x1x16xf32>,
      %get3A_550 = vector.shape_cast %get3A_549 : vector<1x1x16xf32> to vector<16xf32>
      %mul3A_551 = arith.mulf %get3A_550, %get3A_550 : vector<16xf32>
      %add3A_552 = arith.addf %add3A_544, %mul3A_551 : vector<16xf32>
      %get3A_553 = arith.constant 1 : i32
      %get3A_554 = arith.index_cast %get3A_553 : i32 to index
      %get3A_555 = arith.index_cast %add3A_358 : i32 to index
      %get3A_556 = arith.constant 384 : index
      %get3A_557 = tpu.vector_load %arg5[%get3A_554, %get3A_555, %get3A_556] {strides = array<i32>} : memref<2x32x512xf32, #tpu.memory_space<vmem>>, vector<1x1x16xf32>,
      %get3A_558 = vector.shape_cast %get3A_557 : vector<1x1x16xf32> to vector<16xf32>
      %mul3A_559 = arith.mulf %get3A_558, %get3A_558 : vector<16xf32>
      %add3A_560 = arith.addf %add3A_552, %mul3A_559 : vector<16xf32>
      %get3A_561 = arith.constant 1 : i32
      %get3A_562 = arith.index_cast %get3A_561 : i32 to index
      %get3A_563 = arith.index_cast %add3A_358 : i32 to index
      %get3A_564 = arith.constant 400 : index
      %get3A_565 = tpu.vector_load %arg5[%get3A_562, %get3A_563, %get3A_564] {strides = array<i32>} : memref<2x32x512xf32, #tpu.memory_space<vmem>>, vector<1x1x16xf32>,
      %get3A_566 = vector.shape_cast %get3A_565 : vector<1x1x16xf32> to vector<16xf32>
      %mul3A_567 = arith.mulf %get3A_566, %get3A_566 : vector<16xf32>
      %add3A_568 = arith.addf %add3A_560, %mul3A_567 : vector<16xf32>
      %get3A_569 = arith.constant 1 : i32
      %get3A_570 = arith.index_cast %get3A_569 : i32 to index
      %get3A_571 = arith.index_cast %add3A_358 : i32 to index
      %get3A_572 = arith.constant 416 : index
      %get3A_573 = tpu.vector_load %arg5[%get3A_570, %get3A_571, %get3A_572] {strides = array<i32>} : memref<2x32x512xf32, #tpu.memory_space<vmem>>, vector<1x1x16xf32>,
      %get3A_574 = vector.shape_cast %get3A_573 : vector<1x1x16xf32> to vector<16xf32>
      %mul3A_575 = arith.mulf %get3A_574, %get3A_574 : vector<16xf32>
      %add3A_576 = arith.addf %add3A_568, %mul3A_575 : vector<16xf32>
      %get3A_577 = arith.constant 1 : i32
      %get3A_578 = arith.index_cast %get3A_577 : i32 to index
      %get3A_579 = arith.index_cast %add3A_358 : i32 to index
      %get3A_580 = arith.constant 432 : index
      %get3A_581 = tpu.vector_load %arg5[%get3A_578, %get3A_579, %get3A_580] {strides = array<i32>} : memref<2x32x512xf32, #tpu.memory_space<vmem>>, vector<1x1x16xf32>,
      %get3A_582 = vector.shape_cast %get3A_581 : vector<1x1x16xf32> to vector<16xf32>
      %mul3A_583 = arith.mulf %get3A_582, %get3A_582 : vector<16xf32>
      %add3A_584 = arith.addf %add3A_576, %mul3A_583 : vector<16xf32>
      %get3A_585 = arith.constant 1 : i32
      %get3A_586 = arith.index_cast %get3A_585 : i32 to index
      %get3A_587 = arith.index_cast %add3A_358 : i32 to index
      %get3A_588 = arith.constant 448 : index
      %get3A_589 = tpu.vector_load %arg5[%get3A_586, %get3A_587, %get3A_588] {strides = array<i32>} : memref<2x32x512xf32, #tpu.memory_space<vmem>>, vector<1x1x16xf32>,
      %get3A_590 = vector.shape_cast %get3A_589 : vector<1x1x16xf32> to vector<16xf32>
      %mul3A_591 = arith.mulf %get3A_590, %get3A_590 : vector<16xf32>
      %add3A_592 = arith.addf %add3A_584, %mul3A_591 : vector<16xf32>
      %get3A_593 = arith.constant 1 : i32
      %get3A_594 = arith.index_cast %get3A_593 : i32 to index
      %get3A_595 = arith.index_cast %add3A_358 : i32 to index
      %get3A_596 = arith.constant 464 : index
      %get3A_597 = tpu.vector_load %arg5[%get3A_594, %get3A_595, %get3A_596] {strides = array<i32>} : memref<2x32x512xf32, #tpu.memory_space<vmem>>, vector<1x1x16xf32>,
      %get3A_598 = vector.shape_cast %get3A_597 : vector<1x1x16xf32> to vector<16xf32>
      %mul3A_599 = arith.mulf %get3A_598, %get3A_598 : vector<16xf32>
      %add3A_600 = arith.addf %add3A_592, %mul3A_599 : vector<16xf32>
      %get3A_601 = arith.constant 1 : i32
      %get3A_602 = arith.index_cast %get3A_601 : i32 to index
      %get3A_603 = arith.index_cast %add3A_358 : i32 to index
      %get3A_604 = arith.constant 480 : index
      %get3A_605 = tpu.vector_load %arg5[%get3A_602, %get3A_603, %get3A_604] {strides = array<i32>} : memref<2x32x512xf32, #tpu.memory_space<vmem>>, vector<1x1x16xf32>,
      %get3A_606 = vector.shape_cast %get3A_605 : vector<1x1x16xf32> to vector<16xf32>
      %mul3A_607 = arith.mulf %get3A_606, %get3A_606 : vector<16xf32>
      %add3A_608 = arith.addf %add3A_600, %mul3A_607 : vector<16xf32>
      %get3A_609 = arith.constant 1 : i32
      %get3A_610 = arith.index_cast %get3A_609 : i32 to index
      %get3A_611 = arith.index_cast %add3A_358 : i32 to index
      %get3A_612 = arith.constant 496 : index
      %get3A_613 = tpu.vector_load %arg5[%get3A_610, %get3A_611, %get3A_612] {strides = array<i32>} : memref<2x32x512xf32, #tpu.memory_space<vmem>>, vector<1x1x16xf32>,
      %get3A_614 = vector.shape_cast %get3A_613 : vector<1x1x16xf32> to vector<16xf32>
      %mul3A_615 = arith.mulf %get3A_614, %get3A_614 : vector<16xf32>
      %add3A_616 = arith.addf %add3A_608, %mul3A_615 : vector<16xf32>
      %add3A_617 = arith.constant 32 : i32
      %add3A_618 = arith.addi %add3A_617, %add3A_358 : i32
      %mul3A_619 = arith.constant 16 : i32
      %mul3A_620 = arith.muli %add3A_618, %mul3A_619 : i32
      %swap3A_621 = arith.index_cast %mul3A_620 : i32 to index
      %swap3A_622 = tpu.vector_load %arg6[%swap3A_621] {strides = array<i32>} : memref<1024xf32, #tpu.memory_space<vmem>>, vector<16xf32>,
      %swap3A_623 = vector.shape_cast %swap3A_622 : vector<16xf32> to vector<16xf32>
      %swap3A_624 = vector.shape_cast %add3A_616 : vector<16xf32> to vector<16xf32>
      tpu.vector_store %arg6[%swap3A_621], %swap3A_624 {strides = array<i32>} : memref<1024xf32, #tpu.memory_space<vmem>>, vector<16xf32>,
      %mul3A_625 = arith.constant 4 : i32
      %mul3A_626 = arith.muli %scan3A_85, %mul3A_625 : i32
      %add3A_627 = arith.constant 2 : i32
      %add3A_628 = arith.addi %mul3A_626, %add3A_627 : i32
      %broadcast_in_dim3A_629 = arith.constant 0.000000e+00 : f32
      %broadcast_in_dim3A_630 = vector.broadcast %broadcast_in_dim3A_629 : f32 to vector<16xf32>
      %get3A_631 = arith.constant 1 : i32
      %get3A_632 = arith.index_cast %get3A_631 : i32 to index
      %get3A_633 = arith.index_cast %add3A_628 : i32 to index
      %get3A_634 = arith.constant 0 : index
      %get3A_635 = tpu.vector_load %arg5[%get3A_632, %get3A_633, %get3A_634] {strides = array<i32>} : memref<2x32x512xf32, #tpu.memory_space<vmem>>, vector<1x1x16xf32>,
      %get3A_636 = vector.shape_cast %get3A_635 : vector<1x1x16xf32> to vector<16xf32>
      %mul3A_637 = arith.mulf %get3A_636, %get3A_636 : vector<16xf32>
      %add3A_638 = arith.addf %broadcast_in_dim3A_630, %mul3A_637 : vector<16xf32>
      %get3A_639 = arith.constant 1 : i32
      %get3A_640 = arith.index_cast %get3A_639 : i32 to index
      %get3A_641 = arith.index_cast %add3A_628 : i32 to index
      %get3A_642 = arith.constant 16 : index
      %get3A_643 = tpu.vector_load %arg5[%get3A_640, %get3A_641, %get3A_642] {strides = array<i32>} : memref<2x32x512xf32, #tpu.memory_space<vmem>>, vector<1x1x16xf32>,
      %get3A_644 = vector.shape_cast %get3A_643 : vector<1x1x16xf32> to vector<16xf32>
      %mul3A_645 = arith.mulf %get3A_644, %get3A_644 : vector<16xf32>
      %add3A_646 = arith.addf %add3A_638, %mul3A_645 : vector<16xf32>
      %get3A_647 = arith.constant 1 : i32
      %get3A_648 = arith.index_cast %get3A_647 : i32 to index
      %get3A_649 = arith.index_cast %add3A_628 : i32 to index
      %get3A_650 = arith.constant 32 : index
      %get3A_651 = tpu.vector_load %arg5[%get3A_648, %get3A_649, %get3A_650] {strides = array<i32>} : memref<2x32x512xf32, #tpu.memory_space<vmem>>, vector<1x1x16xf32>,
      %get3A_652 = vector.shape_cast %get3A_651 : vector<1x1x16xf32> to vector<16xf32>
      %mul3A_653 = arith.mulf %get3A_652, %get3A_652 : vector<16xf32>
      %add3A_654 = arith.addf %add3A_646, %mul3A_653 : vector<16xf32>
      %get3A_655 = arith.constant 1 : i32
      %get3A_656 = arith.index_cast %get3A_655 : i32 to index
      %get3A_657 = arith.index_cast %add3A_628 : i32 to index
      %get3A_658 = arith.constant 48 : index
      %get3A_659 = tpu.vector_load %arg5[%get3A_656, %get3A_657, %get3A_658] {strides = array<i32>} : memref<2x32x512xf32, #tpu.memory_space<vmem>>, vector<1x1x16xf32>,
      %get3A_660 = vector.shape_cast %get3A_659 : vector<1x1x16xf32> to vector<16xf32>
      %mul3A_661 = arith.mulf %get3A_660, %get3A_660 : vector<16xf32>
      %add3A_662 = arith.addf %add3A_654, %mul3A_661 : vector<16xf32>
      %get3A_663 = arith.constant 1 : i32
      %get3A_664 = arith.index_cast %get3A_663 : i32 to index
      %get3A_665 = arith.index_cast %add3A_628 : i32 to index
      %get3A_666 = arith.constant 64 : index
      %get3A_667 = tpu.vector_load %arg5[%get3A_664, %get3A_665, %get3A_666] {strides = array<i32>} : memref<2x32x512xf32, #tpu.memory_space<vmem>>, vector<1x1x16xf32>,
      %get3A_668 = vector.shape_cast %get3A_667 : vector<1x1x16xf32> to vector<16xf32>
      %mul3A_669 = arith.mulf %get3A_668, %get3A_668 : vector<16xf32>
      %add3A_670 = arith.addf %add3A_662, %mul3A_669 : vector<16xf32>
      %get3A_671 = arith.constant 1 : i32
      %get3A_672 = arith.index_cast %get3A_671 : i32 to index
      %get3A_673 = arith.index_cast %add3A_628 : i32 to index
      %get3A_674 = arith.constant 80 : index
      %get3A_675 = tpu.vector_load %arg5[%get3A_672, %get3A_673, %get3A_674] {strides = array<i32>} : memref<2x32x512xf32, #tpu.memory_space<vmem>>, vector<1x1x16xf32>,
      %get3A_676 = vector.shape_cast %get3A_675 : vector<1x1x16xf32> to vector<16xf32>
      %mul3A_677 = arith.mulf %get3A_676, %get3A_676 : vector<16xf32>
      %add3A_678 = arith.addf %add3A_670, %mul3A_677 : vector<16xf32>
      %get3A_679 = arith.constant 1 : i32
      %get3A_680 = arith.index_cast %get3A_679 : i32 to index
      %get3A_681 = arith.index_cast %add3A_628 : i32 to index
      %get3A_682 = arith.constant 96 : index
      %get3A_683 = tpu.vector_load %arg5[%get3A_680, %get3A_681, %get3A_682] {strides = array<i32>} : memref<2x32x512xf32, #tpu.memory_space<vmem>>, vector<1x1x16xf32>,
      %get3A_684 = vector.shape_cast %get3A_683 : vector<1x1x16xf32> to vector<16xf32>
      %mul3A_685 = arith.mulf %get3A_684, %get3A_684 : vector<16xf32>
      %add3A_686 = arith.addf %add3A_678, %mul3A_685 : vector<16xf32>
      %get3A_687 = arith.constant 1 : i32
      %get3A_688 = arith.index_cast %get3A_687 : i32 to index
      %get3A_689 = arith.index_cast %add3A_628 : i32 to index
      %get3A_690 = arith.constant 112 : index
      %get3A_691 = tpu.vector_load %arg5[%get3A_688, %get3A_689, %get3A_690] {strides = array<i32>} : memref<2x32x512xf32, #tpu.memory_space<vmem>>, vector<1x1x16xf32>,
      %get3A_692 = vector.shape_cast %get3A_691 : vector<1x1x16xf32> to vector<16xf32>
      %mul3A_693 = arith.mulf %get3A_692, %get3A_692 : vector<16xf32>
      %add3A_694 = arith.addf %add3A_686, %mul3A_693 : vector<16xf32>
      %get3A_695 = arith.constant 1 : i32
      %get3A_696 = arith.index_cast %get3A_695 : i32 to index
      %get3A_697 = arith.index_cast %add3A_628 : i32 to index
      %get3A_698 = arith.constant 128 : index
      %get3A_699 = tpu.vector_load %arg5[%get3A_696, %get3A_697, %get3A_698] {strides = array<i32>} : memref<2x32x512xf32, #tpu.memory_space<vmem>>, vector<1x1x16xf32>,
      %get3A_700 = vector.shape_cast %get3A_699 : vector<1x1x16xf32> to vector<16xf32>
      %mul3A_701 = arith.mulf %get3A_700, %get3A_700 : vector<16xf32>
      %add3A_702 = arith.addf %add3A_694, %mul3A_701 : vector<16xf32>
      %get3A_703 = arith.constant 1 : i32
      %get3A_704 = arith.index_cast %get3A_703 : i32 to index
      %get3A_705 = arith.index_cast %add3A_628 : i32 to index
      %get3A_706 = arith.constant 144 : index
      %get3A_707 = tpu.vector_load %arg5[%get3A_704, %get3A_705, %get3A_706] {strides = array<i32>} : memref<2x32x512xf32, #tpu.memory_space<vmem>>, vector<1x1x16xf32>,
      %get3A_708 = vector.shape_cast %get3A_707 : vector<1x1x16xf32> to vector<16xf32>
      %mul3A_709 = arith.mulf %get3A_708, %get3A_708 : vector<16xf32>
      %add3A_710 = arith.addf %add3A_702, %mul3A_709 : vector<16xf32>
      %get3A_711 = arith.constant 1 : i32
      %get3A_712 = arith.index_cast %get3A_711 : i32 to index
      %get3A_713 = arith.index_cast %add3A_628 : i32 to index
      %get3A_714 = arith.constant 160 : index
      %get3A_715 = tpu.vector_load %arg5[%get3A_712, %get3A_713, %get3A_714] {strides = array<i32>} : memref<2x32x512xf32, #tpu.memory_space<vmem>>, vector<1x1x16xf32>,
      %get3A_716 = vector.shape_cast %get3A_715 : vector<1x1x16xf32> to vector<16xf32>
      %mul3A_717 = arith.mulf %get3A_716, %get3A_716 : vector<16xf32>
      %add3A_718 = arith.addf %add3A_710, %mul3A_717 : vector<16xf32>
      %get3A_719 = arith.constant 1 : i32
      %get3A_720 = arith.index_cast %get3A_719 : i32 to index
      %get3A_721 = arith.index_cast %add3A_628 : i32 to index
      %get3A_722 = arith.constant 176 : index
      %get3A_723 = tpu.vector_load %arg5[%get3A_720, %get3A_721, %get3A_722] {strides = array<i32>} : memref<2x32x512xf32, #tpu.memory_space<vmem>>, vector<1x1x16xf32>,
      %get3A_724 = vector.shape_cast %get3A_723 : vector<1x1x16xf32> to vector<16xf32>
      %mul3A_725 = arith.mulf %get3A_724, %get3A_724 : vector<16xf32>
      %add3A_726 = arith.addf %add3A_718, %mul3A_725 : vector<16xf32>
      %get3A_727 = arith.constant 1 : i32
      %get3A_728 = arith.index_cast %get3A_727 : i32 to index
      %get3A_729 = arith.index_cast %add3A_628 : i32 to index
      %get3A_730 = arith.constant 192 : index
      %get3A_731 = tpu.vector_load %arg5[%get3A_728, %get3A_729, %get3A_730] {strides = array<i32>} : memref<2x32x512xf32, #tpu.memory_space<vmem>>, vector<1x1x16xf32>,
      %get3A_732 = vector.shape_cast %get3A_731 : vector<1x1x16xf32> to vector<16xf32>
      %mul3A_733 = arith.mulf %get3A_732, %get3A_732 : vector<16xf32>
      %add3A_734 = arith.addf %add3A_726, %mul3A_733 : vector<16xf32>
      %get3A_735 = arith.constant 1 : i32
      %get3A_736 = arith.index_cast %get3A_735 : i32 to index
      %get3A_737 = arith.index_cast %add3A_628 : i32 to index
      %get3A_738 = arith.constant 208 : index
      %get3A_739 = tpu.vector_load %arg5[%get3A_736, %get3A_737, %get3A_738] {strides = array<i32>} : memref<2x32x512xf32, #tpu.memory_space<vmem>>, vector<1x1x16xf32>,
      %get3A_740 = vector.shape_cast %get3A_739 : vector<1x1x16xf32> to vector<16xf32>
      %mul3A_741 = arith.mulf %get3A_740, %get3A_740 : vector<16xf32>
      %add3A_742 = arith.addf %add3A_734, %mul3A_741 : vector<16xf32>
      %get3A_743 = arith.constant 1 : i32
      %get3A_744 = arith.index_cast %get3A_743 : i32 to index
      %get3A_745 = arith.index_cast %add3A_628 : i32 to index
      %get3A_746 = arith.constant 224 : index
      %get3A_747 = tpu.vector_load %arg5[%get3A_744, %get3A_745, %get3A_746] {strides = array<i32>} : memref<2x32x512xf32, #tpu.memory_space<vmem>>, vector<1x1x16xf32>,
      %get3A_748 = vector.shape_cast %get3A_747 : vector<1x1x16xf32> to vector<16xf32>
      %mul3A_749 = arith.mulf %get3A_748, %get3A_748 : vector<16xf32>
      %add3A_750 = arith.addf %add3A_742, %mul3A_749 : vector<16xf32>
      %get3A_751 = arith.constant 1 : i32
      %get3A_752 = arith.index_cast %get3A_751 : i32 to index
      %get3A_753 = arith.index_cast %add3A_628 : i32 to index
      %get3A_754 = arith.constant 240 : index
      %get3A_755 = tpu.vector_load %arg5[%get3A_752, %get3A_753, %get3A_754] {strides = array<i32>} : memref<2x32x512xf32, #tpu.memory_space<vmem>>, vector<1x1x16xf32>,
      %get3A_756 = vector.shape_cast %get3A_755 : vector<1x1x16xf32> to vector<16xf32>
      %mul3A_757 = arith.mulf %get3A_756, %get3A_756 : vector<16xf32>
      %add3A_758 = arith.addf %add3A_750, %mul3A_757 : vector<16xf32>
      %get3A_759 = arith.constant 1 : i32
      %get3A_760 = arith.index_cast %get3A_759 : i32 to index
      %get3A_761 = arith.index_cast %add3A_628 : i32 to index
      %get3A_762 = arith.constant 256 : index
      %get3A_763 = tpu.vector_load %arg5[%get3A_760, %get3A_761, %get3A_762] {strides = array<i32>} : memref<2x32x512xf32, #tpu.memory_space<vmem>>, vector<1x1x16xf32>,
      %get3A_764 = vector.shape_cast %get3A_763 : vector<1x1x16xf32> to vector<16xf32>
      %mul3A_765 = arith.mulf %get3A_764, %get3A_764 : vector<16xf32>
      %add3A_766 = arith.addf %add3A_758, %mul3A_765 : vector<16xf32>
      %get3A_767 = arith.constant 1 : i32
      %get3A_768 = arith.index_cast %get3A_767 : i32 to index
      %get3A_769 = arith.index_cast %add3A_628 : i32 to index
      %get3A_770 = arith.constant 272 : index
      %get3A_771 = tpu.vector_load %arg5[%get3A_768, %get3A_769, %get3A_770] {strides = array<i32>} : memref<2x32x512xf32, #tpu.memory_space<vmem>>, vector<1x1x16xf32>,
      %get3A_772 = vector.shape_cast %get3A_771 : vector<1x1x16xf32> to vector<16xf32>
      %mul3A_773 = arith.mulf %get3A_772, %get3A_772 : vector<16xf32>
      %add3A_774 = arith.addf %add3A_766, %mul3A_773 : vector<16xf32>
      %get3A_775 = arith.constant 1 : i32
      %get3A_776 = arith.index_cast %get3A_775 : i32 to index
      %get3A_777 = arith.index_cast %add3A_628 : i32 to index
      %get3A_778 = arith.constant 288 : index
      %get3A_779 = tpu.vector_load %arg5[%get3A_776, %get3A_777, %get3A_778] {strides = array<i32>} : memref<2x32x512xf32, #tpu.memory_space<vmem>>, vector<1x1x16xf32>,
      %get3A_780 = vector.shape_cast %get3A_779 : vector<1x1x16xf32> to vector<16xf32>
      %mul3A_781 = arith.mulf %get3A_780, %get3A_780 : vector<16xf32>
      %add3A_782 = arith.addf %add3A_774, %mul3A_781 : vector<16xf32>
      %get3A_783 = arith.constant 1 : i32
      %get3A_784 = arith.index_cast %get3A_783 : i32 to index
      %get3A_785 = arith.index_cast %add3A_628 : i32 to index
      %get3A_786 = arith.constant 304 : index
      %get3A_787 = tpu.vector_load %arg5[%get3A_784, %get3A_785, %get3A_786] {strides = array<i32>} : memref<2x32x512xf32, #tpu.memory_space<vmem>>, vector<1x1x16xf32>,
      %get3A_788 = vector.shape_cast %get3A_787 : vector<1x1x16xf32> to vector<16xf32>
      %mul3A_789 = arith.mulf %get3A_788, %get3A_788 : vector<16xf32>
      %add3A_790 = arith.addf %add3A_782, %mul3A_789 : vector<16xf32>
      %get3A_791 = arith.constant 1 : i32
      %get3A_792 = arith.index_cast %get3A_791 : i32 to index
      %get3A_793 = arith.index_cast %add3A_628 : i32 to index
      %get3A_794 = arith.constant 320 : index
      %get3A_795 = tpu.vector_load %arg5[%get3A_792, %get3A_793, %get3A_794] {strides = array<i32>} : memref<2x32x512xf32, #tpu.memory_space<vmem>>, vector<1x1x16xf32>,
      %get3A_796 = vector.shape_cast %get3A_795 : vector<1x1x16xf32> to vector<16xf32>
      %mul3A_797 = arith.mulf %get3A_796, %get3A_796 : vector<16xf32>
      %add3A_798 = arith.addf %add3A_790, %mul3A_797 : vector<16xf32>
      %get3A_799 = arith.constant 1 : i32
      %get3A_800 = arith.index_cast %get3A_799 : i32 to index
      %get3A_801 = arith.index_cast %add3A_628 : i32 to index
      %get3A_802 = arith.constant 336 : index
      %get3A_803 = tpu.vector_load %arg5[%get3A_800, %get3A_801, %get3A_802] {strides = array<i32>} : memref<2x32x512xf32, #tpu.memory_space<vmem>>, vector<1x1x16xf32>,
      %get3A_804 = vector.shape_cast %get3A_803 : vector<1x1x16xf32> to vector<16xf32>
      %mul3A_805 = arith.mulf %get3A_804, %get3A_804 : vector<16xf32>
      %add3A_806 = arith.addf %add3A_798, %mul3A_805 : vector<16xf32>
      %get3A_807 = arith.constant 1 : i32
      %get3A_808 = arith.index_cast %get3A_807 : i32 to index
      %get3A_809 = arith.index_cast %add3A_628 : i32 to index
      %get3A_810 = arith.constant 352 : index
      %get3A_811 = tpu.vector_load %arg5[%get3A_808, %get3A_809, %get3A_810] {strides = array<i32>} : memref<2x32x512xf32, #tpu.memory_space<vmem>>, vector<1x1x16xf32>,
      %get3A_812 = vector.shape_cast %get3A_811 : vector<1x1x16xf32> to vector<16xf32>
      %mul3A_813 = arith.mulf %get3A_812, %get3A_812 : vector<16xf32>
      %add3A_814 = arith.addf %add3A_806, %mul3A_813 : vector<16xf32>
      %get3A_815 = arith.constant 1 : i32
      %get3A_816 = arith.index_cast %get3A_815 : i32 to index
      %get3A_817 = arith.index_cast %add3A_628 : i32 to index
      %get3A_818 = arith.constant 368 : index
      %get3A_819 = tpu.vector_load %arg5[%get3A_816, %get3A_817, %get3A_818] {strides = array<i32>} : memref<2x32x512xf32, #tpu.memory_space<vmem>>, vector<1x1x16xf32>,
      %get3A_820 = vector.shape_cast %get3A_819 : vector<1x1x16xf32> to vector<16xf32>
      %mul3A_821 = arith.mulf %get3A_820, %get3A_820 : vector<16xf32>
      %add3A_822 = arith.addf %add3A_814, %mul3A_821 : vector<16xf32>
      %get3A_823 = arith.constant 1 : i32
      %get3A_824 = arith.index_cast %get3A_823 : i32 to index
      %get3A_825 = arith.index_cast %add3A_628 : i32 to index
      %get3A_826 = arith.constant 384 : index
      %get3A_827 = tpu.vector_load %arg5[%get3A_824, %get3A_825, %get3A_826] {strides = array<i32>} : memref<2x32x512xf32, #tpu.memory_space<vmem>>, vector<1x1x16xf32>,
      %get3A_828 = vector.shape_cast %get3A_827 : vector<1x1x16xf32> to vector<16xf32>
      %mul3A_829 = arith.mulf %get3A_828, %get3A_828 : vector<16xf32>
      %add3A_830 = arith.addf %add3A_822, %mul3A_829 : vector<16xf32>
      %get3A_831 = arith.constant 1 : i32
      %get3A_832 = arith.index_cast %get3A_831 : i32 to index
      %get3A_833 = arith.index_cast %add3A_628 : i32 to index
      %get3A_834 = arith.constant 400 : index
      %get3A_835 = tpu.vector_load %arg5[%get3A_832, %get3A_833, %get3A_834] {strides = array<i32>} : memref<2x32x512xf32, #tpu.memory_space<vmem>>, vector<1x1x16xf32>,
      %get3A_836 = vector.shape_cast %get3A_835 : vector<1x1x16xf32> to vector<16xf32>
      %mul3A_837 = arith.mulf %get3A_836, %get3A_836 : vector<16xf32>
      %add3A_838 = arith.addf %add3A_830, %mul3A_837 : vector<16xf32>
      %get3A_839 = arith.constant 1 : i32
      %get3A_840 = arith.index_cast %get3A_839 : i32 to index
      %get3A_841 = arith.index_cast %add3A_628 : i32 to index
      %get3A_842 = arith.constant 416 : index
      %get3A_843 = tpu.vector_load %arg5[%get3A_840, %get3A_841, %get3A_842] {strides = array<i32>} : memref<2x32x512xf32, #tpu.memory_space<vmem>>, vector<1x1x16xf32>,
      %get3A_844 = vector.shape_cast %get3A_843 : vector<1x1x16xf32> to vector<16xf32>
      %mul3A_845 = arith.mulf %get3A_844, %get3A_844 : vector<16xf32>
      %add3A_846 = arith.addf %add3A_838, %mul3A_845 : vector<16xf32>
      %get3A_847 = arith.constant 1 : i32
      %get3A_848 = arith.index_cast %get3A_847 : i32 to index
      %get3A_849 = arith.index_cast %add3A_628 : i32 to index
      %get3A_850 = arith.constant 432 : index
      %get3A_851 = tpu.vector_load %arg5[%get3A_848, %get3A_849, %get3A_850] {strides = array<i32>} : memref<2x32x512xf32, #tpu.memory_space<vmem>>, vector<1x1x16xf32>,
      %get3A_852 = vector.shape_cast %get3A_851 : vector<1x1x16xf32> to vector<16xf32>
      %mul3A_853 = arith.mulf %get3A_852, %get3A_852 : vector<16xf32>
      %add3A_854 = arith.addf %add3A_846, %mul3A_853 : vector<16xf32>
      %get3A_855 = arith.constant 1 : i32
      %get3A_856 = arith.index_cast %get3A_855 : i32 to index
      %get3A_857 = arith.index_cast %add3A_628 : i32 to index
      %get3A_858 = arith.constant 448 : index
      %get3A_859 = tpu.vector_load %arg5[%get3A_856, %get3A_857, %get3A_858] {strides = array<i32>} : memref<2x32x512xf32, #tpu.memory_space<vmem>>, vector<1x1x16xf32>,
      %get3A_860 = vector.shape_cast %get3A_859 : vector<1x1x16xf32> to vector<16xf32>
      %mul3A_861 = arith.mulf %get3A_860, %get3A_860 : vector<16xf32>
      %add3A_862 = arith.addf %add3A_854, %mul3A_861 : vector<16xf32>
      %get3A_863 = arith.constant 1 : i32
      %get3A_864 = arith.index_cast %get3A_863 : i32 to index
      %get3A_865 = arith.index_cast %add3A_628 : i32 to index
      %get3A_866 = arith.constant 464 : index
      %get3A_867 = tpu.vector_load %arg5[%get3A_864, %get3A_865, %get3A_866] {strides = array<i32>} : memref<2x32x512xf32, #tpu.memory_space<vmem>>, vector<1x1x16xf32>,
      %get3A_868 = vector.shape_cast %get3A_867 : vector<1x1x16xf32> to vector<16xf32>
      %mul3A_869 = arith.mulf %get3A_868, %get3A_868 : vector<16xf32>
      %add3A_870 = arith.addf %add3A_862, %mul3A_869 : vector<16xf32>
      %get3A_871 = arith.constant 1 : i32
      %get3A_872 = arith.index_cast %get3A_871 : i32 to index
      %get3A_873 = arith.index_cast %add3A_628 : i32 to index
      %get3A_874 = arith.constant 480 : index
      %get3A_875 = tpu.vector_load %arg5[%get3A_872, %get3A_873, %get3A_874] {strides = array<i32>} : memref<2x32x512xf32, #tpu.memory_space<vmem>>, vector<1x1x16xf32>,
      %get3A_876 = vector.shape_cast %get3A_875 : vector<1x1x16xf32> to vector<16xf32>
      %mul3A_877 = arith.mulf %get3A_876, %get3A_876 : vector<16xf32>
      %add3A_878 = arith.addf %add3A_870, %mul3A_877 : vector<16xf32>
      %get3A_879 = arith.constant 1 : i32
      %get3A_880 = arith.index_cast %get3A_879 : i32 to index
      %get3A_881 = arith.index_cast %add3A_628 : i32 to index
      %get3A_882 = arith.constant 496 : index
      %get3A_883 = tpu.vector_load %arg5[%get3A_880, %get3A_881, %get3A_882] {strides = array<i32>} : memref<2x32x512xf32, #tpu.memory_space<vmem>>, vector<1x1x16xf32>,
      %get3A_884 = vector.shape_cast %get3A_883 : vector<1x1x16xf32> to vector<16xf32>
      %mul3A_885 = arith.mulf %get3A_884, %get3A_884 : vector<16xf32>
      %add3A_886 = arith.addf %add3A_878, %mul3A_885 : vector<16xf32>
      %add3A_887 = arith.constant 32 : i32
      %add3A_888 = arith.addi %add3A_887, %add3A_628 : i32
      %mul3A_889 = arith.constant 16 : i32
      %mul3A_890 = arith.muli %add3A_888, %mul3A_889 : i32
      %swap3A_891 = arith.index_cast %mul3A_890 : i32 to index
      %swap3A_892 = tpu.vector_load %arg6[%swap3A_891] {strides = array<i32>} : memref<1024xf32, #tpu.memory_space<vmem>>, vector<16xf32>,
      %swap3A_893 = vector.shape_cast %swap3A_892 : vector<16xf32> to vector<16xf32>
      %swap3A_894 = vector.shape_cast %add3A_886 : vector<16xf32> to vector<16xf32>
      tpu.vector_store %arg6[%swap3A_891], %swap3A_894 {strides = array<i32>} : memref<1024xf32, #tpu.memory_space<vmem>>, vector<16xf32>,
      %mul3A_895 = arith.constant 4 : i32
      %mul3A_896 = arith.muli %scan3A_85, %mul3A_895 : i32
      %add3A_897 = arith.constant 3 : i32
      %add3A_898 = arith.addi %mul3A_896, %add3A_897 : i32
      %broadcast_in_dim3A_899 = arith.constant 0.000000e+00 : f32
      %broadcast_in_dim3A_900 = vector.broadcast %broadcast_in_dim3A_899 : f32 to vector<16xf32>
      %get3A_901 = arith.constant 1 : i32
      %get3A_902 = arith.index_cast %get3A_901 : i32 to index
      %get3A_903 = arith.index_cast %add3A_898 : i32 to index
      %get3A_904 = arith.constant 0 : index
      %get3A_905 = tpu.vector_load %arg5[%get3A_902, %get3A_903, %get3A_904] {strides = array<i32>} : memref<2x32x512xf32, #tpu.memory_space<vmem>>, vector<1x1x16xf32>,
      %get3A_906 = vector.shape_cast %get3A_905 : vector<1x1x16xf32> to vector<16xf32>
      %mul3A_907 = arith.mulf %get3A_906, %get3A_906 : vector<16xf32>
      %add3A_908 = arith.addf %broadcast_in_dim3A_900, %mul3A_907 : vector<16xf32>
      %get3A_909 = arith.constant 1 : i32
      %get3A_910 = arith.index_cast %get3A_909 : i32 to index
      %get3A_911 = arith.index_cast %add3A_898 : i32 to index
      %get3A_912 = arith.constant 16 : index
      %get3A_913 = tpu.vector_load %arg5[%get3A_910, %get3A_911, %get3A_912] {strides = array<i32>} : memref<2x32x512xf32, #tpu.memory_space<vmem>>, vector<1x1x16xf32>,
      %get3A_914 = vector.shape_cast %get3A_913 : vector<1x1x16xf32> to vector<16xf32>
      %mul3A_915 = arith.mulf %get3A_914, %get3A_914 : vector<16xf32>
      %add3A_916 = arith.addf %add3A_908, %mul3A_915 : vector<16xf32>
      %get3A_917 = arith.constant 1 : i32
      %get3A_918 = arith.index_cast %get3A_917 : i32 to index
      %get3A_919 = arith.index_cast %add3A_898 : i32 to index
      %get3A_920 = arith.constant 32 : index
      %get3A_921 = tpu.vector_load %arg5[%get3A_918, %get3A_919, %get3A_920] {strides = array<i32>} : memref<2x32x512xf32, #tpu.memory_space<vmem>>, vector<1x1x16xf32>,
      %get3A_922 = vector.shape_cast %get3A_921 : vector<1x1x16xf32> to vector<16xf32>
      %mul3A_923 = arith.mulf %get3A_922, %get3A_922 : vector<16xf32>
      %add3A_924 = arith.addf %add3A_916, %mul3A_923 : vector<16xf32>
      %get3A_925 = arith.constant 1 : i32
      %get3A_926 = arith.index_cast %get3A_925 : i32 to index
      %get3A_927 = arith.index_cast %add3A_898 : i32 to index
      %get3A_928 = arith.constant 48 : index
      %get3A_929 = tpu.vector_load %arg5[%get3A_926, %get3A_927, %get3A_928] {strides = array<i32>} : memref<2x32x512xf32, #tpu.memory_space<vmem>>, vector<1x1x16xf32>,
      %get3A_930 = vector.shape_cast %get3A_929 : vector<1x1x16xf32> to vector<16xf32>
      %mul3A_931 = arith.mulf %get3A_930, %get3A_930 : vector<16xf32>
      %add3A_932 = arith.addf %add3A_924, %mul3A_931 : vector<16xf32>
      %get3A_933 = arith.constant 1 : i32
      %get3A_934 = arith.index_cast %get3A_933 : i32 to index
      %get3A_935 = arith.index_cast %add3A_898 : i32 to index
      %get3A_936 = arith.constant 64 : index
      %get3A_937 = tpu.vector_load %arg5[%get3A_934, %get3A_935, %get3A_936] {strides = array<i32>} : memref<2x32x512xf32, #tpu.memory_space<vmem>>, vector<1x1x16xf32>,
      %get3A_938 = vector.shape_cast %get3A_937 : vector<1x1x16xf32> to vector<16xf32>
      %mul3A_939 = arith.mulf %get3A_938, %get3A_938 : vector<16xf32>
      %add3A_940 = arith.addf %add3A_932, %mul3A_939 : vector<16xf32>
      %get3A_941 = arith.constant 1 : i32
      %get3A_942 = arith.index_cast %get3A_941 : i32 to index
      %get3A_943 = arith.index_cast %add3A_898 : i32 to index
      %get3A_944 = arith.constant 80 : index
      %get3A_945 = tpu.vector_load %arg5[%get3A_942, %get3A_943, %get3A_944] {strides = array<i32>} : memref<2x32x512xf32, #tpu.memory_space<vmem>>, vector<1x1x16xf32>,
      %get3A_946 = vector.shape_cast %get3A_945 : vector<1x1x16xf32> to vector<16xf32>
      %mul3A_947 = arith.mulf %get3A_946, %get3A_946 : vector<16xf32>
      %add3A_948 = arith.addf %add3A_940, %mul3A_947 : vector<16xf32>
      %get3A_949 = arith.constant 1 : i32
      %get3A_950 = arith.index_cast %get3A_949 : i32 to index
      %get3A_951 = arith.index_cast %add3A_898 : i32 to index
      %get3A_952 = arith.constant 96 : index
      %get3A_953 = tpu.vector_load %arg5[%get3A_950, %get3A_951, %get3A_952] {strides = array<i32>} : memref<2x32x512xf32, #tpu.memory_space<vmem>>, vector<1x1x16xf32>,
      %get3A_954 = vector.shape_cast %get3A_953 : vector<1x1x16xf32> to vector<16xf32>
      %mul3A_955 = arith.mulf %get3A_954, %get3A_954 : vector<16xf32>
      %add3A_956 = arith.addf %add3A_948, %mul3A_955 : vector<16xf32>
      %get3A_957 = arith.constant 1 : i32
      %get3A_958 = arith.index_cast %get3A_957 : i32 to index
      %get3A_959 = arith.index_cast %add3A_898 : i32 to index
      %get3A_960 = arith.constant 112 : index
      %get3A_961 = tpu.vector_load %arg5[%get3A_958, %get3A_959, %get3A_960] {strides = array<i32>} : memref<2x32x512xf32, #tpu.memory_space<vmem>>, vector<1x1x16xf32>,
      %get3A_962 = vector.shape_cast %get3A_961 : vector<1x1x16xf32> to vector<16xf32>
      %mul3A_963 = arith.mulf %get3A_962, %get3A_962 : vector<16xf32>
      %add3A_964 = arith.addf %add3A_956, %mul3A_963 : vector<16xf32>
      %get3A_965 = arith.constant 1 : i32
      %get3A_966 = arith.index_cast %get3A_965 : i32 to index
      %get3A_967 = arith.index_cast %add3A_898 : i32 to index
      %get3A_968 = arith.constant 128 : index
      %get3A_969 = tpu.vector_load %arg5[%get3A_966, %get3A_967, %get3A_968] {strides = array<i32>} : memref<2x32x512xf32, #tpu.memory_space<vmem>>, vector<1x1x16xf32>,
      %get3A_970 = vector.shape_cast %get3A_969 : vector<1x1x16xf32> to vector<16xf32>
      %mul3A_971 = arith.mulf %get3A_970, %get3A_970 : vector<16xf32>
      %add3A_972 = arith.addf %add3A_964, %mul3A_971 : vector<16xf32>
      %get3A_973 = arith.constant 1 : i32
      %get3A_974 = arith.index_cast %get3A_973 : i32 to index
      %get3A_975 = arith.index_cast %add3A_898 : i32 to index
      %get3A_976 = arith.constant 144 : index
      %get3A_977 = tpu.vector_load %arg5[%get3A_974, %get3A_975, %get3A_976] {strides = array<i32>} : memref<2x32x512xf32, #tpu.memory_space<vmem>>, vector<1x1x16xf32>,
      %get3A_978 = vector.shape_cast %get3A_977 : vector<1x1x16xf32> to vector<16xf32>
      %mul3A_979 = arith.mulf %get3A_978, %get3A_978 : vector<16xf32>
      %add3A_980 = arith.addf %add3A_972, %mul3A_979 : vector<16xf32>
      %get3A_981 = arith.constant 1 : i32
      %get3A_982 = arith.index_cast %get3A_981 : i32 to index
      %get3A_983 = arith.index_cast %add3A_898 : i32 to index
      %get3A_984 = arith.constant 160 : index
      %get3A_985 = tpu.vector_load %arg5[%get3A_982, %get3A_983, %get3A_984] {strides = array<i32>} : memref<2x32x512xf32, #tpu.memory_space<vmem>>, vector<1x1x16xf32>,
      %get3A_986 = vector.shape_cast %get3A_985 : vector<1x1x16xf32> to vector<16xf32>
      %mul3A_987 = arith.mulf %get3A_986, %get3A_986 : vector<16xf32>
      %add3A_988 = arith.addf %add3A_980, %mul3A_987 : vector<16xf32>
      %get3A_989 = arith.constant 1 : i32
      %get3A_990 = arith.index_cast %get3A_989 : i32 to index
      %get3A_991 = arith.index_cast %add3A_898 : i32 to index
      %get3A_992 = arith.constant 176 : index
      %get3A_993 = tpu.vector_load %arg5[%get3A_990, %get3A_991, %get3A_992] {strides = array<i32>} : memref<2x32x512xf32, #tpu.memory_space<vmem>>, vector<1x1x16xf32>,
      %get3A_994 = vector.shape_cast %get3A_993 : vector<1x1x16xf32> to vector<16xf32>
      %mul3A_995 = arith.mulf %get3A_994, %get3A_994 : vector<16xf32>
      %add3A_996 = arith.addf %add3A_988, %mul3A_995 : vector<16xf32>
      %get3A_997 = arith.constant 1 : i32
      %get3A_998 = arith.index_cast %get3A_997 : i32 to index
      %get3A_999 = arith.index_cast %add3A_898 : i32 to index
      %get3A_1000 = arith.constant 192 : index
      %get3A_1001 = tpu.vector_load %arg5[%get3A_998, %get3A_999, %get3A_1000] {strides = array<i32>} : memref<2x32x512xf32, #tpu.memory_space<vmem>>, vector<1x1x16xf32>,
      %get3A_1002 = vector.shape_cast %get3A_1001 : vector<1x1x16xf32> to vector<16xf32>
      %mul3A_1003 = arith.mulf %get3A_1002, %get3A_1002 : vector<16xf32>
      %add3A_1004 = arith.addf %add3A_996, %mul3A_1003 : vector<16xf32>
      %get3A_1005 = arith.constant 1 : i32
      %get3A_1006 = arith.index_cast %get3A_1005 : i32 to index
      %get3A_1007 = arith.index_cast %add3A_898 : i32 to index
      %get3A_1008 = arith.constant 208 : index
      %get3A_1009 = tpu.vector_load %arg5[%get3A_1006, %get3A_1007, %get3A_1008] {strides = array<i32>} : memref<2x32x512xf32, #tpu.memory_space<vmem>>, vector<1x1x16xf32>,
      %get3A_1010 = vector.shape_cast %get3A_1009 : vector<1x1x16xf32> to vector<16xf32>
      %mul3A_1011 = arith.mulf %get3A_1010, %get3A_1010 : vector<16xf32>
      %add3A_1012 = arith.addf %add3A_1004, %mul3A_1011 : vector<16xf32>
      %get3A_1013 = arith.constant 1 : i32
      %get3A_1014 = arith.index_cast %get3A_1013 : i32 to index
      %get3A_1015 = arith.index_cast %add3A_898 : i32 to index
      %get3A_1016 = arith.constant 224 : index
      %get3A_1017 = tpu.vector_load %arg5[%get3A_1014, %get3A_1015, %get3A_1016] {strides = array<i32>} : memref<2x32x512xf32, #tpu.memory_space<vmem>>, vector<1x1x16xf32>,
      %get3A_1018 = vector.shape_cast %get3A_1017 : vector<1x1x16xf32> to vector<16xf32>
      %mul3A_1019 = arith.mulf %get3A_1018, %get3A_1018 : vector<16xf32>
      %add3A_1020 = arith.addf %add3A_1012, %mul3A_1019 : vector<16xf32>
      %get3A_1021 = arith.constant 1 : i32
      %get3A_1022 = arith.index_cast %get3A_1021 : i32 to index
      %get3A_1023 = arith.index_cast %add3A_898 : i32 to index
      %get3A_1024 = arith.constant 240 : index
      %get3A_1025 = tpu.vector_load %arg5[%get3A_1022, %get3A_1023, %get3A_1024] {strides = array<i32>} : memref<2x32x512xf32, #tpu.memory_space<vmem>>, vector<1x1x16xf32>,
      %get3A_1026 = vector.shape_cast %get3A_1025 : vector<1x1x16xf32> to vector<16xf32>
      %mul3A_1027 = arith.mulf %get3A_1026, %get3A_1026 : vector<16xf32>
      %add3A_1028 = arith.addf %add3A_1020, %mul3A_1027 : vector<16xf32>
      %get3A_1029 = arith.constant 1 : i32
      %get3A_1030 = arith.index_cast %get3A_1029 : i32 to index
      %get3A_1031 = arith.index_cast %add3A_898 : i32 to index
      %get3A_1032 = arith.constant 256 : index
      %get3A_1033 = tpu.vector_load %arg5[%get3A_1030, %get3A_1031, %get3A_1032] {strides = array<i32>} : memref<2x32x512xf32, #tpu.memory_space<vmem>>, vector<1x1x16xf32>,
      %get3A_1034 = vector.shape_cast %get3A_1033 : vector<1x1x16xf32> to vector<16xf32>
      %mul3A_1035 = arith.mulf %get3A_1034, %get3A_1034 : vector<16xf32>
      %add3A_1036 = arith.addf %add3A_1028, %mul3A_1035 : vector<16xf32>
      %get3A_1037 = arith.constant 1 : i32
      %get3A_1038 = arith.index_cast %get3A_1037 : i32 to index
      %get3A_1039 = arith.index_cast %add3A_898 : i32 to index
      %get3A_1040 = arith.constant 272 : index
      %get3A_1041 = tpu.vector_load %arg5[%get3A_1038, %get3A_1039, %get3A_1040] {strides = array<i32>} : memref<2x32x512xf32, #tpu.memory_space<vmem>>, vector<1x1x16xf32>,
      %get3A_1042 = vector.shape_cast %get3A_1041 : vector<1x1x16xf32> to vector<16xf32>
      %mul3A_1043 = arith.mulf %get3A_1042, %get3A_1042 : vector<16xf32>
      %add3A_1044 = arith.addf %add3A_1036, %mul3A_1043 : vector<16xf32>
      %get3A_1045 = arith.constant 1 : i32
      %get3A_1046 = arith.index_cast %get3A_1045 : i32 to index
      %get3A_1047 = arith.index_cast %add3A_898 : i32 to index
      %get3A_1048 = arith.constant 288 : index
      %get3A_1049 = tpu.vector_load %arg5[%get3A_1046, %get3A_1047, %get3A_1048] {strides = array<i32>} : memref<2x32x512xf32, #tpu.memory_space<vmem>>, vector<1x1x16xf32>,
      %get3A_1050 = vector.shape_cast %get3A_1049 : vector<1x1x16xf32> to vector<16xf32>
      %mul3A_1051 = arith.mulf %get3A_1050, %get3A_1050 : vector<16xf32>
      %add3A_1052 = arith.addf %add3A_1044, %mul3A_1051 : vector<16xf32>
      %get3A_1053 = arith.constant 1 : i32
      %get3A_1054 = arith.index_cast %get3A_1053 : i32 to index
      %get3A_1055 = arith.index_cast %add3A_898 : i32 to index
      %get3A_1056 = arith.constant 304 : index
      %get3A_1057 = tpu.vector_load %arg5[%get3A_1054, %get3A_1055, %get3A_1056] {strides = array<i32>} : memref<2x32x512xf32, #tpu.memory_space<vmem>>, vector<1x1x16xf32>,
      %get3A_1058 = vector.shape_cast %get3A_1057 : vector<1x1x16xf32> to vector<16xf32>
      %mul3A_1059 = arith.mulf %get3A_1058, %get3A_1058 : vector<16xf32>
      %add3A_1060 = arith.addf %add3A_1052, %mul3A_1059 : vector<16xf32>
      %get3A_1061 = arith.constant 1 : i32
      %get3A_1062 = arith.index_cast %get3A_1061 : i32 to index
      %get3A_1063 = arith.index_cast %add3A_898 : i32 to index
      %get3A_1064 = arith.constant 320 : index
      %get3A_1065 = tpu.vector_load %arg5[%get3A_1062, %get3A_1063, %get3A_1064] {strides = array<i32>} : memref<2x32x512xf32, #tpu.memory_space<vmem>>, vector<1x1x16xf32>,
      %get3A_1066 = vector.shape_cast %get3A_1065 : vector<1x1x16xf32> to vector<16xf32>
      %mul3A_1067 = arith.mulf %get3A_1066, %get3A_1066 : vector<16xf32>
      %add3A_1068 = arith.addf %add3A_1060, %mul3A_1067 : vector<16xf32>
      %get3A_1069 = arith.constant 1 : i32
      %get3A_1070 = arith.index_cast %get3A_1069 : i32 to index
      %get3A_1071 = arith.index_cast %add3A_898 : i32 to index
      %get3A_1072 = arith.constant 336 : index
      %get3A_1073 = tpu.vector_load %arg5[%get3A_1070, %get3A_1071, %get3A_1072] {strides = array<i32>} : memref<2x32x512xf32, #tpu.memory_space<vmem>>, vector<1x1x16xf32>,
      %get3A_1074 = vector.shape_cast %get3A_1073 : vector<1x1x16xf32> to vector<16xf32>
      %mul3A_1075 = arith.mulf %get3A_1074, %get3A_1074 : vector<16xf32>
      %add3A_1076 = arith.addf %add3A_1068, %mul3A_1075 : vector<16xf32>
      %get3A_1077 = arith.constant 1 : i32
      %get3A_1078 = arith.index_cast %get3A_1077 : i32 to index
      %get3A_1079 = arith.index_cast %add3A_898 : i32 to index
      %get3A_1080 = arith.constant 352 : index
      %get3A_1081 = tpu.vector_load %arg5[%get3A_1078, %get3A_1079, %get3A_1080] {strides = array<i32>} : memref<2x32x512xf32, #tpu.memory_space<vmem>>, vector<1x1x16xf32>,
      %get3A_1082 = vector.shape_cast %get3A_1081 : vector<1x1x16xf32> to vector<16xf32>
      %mul3A_1083 = arith.mulf %get3A_1082, %get3A_1082 : vector<16xf32>
      %add3A_1084 = arith.addf %add3A_1076, %mul3A_1083 : vector<16xf32>
      %get3A_1085 = arith.constant 1 : i32
      %get3A_1086 = arith.index_cast %get3A_1085 : i32 to index
      %get3A_1087 = arith.index_cast %add3A_898 : i32 to index
      %get3A_1088 = arith.constant 368 : index
      %get3A_1089 = tpu.vector_load %arg5[%get3A_1086, %get3A_1087, %get3A_1088] {strides = array<i32>} : memref<2x32x512xf32, #tpu.memory_space<vmem>>, vector<1x1x16xf32>,
      %get3A_1090 = vector.shape_cast %get3A_1089 : vector<1x1x16xf32> to vector<16xf32>
      %mul3A_1091 = arith.mulf %get3A_1090, %get3A_1090 : vector<16xf32>
      %add3A_1092 = arith.addf %add3A_1084, %mul3A_1091 : vector<16xf32>
      %get3A_1093 = arith.constant 1 : i32
      %get3A_1094 = arith.index_cast %get3A_1093 : i32 to index
      %get3A_1095 = arith.index_cast %add3A_898 : i32 to index
      %get3A_1096 = arith.constant 384 : index
      %get3A_1097 = tpu.vector_load %arg5[%get3A_1094, %get3A_1095, %get3A_1096] {strides = array<i32>} : memref<2x32x512xf32, #tpu.memory_space<vmem>>, vector<1x1x16xf32>,
      %get3A_1098 = vector.shape_cast %get3A_1097 : vector<1x1x16xf32> to vector<16xf32>
      %mul3A_1099 = arith.mulf %get3A_1098, %get3A_1098 : vector<16xf32>
      %add3A_1100 = arith.addf %add3A_1092, %mul3A_1099 : vector<16xf32>
      %get3A_1101 = arith.constant 1 : i32
      %get3A_1102 = arith.index_cast %get3A_1101 : i32 to index
      %get3A_1103 = arith.index_cast %add3A_898 : i32 to index
      %get3A_1104 = arith.constant 400 : index
      %get3A_1105 = tpu.vector_load %arg5[%get3A_1102, %get3A_1103, %get3A_1104] {strides = array<i32>} : memref<2x32x512xf32, #tpu.memory_space<vmem>>, vector<1x1x16xf32>,
      %get3A_1106 = vector.shape_cast %get3A_1105 : vector<1x1x16xf32> to vector<16xf32>
      %mul3A_1107 = arith.mulf %get3A_1106, %get3A_1106 : vector<16xf32>
      %add3A_1108 = arith.addf %add3A_1100, %mul3A_1107 : vector<16xf32>
      %get3A_1109 = arith.constant 1 : i32
      %get3A_1110 = arith.index_cast %get3A_1109 : i32 to index
      %get3A_1111 = arith.index_cast %add3A_898 : i32 to index
      %get3A_1112 = arith.constant 416 : index
      %get3A_1113 = tpu.vector_load %arg5[%get3A_1110, %get3A_1111, %get3A_1112] {strides = array<i32>} : memref<2x32x512xf32, #tpu.memory_space<vmem>>, vector<1x1x16xf32>,
      %get3A_1114 = vector.shape_cast %get3A_1113 : vector<1x1x16xf32> to vector<16xf32>
      %mul3A_1115 = arith.mulf %get3A_1114, %get3A_1114 : vector<16xf32>
      %add3A_1116 = arith.addf %add3A_1108, %mul3A_1115 : vector<16xf32>
      %get3A_1117 = arith.constant 1 : i32
      %get3A_1118 = arith.index_cast %get3A_1117 : i32 to index
      %get3A_1119 = arith.index_cast %add3A_898 : i32 to index
      %get3A_1120 = arith.constant 432 : index
      %get3A_1121 = tpu.vector_load %arg5[%get3A_1118, %get3A_1119, %get3A_1120] {strides = array<i32>} : memref<2x32x512xf32, #tpu.memory_space<vmem>>, vector<1x1x16xf32>,
      %get3A_1122 = vector.shape_cast %get3A_1121 : vector<1x1x16xf32> to vector<16xf32>
      %mul3A_1123 = arith.mulf %get3A_1122, %get3A_1122 : vector<16xf32>
      %add3A_1124 = arith.addf %add3A_1116, %mul3A_1123 : vector<16xf32>
      %get3A_1125 = arith.constant 1 : i32
      %get3A_1126 = arith.index_cast %get3A_1125 : i32 to index
      %get3A_1127 = arith.index_cast %add3A_898 : i32 to index
      %get3A_1128 = arith.constant 448 : index
      %get3A_1129 = tpu.vector_load %arg5[%get3A_1126, %get3A_1127, %get3A_1128] {strides = array<i32>} : memref<2x32x512xf32, #tpu.memory_space<vmem>>, vector<1x1x16xf32>,
      %get3A_1130 = vector.shape_cast %get3A_1129 : vector<1x1x16xf32> to vector<16xf32>
      %mul3A_1131 = arith.mulf %get3A_1130, %get3A_1130 : vector<16xf32>
      %add3A_1132 = arith.addf %add3A_1124, %mul3A_1131 : vector<16xf32>
      %get3A_1133 = arith.constant 1 : i32
      %get3A_1134 = arith.index_cast %get3A_1133 : i32 to index
      %get3A_1135 = arith.index_cast %add3A_898 : i32 to index
      %get3A_1136 = arith.constant 464 : index
      %get3A_1137 = tpu.vector_load %arg5[%get3A_1134, %get3A_1135, %get3A_1136] {strides = array<i32>} : memref<2x32x512xf32, #tpu.memory_space<vmem>>, vector<1x1x16xf32>,
      %get3A_1138 = vector.shape_cast %get3A_1137 : vector<1x1x16xf32> to vector<16xf32>
      %mul3A_1139 = arith.mulf %get3A_1138, %get3A_1138 : vector<16xf32>
      %add3A_1140 = arith.addf %add3A_1132, %mul3A_1139 : vector<16xf32>
      %get3A_1141 = arith.constant 1 : i32
      %get3A_1142 = arith.index_cast %get3A_1141 : i32 to index
      %get3A_1143 = arith.index_cast %add3A_898 : i32 to index
      %get3A_1144 = arith.constant 480 : index
      %get3A_1145 = tpu.vector_load %arg5[%get3A_1142, %get3A_1143, %get3A_1144] {strides = array<i32>} : memref<2x32x512xf32, #tpu.memory_space<vmem>>, vector<1x1x16xf32>,
      %get3A_1146 = vector.shape_cast %get3A_1145 : vector<1x1x16xf32> to vector<16xf32>
      %mul3A_1147 = arith.mulf %get3A_1146, %get3A_1146 : vector<16xf32>
      %add3A_1148 = arith.addf %add3A_1140, %mul3A_1147 : vector<16xf32>
      %get3A_1149 = arith.constant 1 : i32
      %get3A_1150 = arith.index_cast %get3A_1149 : i32 to index
      %get3A_1151 = arith.index_cast %add3A_898 : i32 to index
      %get3A_1152 = arith.constant 496 : index
      %get3A_1153 = tpu.vector_load %arg5[%get3A_1150, %get3A_1151, %get3A_1152] {strides = array<i32>} : memref<2x32x512xf32, #tpu.memory_space<vmem>>, vector<1x1x16xf32>,
      %get3A_1154 = vector.shape_cast %get3A_1153 : vector<1x1x16xf32> to vector<16xf32>
      %mul3A_1155 = arith.mulf %get3A_1154, %get3A_1154 : vector<16xf32>
      %add3A_1156 = arith.addf %add3A_1148, %mul3A_1155 : vector<16xf32>
      %add3A_1157 = arith.constant 32 : i32
      %add3A_1158 = arith.addi %add3A_1157, %add3A_898 : i32
      %mul3A_1159 = arith.constant 16 : i32
      %mul3A_1160 = arith.muli %add3A_1158, %mul3A_1159 : i32
      %swap3A_1161 = arith.index_cast %mul3A_1160 : i32 to index
      %swap3A_1162 = tpu.vector_load %arg6[%swap3A_1161] {strides = array<i32>} : memref<1024xf32, #tpu.memory_space<vmem>>, vector<16xf32>,
      %swap3A_1163 = vector.shape_cast %swap3A_1162 : vector<16xf32> to vector<16xf32>
      %swap3A_1164 = vector.shape_cast %add3A_1156 : vector<16xf32> to vector<16xf32>
      tpu.vector_store %arg6[%swap3A_1161], %swap3A_1164 {strides = array<i32>} : memref<1024xf32, #tpu.memory_space<vmem>>, vector<16xf32>,
    }
    %scan3A_70 = arith.constant 8 : i32
    %mul3A_71 = arith.constant 16 : i32
    %mul3A_72 = arith.muli %select_n3A, %mul3A_71 : i32
    "tpu.region"() ({
      %run_scoped3A = tpu.sem_alloc : memref<!tpu.dma_semaphore, #tpu.memory_space<semaphore_mem>>
      %dma_start3A_85 = tpu.memref_slice %arg10[%mul3A_72] : memref<16000xf32, #tpu.memory_space<vmem_shared>> -> memref<1024xf32, #tpu.memory_space<vmem_shared>>
      %dma_start3A_86 = tpu.memref_slice %arg10[%mul3A_72] : memref<16000xf32, #tpu.memory_space<vmem_shared>> -> memref<1024xf32, #tpu.memory_space<vmem_shared>>
      tpu.enqueue_dma source(%arg6 : memref<1024xf32, #tpu.memory_space<vmem>>) target(%dma_start3A_86 : memref<1024xf32, #tpu.memory_space<vmem_shared>>) target_semaphore(%run_scoped3A : memref<!tpu.dma_semaphore, #tpu.memory_space<semaphore_mem>>)
      %dma_wait3A_87 = tpu.memref_slice %arg10[%mul3A_72] : memref<16000xf32, #tpu.memory_space<vmem_shared>> -> memref<1024xf32, #tpu.memory_space<vmem_shared>>
      %dma_wait3A_88 = tpu.memref_slice %arg10[%mul3A_72] : memref<16000xf32, #tpu.memory_space<vmem_shared>> -> memref<1024xf32, #tpu.memory_space<vmem_shared>>
      tpu.wait_dma2 semaphore(%run_scoped3A : memref<!tpu.dma_semaphore, #tpu.memory_space<semaphore_mem>>) src(%arg6 : memref<1024xf32, #tpu.memory_space<vmem>>) dst(%dma_wait3A_88 : memref<1024xf32, #tpu.memory_space<vmem_shared>>)
      tpu.yield
    }) : () -> ()
    %barrier3A = arith.constant 0 : index
    tpu.barrier barrier_id(%barrier3A)
    "tpu.region"() ({
      %run_scoped3A = tpu.sem_alloc : memref<!tpu.dma_semaphore, #tpu.memory_space<semaphore_mem>>
      tpu.enqueue_dma source(%arg10 : memref<16000xf32, #tpu.memory_space<vmem_shared>>) target(%arg7 : memref<16000xf32, #tpu.memory_space<vmem>>) target_semaphore(%run_scoped3A : memref<!tpu.dma_semaphore, #tpu.memory_space<semaphore_mem>>)
      tpu.wait_dma2 semaphore(%run_scoped3A : memref<!tpu.dma_semaphore, #tpu.memory_space<semaphore_mem>>) src(%arg10 : memref<16000xf32, #tpu.memory_space<vmem_shared>>) dst(%arg7 : memref<16000xf32, #tpu.memory_space<vmem>>)
      tpu.yield
    }) : () -> ()
    %dma_wait3A_73 = tpu.memref_slice %arg2[%mul3A_5] : memref<4096xi32, #tpu.memory_space<hbm>> -> memref<128xi32, #tpu.memory_space<hbm>>
    %dma_wait3A_74 = tpu.memref_slice %arg2[%mul3A_5] : memref<4096xi32, #tpu.memory_space<hbm>> -> memref<128xi32, #tpu.memory_space<hbm>>
    tpu.wait_dma2 semaphore(%arg11 : memref<!tpu.dma_semaphore, #tpu.memory_space<semaphore_mem>>) src(%dma_wait3A_74 : memref<128xi32, #tpu.memory_space<hbm>>) dst(%arg8 : memref<128xi32, #tpu.memory_space<vmem>>)
    %broadcast_in_dim3A = arith.constant 0.000000e+00 : f32
    %broadcast_in_dim3A_75 = vector.broadcast %broadcast_in_dim3A : f32 to vector<16xf32>
    %scan3A_76 = arith.constant 0 : i32
    %scan3A_77 = arith.constant 8 : i32
    %scan3A_78 = arith.addi %scan3A_76, %scan3A_77 : i32
    %scan3A_79 = arith.constant 1 : i32
    %scan3A_80 = scf.for %scan3A_85 = %scan3A_76 to %scan3A_78 step %scan3A_79 iter_args(%scan3A_86 = %broadcast_in_dim3A_75) -> (vector<16xf32>)  : i32 {
      %mul3A_87 = arith.constant 16 : i32
      %mul3A_88 = arith.muli %scan3A_85, %mul3A_87 : i32
      %get3A = arith.index_cast %mul3A_88 : i32 to index
      %get3A_89 = tpu.vector_load %arg8[%get3A] {strides = array<i32>} : memref<128xi32, #tpu.memory_space<vmem>>, vector<16xi32>,
      %get3A_90 = vector.shape_cast %get3A_89 : vector<16xi32> to vector<16xi32>
      %mul3A_91 = arith.constant 16 : i32
      %mul3A_92 = vector.broadcast %mul3A_91 : i32 to vector<16xi32>
      %mul3A_93 = arith.muli %get3A_90, %mul3A_92 : vector<16xi32>
      %slice3A = vector.extract_strided_slice %mul3A_93 {offsets = [0], sizes = [1], strides = [1]} : vector<16xi32> to vector<1xi32>
      %squeeze3A = vector.extract %slice3A[0] : i32 from vector<1xi32>
      %get3A_94 = arith.index_cast %squeeze3A : i32 to index
      %get3A_95 = tpu.vector_load %arg7[%get3A_94] {strides = array<i32>} : memref<16000xf32, #tpu.memory_space<vmem>>, vector<16xf32>,
      %get3A_96 = vector.shape_cast %get3A_95 : vector<16xf32> to vector<16xf32>
      %add3A_97 = arith.addf %scan3A_86, %get3A_96 : vector<16xf32>
      %slice3A_98 = vector.extract_strided_slice %mul3A_93 {offsets = [1], sizes = [1], strides = [1]} : vector<16xi32> to vector<1xi32>
      %squeeze3A_99 = vector.extract %slice3A_98[0] : i32 from vector<1xi32>
      %get3A_100 = arith.index_cast %squeeze3A_99 : i32 to index
      %get3A_101 = tpu.vector_load %arg7[%get3A_100] {strides = array<i32>} : memref<16000xf32, #tpu.memory_space<vmem>>, vector<16xf32>,
      %get3A_102 = vector.shape_cast %get3A_101 : vector<16xf32> to vector<16xf32>
      %add3A_103 = arith.addf %add3A_97, %get3A_102 : vector<16xf32>
      %slice3A_104 = vector.extract_strided_slice %mul3A_93 {offsets = [2], sizes = [1], strides = [1]} : vector<16xi32> to vector<1xi32>
      %squeeze3A_105 = vector.extract %slice3A_104[0] : i32 from vector<1xi32>
      %get3A_106 = arith.index_cast %squeeze3A_105 : i32 to index
      %get3A_107 = tpu.vector_load %arg7[%get3A_106] {strides = array<i32>} : memref<16000xf32, #tpu.memory_space<vmem>>, vector<16xf32>,
      %get3A_108 = vector.shape_cast %get3A_107 : vector<16xf32> to vector<16xf32>
      %add3A_109 = arith.addf %add3A_103, %get3A_108 : vector<16xf32>
      %slice3A_110 = vector.extract_strided_slice %mul3A_93 {offsets = [3], sizes = [1], strides = [1]} : vector<16xi32> to vector<1xi32>
      %squeeze3A_111 = vector.extract %slice3A_110[0] : i32 from vector<1xi32>
      %get3A_112 = arith.index_cast %squeeze3A_111 : i32 to index
      %get3A_113 = tpu.vector_load %arg7[%get3A_112] {strides = array<i32>} : memref<16000xf32, #tpu.memory_space<vmem>>, vector<16xf32>,
      %get3A_114 = vector.shape_cast %get3A_113 : vector<16xf32> to vector<16xf32>
      %add3A_115 = arith.addf %add3A_109, %get3A_114 : vector<16xf32>
      %slice3A_116 = vector.extract_strided_slice %mul3A_93 {offsets = [4], sizes = [1], strides = [1]} : vector<16xi32> to vector<1xi32>
      %squeeze3A_117 = vector.extract %slice3A_116[0] : i32 from vector<1xi32>
      %get3A_118 = arith.index_cast %squeeze3A_117 : i32 to index
      %get3A_119 = tpu.vector_load %arg7[%get3A_118] {strides = array<i32>} : memref<16000xf32, #tpu.memory_space<vmem>>, vector<16xf32>,
      %get3A_120 = vector.shape_cast %get3A_119 : vector<16xf32> to vector<16xf32>
      %add3A_121 = arith.addf %add3A_115, %get3A_120 : vector<16xf32>
      %slice3A_122 = vector.extract_strided_slice %mul3A_93 {offsets = [5], sizes = [1], strides = [1]} : vector<16xi32> to vector<1xi32>
      %squeeze3A_123 = vector.extract %slice3A_122[0] : i32 from vector<1xi32>
      %get3A_124 = arith.index_cast %squeeze3A_123 : i32 to index
      %get3A_125 = tpu.vector_load %arg7[%get3A_124] {strides = array<i32>} : memref<16000xf32, #tpu.memory_space<vmem>>, vector<16xf32>,
      %get3A_126 = vector.shape_cast %get3A_125 : vector<16xf32> to vector<16xf32>
      %add3A_127 = arith.addf %add3A_121, %get3A_126 : vector<16xf32>
      %slice3A_128 = vector.extract_strided_slice %mul3A_93 {offsets = [6], sizes = [1], strides = [1]} : vector<16xi32> to vector<1xi32>
      %squeeze3A_129 = vector.extract %slice3A_128[0] : i32 from vector<1xi32>
      %get3A_130 = arith.index_cast %squeeze3A_129 : i32 to index
      %get3A_131 = tpu.vector_load %arg7[%get3A_130] {strides = array<i32>} : memref<16000xf32, #tpu.memory_space<vmem>>, vector<16xf32>,
      %get3A_132 = vector.shape_cast %get3A_131 : vector<16xf32> to vector<16xf32>
      %add3A_133 = arith.addf %add3A_127, %get3A_132 : vector<16xf32>
      %slice3A_134 = vector.extract_strided_slice %mul3A_93 {offsets = [7], sizes = [1], strides = [1]} : vector<16xi32> to vector<1xi32>
      %squeeze3A_135 = vector.extract %slice3A_134[0] : i32 from vector<1xi32>
      %get3A_136 = arith.index_cast %squeeze3A_135 : i32 to index
      %get3A_137 = tpu.vector_load %arg7[%get3A_136] {strides = array<i32>} : memref<16000xf32, #tpu.memory_space<vmem>>, vector<16xf32>,
      %get3A_138 = vector.shape_cast %get3A_137 : vector<16xf32> to vector<16xf32>
      %add3A_139 = arith.addf %add3A_133, %get3A_138 : vector<16xf32>
      %slice3A_140 = vector.extract_strided_slice %mul3A_93 {offsets = [8], sizes = [1], strides = [1]} : vector<16xi32> to vector<1xi32>
      %squeeze3A_141 = vector.extract %slice3A_140[0] : i32 from vector<1xi32>
      %get3A_142 = arith.index_cast %squeeze3A_141 : i32 to index
      %get3A_143 = tpu.vector_load %arg7[%get3A_142] {strides = array<i32>} : memref<16000xf32, #tpu.memory_space<vmem>>, vector<16xf32>,
      %get3A_144 = vector.shape_cast %get3A_143 : vector<16xf32> to vector<16xf32>
      %add3A_145 = arith.addf %add3A_139, %get3A_144 : vector<16xf32>
      %slice3A_146 = vector.extract_strided_slice %mul3A_93 {offsets = [9], sizes = [1], strides = [1]} : vector<16xi32> to vector<1xi32>
      %squeeze3A_147 = vector.extract %slice3A_146[0] : i32 from vector<1xi32>
      %get3A_148 = arith.index_cast %squeeze3A_147 : i32 to index
      %get3A_149 = tpu.vector_load %arg7[%get3A_148] {strides = array<i32>} : memref<16000xf32, #tpu.memory_space<vmem>>, vector<16xf32>,
      %get3A_150 = vector.shape_cast %get3A_149 : vector<16xf32> to vector<16xf32>
      %add3A_151 = arith.addf %add3A_145, %get3A_150 : vector<16xf32>
      %slice3A_152 = vector.extract_strided_slice %mul3A_93 {offsets = [10], sizes = [1], strides = [1]} : vector<16xi32> to vector<1xi32>
      %squeeze3A_153 = vector.extract %slice3A_152[0] : i32 from vector<1xi32>
      %get3A_154 = arith.index_cast %squeeze3A_153 : i32 to index
      %get3A_155 = tpu.vector_load %arg7[%get3A_154] {strides = array<i32>} : memref<16000xf32, #tpu.memory_space<vmem>>, vector<16xf32>,
      %get3A_156 = vector.shape_cast %get3A_155 : vector<16xf32> to vector<16xf32>
      %add3A_157 = arith.addf %add3A_151, %get3A_156 : vector<16xf32>
      %slice3A_158 = vector.extract_strided_slice %mul3A_93 {offsets = [11], sizes = [1], strides = [1]} : vector<16xi32> to vector<1xi32>
      %squeeze3A_159 = vector.extract %slice3A_158[0] : i32 from vector<1xi32>
      %get3A_160 = arith.index_cast %squeeze3A_159 : i32 to index
      %get3A_161 = tpu.vector_load %arg7[%get3A_160] {strides = array<i32>} : memref<16000xf32, #tpu.memory_space<vmem>>, vector<16xf32>,
      %get3A_162 = vector.shape_cast %get3A_161 : vector<16xf32> to vector<16xf32>
      %add3A_163 = arith.addf %add3A_157, %get3A_162 : vector<16xf32>
      %slice3A_164 = vector.extract_strided_slice %mul3A_93 {offsets = [12], sizes = [1], strides = [1]} : vector<16xi32> to vector<1xi32>
      %squeeze3A_165 = vector.extract %slice3A_164[0] : i32 from vector<1xi32>
      %get3A_166 = arith.index_cast %squeeze3A_165 : i32 to index
      %get3A_167 = tpu.vector_load %arg7[%get3A_166] {strides = array<i32>} : memref<16000xf32, #tpu.memory_space<vmem>>, vector<16xf32>,
      %get3A_168 = vector.shape_cast %get3A_167 : vector<16xf32> to vector<16xf32>
      %add3A_169 = arith.addf %add3A_163, %get3A_168 : vector<16xf32>
      %slice3A_170 = vector.extract_strided_slice %mul3A_93 {offsets = [13], sizes = [1], strides = [1]} : vector<16xi32> to vector<1xi32>
      %squeeze3A_171 = vector.extract %slice3A_170[0] : i32 from vector<1xi32>
      %get3A_172 = arith.index_cast %squeeze3A_171 : i32 to index
      %get3A_173 = tpu.vector_load %arg7[%get3A_172] {strides = array<i32>} : memref<16000xf32, #tpu.memory_space<vmem>>, vector<16xf32>,
      %get3A_174 = vector.shape_cast %get3A_173 : vector<16xf32> to vector<16xf32>
      %add3A_175 = arith.addf %add3A_169, %get3A_174 : vector<16xf32>
      %slice3A_176 = vector.extract_strided_slice %mul3A_93 {offsets = [14], sizes = [1], strides = [1]} : vector<16xi32> to vector<1xi32>
      %squeeze3A_177 = vector.extract %slice3A_176[0] : i32 from vector<1xi32>
      %get3A_178 = arith.index_cast %squeeze3A_177 : i32 to index
      %get3A_179 = tpu.vector_load %arg7[%get3A_178] {strides = array<i32>} : memref<16000xf32, #tpu.memory_space<vmem>>, vector<16xf32>,
      %get3A_180 = vector.shape_cast %get3A_179 : vector<16xf32> to vector<16xf32>
      %add3A_181 = arith.addf %add3A_175, %get3A_180 : vector<16xf32>
      %slice3A_182 = vector.extract_strided_slice %mul3A_93 {offsets = [15], sizes = [1], strides = [1]} : vector<16xi32> to vector<1xi32>
      %squeeze3A_183 = vector.extract %slice3A_182[0] : i32 from vector<1xi32>
      %get3A_184 = arith.index_cast %squeeze3A_183 : i32 to index
      %get3A_185 = tpu.vector_load %arg7[%get3A_184] {strides = array<i32>} : memref<16000xf32, #tpu.memory_space<vmem>>, vector<16xf32>,
      %get3A_186 = vector.shape_cast %get3A_185 : vector<16xf32> to vector<16xf32>
      %add3A_187 = arith.addf %add3A_181, %get3A_186 : vector<16xf32>
      scf.yield %add3A_187 : vector<16xf32>
    }
    %scan3A_81 = arith.constant 8 : i32
    %swap3A = arith.constant 0 : index
    %swap3A_82 = tpu.vector_load %arg9[%swap3A] {strides = array<i32>} : memref<16xf32, #tpu.memory_space<vmem>>, vector<16xf32>,
    %swap3A_83 = vector.shape_cast %swap3A_82 : vector<16xf32> to vector<16xf32>
    %swap3A_84 = vector.shape_cast %scan3A_80 : vector<16xf32> to vector<16xf32>
    tpu.vector_store %arg9[%swap3A], %swap3A_84 {strides = array<i32>} : memref<16xf32, #tpu.memory_space<vmem>>, vector<16xf32>,
    "tpu.region"() ({
      %run_scoped3A = tpu.sem_alloc : memref<!tpu.dma_semaphore, #tpu.memory_space<semaphore_mem>>
      %dma_start3A_85 = arith.constant 0 : i32
      %dma_start3A_86 = tpu.memref_slice %arg4[%add3A, %dma_start3A_85] : memref<32x16xf32, #tpu.memory_space<hbm>> -> memref<1x16xf32, #tpu.memory_space<hbm>>
      %dma_start3A_87 = tpu.memref_squeeze %dma_start3A_86 : memref<1x16xf32, #tpu.memory_space<hbm>> -> memref<16xf32, #tpu.memory_space<hbm>>
      %dma_start3A_88 = arith.constant 0 : i32
      %dma_start3A_89 = tpu.memref_slice %arg4[%add3A, %dma_start3A_88] : memref<32x16xf32, #tpu.memory_space<hbm>> -> memref<1x16xf32, #tpu.memory_space<hbm>>
      %dma_start3A_90 = tpu.memref_squeeze %dma_start3A_89 : memref<1x16xf32, #tpu.memory_space<hbm>> -> memref<16xf32, #tpu.memory_space<hbm>>
      tpu.enqueue_dma source(%arg9 : memref<16xf32, #tpu.memory_space<vmem>>) target(%dma_start3A_90 : memref<16xf32, #tpu.memory_space<hbm>>) target_semaphore(%run_scoped3A : memref<!tpu.dma_semaphore, #tpu.memory_space<semaphore_mem>>)
      %dma_wait3A_91 = arith.constant 0 : i32
      %dma_wait3A_92 = tpu.memref_slice %arg4[%add3A, %dma_wait3A_91] : memref<32x16xf32, #tpu.memory_space<hbm>> -> memref<1x16xf32, #tpu.memory_space<hbm>>
      %dma_wait3A_93 = tpu.memref_squeeze %dma_wait3A_92 : memref<1x16xf32, #tpu.memory_space<hbm>> -> memref<16xf32, #tpu.memory_space<hbm>>
      %dma_wait3A_94 = arith.constant 0 : i32
      %dma_wait3A_95 = tpu.memref_slice %arg4[%add3A, %dma_wait3A_94] : memref<32x16xf32, #tpu.memory_space<hbm>> -> memref<1x16xf32, #tpu.memory_space<hbm>>
      %dma_wait3A_96 = tpu.memref_squeeze %dma_wait3A_95 : memref<1x16xf32, #tpu.memory_space<hbm>> -> memref<16xf32, #tpu.memory_space<hbm>>
      tpu.wait_dma2 semaphore(%run_scoped3A : memref<!tpu.dma_semaphore, #tpu.memory_space<semaphore_mem>>) src(%arg9 : memref<16xf32, #tpu.memory_space<vmem>>) dst(%dma_wait3A_96 : memref<16xf32, #tpu.memory_space<hbm>>)
      tpu.yield
    }) : () -> ()
    return
  }
}

module attributes {stable_mosaic.version = 14 : i64} {
  func.func @_cross_tc_body(%arg0: i32, %arg1: memref<1x1x1024xi32, #tpu.memory_space<vmem>>, %arg2: memref<1024x512xf32, #tpu.memory_space<vmem>>, %arg3: memref<1000x512xf32, #tpu.memory_space<vmem>>, %arg4: memref<1x1x512xf32, #tpu.memory_space<vmem>>) attributes {dimension_semantics = [#tpu.dimension_semantics<arbitrary>], iteration_bounds = array<i64: 4>, scalar_prefetch = 0 : i64, scratch_operands = 0 : i64, tpu.core_type = #tpu.core_type<tc>, window_params = [{transform_indices = @transform_0, window_bounds = array<i64: 1, 1, 1024>}, {transform_indices = @transform_1, window_bounds = array<i64: 1024, 512>}, {pipeline_mode = #tpu.pipeline_mode<synchronous>, transform_indices = @transform_2, window_bounds = array<i64: 1000, 512>}, {transform_indices = @transform_3, window_bounds = array<i64: 1, 1, 512>}]} {
    %get3A = arith.constant 0 : index
    %get3A_0 = arith.constant 0 : index
    %get3A_1 = vector.load %arg2[%get3A, %get3A_0] : memref<1024x512xf32, #tpu.memory_space<vmem>>, vector<1024x512xf32>
    %get3A_2 = arith.constant 0 : index
    %get3A_3 = arith.constant 0 : index
    %get3A_4 = arith.constant 0 : index
    %get3A_5 = vector.load %arg1[%get3A_2, %get3A_3, %get3A_4] : memref<1x1x1024xi32, #tpu.memory_space<vmem>>, vector<1x1x1024xi32>
    %get3A_6 = vector.shape_cast %get3A_5 : vector<1x1x1024xi32> to vector<1024xi32>
    %broadcast_in_dim3A = vector.shape_cast %get3A_6 : vector<1024xi32> to vector<1024x1xi32>
    %iota3A = tpu.iota {dimensions = array<i32: 1>} : vector<1024x1000xi32>
    %eq3A = vector.broadcast %broadcast_in_dim3A : vector<1024x1xi32> to vector<1024x1000xi32>
    %eq3A_7 = arith.cmpi eq, %eq3A, %iota3A : vector<1024x1000xi32>
    %convert_element_type3A = arith.extui %eq3A_7 : vector<1024x1000xi1> to vector<1024x1000xi32>
    %convert_element_type3A_8 = arith.sitofp %convert_element_type3A : vector<1024x1000xi32> to vector<1024x1000xf32>
    %convert_element_type3A_9 = arith.truncf %convert_element_type3A_8 : vector<1024x1000xf32> to vector<1024x1000xbf16>
    %get3A_10 = arith.constant 0 : index
    %get3A_11 = arith.constant 0 : index
    %get3A_12 = vector.load %arg3[%get3A_10, %get3A_11] : memref<1000x512xf32, #tpu.memory_space<vmem>>, vector<1000x512xf32>
    %convert_element_type3A_13 = arith.truncf %get3A_12 : vector<1000x512xf32> to vector<1000x512xbf16>
    %dot_general3A = arith.constant dense<0.000000e+00> : vector<1024x512xf32>
    %dot_general3A_14 = tpu.matmul %convert_element_type3A_9, %convert_element_type3A_13, %dot_general3A {dimension_numbers = #tpu.dot_dimension_numbers<[1], [0], [0], [1], [0, 0, 1, 1], [], []>, transpose_lhs_hint = false} : vector<1024x1000xbf16>, vector<1000x512xbf16>, vector<1024x512xf32> -> vector<1024x512xf32>
    %mul3A = arith.constant 2.000000e+00 : f32
    %mul3A_15 = vector.broadcast %mul3A : f32 to vector<1024x512xf32>
    %mul3A_16 = arith.mulf %mul3A_15, %dot_general3A_14 : vector<1024x512xf32>
    %sub3A = arith.subf %get3A_1, %mul3A_16 : vector<1024x512xf32>
    %mul3A_17 = arith.mulf %get3A_1, %sub3A : vector<1024x512xf32>
    %reduce_sum3A = arith.constant dense<0.000000e+00> : vector<512xf32>
    %reduce_sum3A_18 = vector.multi_reduction <add>, %mul3A_17, %reduce_sum3A [0] : vector<1024x512xf32> to vector<512xf32>
    %reshape3A = vector.shape_cast %reduce_sum3A_18 : vector<512xf32> to vector<1x1x512xf32>
    %swap3A = arith.constant 0 : index
    %swap3A_19 = arith.constant 0 : index
    %swap3A_20 = arith.constant 0 : index
    %swap3A_21 = vector.load %arg4[%swap3A, %swap3A_19, %swap3A_20] : memref<1x1x512xf32, #tpu.memory_space<vmem>>, vector<1x1x512xf32>
    tpu.vector_store %arg4[%swap3A, %swap3A_19, %swap3A_20], %reshape3A {strides = array<i32>} : memref<1x1x512xf32, #tpu.memory_space<vmem>>, vector<1x1x512xf32>,
    return
  }
  func.func @transform_0(%arg0: i32) -> (i32, i32, i32) {
    %c0_i32 = arith.constant 0 : i32
    %c0_i32_0 = arith.constant 0 : i32
    %c0_i32_1 = arith.constant 0 : i32
    return %arg0, %c0_i32, %c0_i32_0 : i32, i32, i32
  }
  func.func @transform_1(%arg0: i32) -> (i32, i32) {
    %c0_i32 = arith.constant 0 : i32
    %c0_i32_0 = arith.constant 0 : i32
    return %arg0, %c0_i32 : i32, i32
  }
  func.func @transform_2(%arg0: i32) -> (i32, i32) {
    %c0_i32 = arith.constant 0 : i32
    %c0_i32_0 = arith.constant 0 : i32
    %c0_i32_1 = arith.constant 0 : i32
    return %c0_i32, %c0_i32_0 : i32, i32
  }
  func.func @transform_3(%arg0: i32) -> (i32, i32, i32) {
    %c0_i32 = arith.constant 0 : i32
    %c0_i32_0 = arith.constant 0 : i32
    %c0_i32_1 = arith.constant 0 : i32
    return %arg0, %c0_i32, %c0_i32_0 : i32, i32, i32
  }
}

</mosaic_0001>

<sc_bundles>
// kernel: kernel.4.cloned.1.call-start
scs
__scs_entry_jumppad:
0x0: {  	(pc) =	sbr.rel $0x88, $3  }
0x1: {  	(tag) =	ssettag $0x0;
	lr =	simm.s32 $0x1  }
0x2: {  	[smem:$0x3F9E] =	sst lr;
	_ =	strace $0xD0000000  }
0x3: {  	_ = 	snop  }
0x4: {  	_ = 	snop  }
0x5: {  	_ = 	snop  }
0x6: {  	_ = 	snop  }
0x7: {  	_ = 	snop  }
__scs_overlays_trampoline_lowered:
0x8: {  	[smem:$0x3FAD] =	sst s0  }
0x9: {  	[smem:$0x3FAE] =	sst s1  }
0xa: {  	[smem:$0x3FAF] =	sst s2  }
0xb: {  	[smem:$0x3FB0] =	sst s3  }
0xc: {  	[smem:$0x3FB1] =	sst s4  }
0xd: {  	[smem:$0x3FB2] =	sst s5  }
0xe: {  	[smem:$0x3FB3] =	sst s6  }
0xf: {  	[smem:$0x3FB4] =	sst s7  }
0x10: {  	[smem:$0x3FB5] =	sst s8  }
0x11: {  	[smem:$0x3FB6] =	sst s9;
	s0 =	simm.s32 @!p0 $0x0  }
0x12: {  	s1 =	sld [smem:$0x3F9C];
	s0 =	simm.s32 @p0 $0x1  }
0x13: {  	[smem:$0x3FB7] =	sst s0;
	s0 =	simm.s32 @!p1 $0x0  }
0x14: {  	s2 =	sld [smem:$0x3F9B];
	s0 =	simm.s32 @p1 $0x1  }
0x15: {  	[smem:$0x3FB8] =	sst s0;
	s0 =	simm.s32 @!p2 $0x0  }
0x16: {  	s3 =	sld [smem:$0x3FDB];
	s0 =	simm.s32 @p2 $0x1  }
0x17: {  	s4 =	simm.s32 $0x1BF5;
	[smem:$0x3FBA] =	sst s0  }
0x18: {  	s0 =	sld [smem:$0x3F9D];
	_ =	swait.ge [sflag:s4], $0x0  }
0x19: {  	s7 =	sld [smem:$0x3F9E]  }
0x1a: {  	s8 =	sadd.s32 $0xFFFFE003, lr  }
0x1b: {  	s9 =	sadd.s32 $0xFFFFFEF7, lr;
	s5 =	simm.s32 $0xFFFFFFFF;
	p2 =	slt.u32 s8, $0xFFFFF086  }
0x1c: {  	p1 =	slt.u32 s9, $0xF7A;
	s5 =	simm.s32 @!p2 $0x0  }
0x1d: {  	s5 =	simm.s32 @p1 $0x1;
	p0 =	seq.s32 s7, s2  }
0x1e: {  	s7 =	smul.u32 @!p0 $0xF7A, s2;
	p2 =	seq.s32 @!p0 s5, $0x0  }
0x1f: {  	s9 =	smul.u32 $0xF7A, s1;
	s8 =	simm.s32 @!p0 $0x1BF5;
	p2 =	por !p2, p0  }
0x20: {  	[sflag:s8] =	ssyncset.s32 @!p0 $0xFFFFF086;
	s6 =	sadd.s32 @!p0 s3, s7;
	s7 =	simm.s32 @!p0 $0x108  }
0x21: {  	s3 =	sadd.s32 s3, s9;
	s6 =	sadd.s32 @!p0 $0x88, s6;
	s7 =	simm.s32 @p2 $0x1082  }
0x22: {  	[simem:s7], [sflag:s8] =	dma.local @!p0 [hbm:s6], $0xF7A  }
0x23: {  	s9 =	sor.u32 $0xD0000000, s2;
	s6 =	simm.s32 $0x108;
	_ =	swait.ge @!p0 [sflag:s8], $0x0  }
0x24: {  	s3 =	sadd.s32 $0x88, s3;
	s6 =	simm.s32 @!p1 $0x1082;
	[sflag:s4] =	ssyncset.s32 $0xFFFFF086  }
0x25: {  	[simem:s6], [sflag:s4] =	dma.local [hbm:s3], $0xF7A  }
0x26: {  	[smem:$0x3F9E] =	sst s1;
	(tag) =	ssettag s2;
	_ =	strace s9  }
0x27: {  	s1 =	sld [smem:$0x3FAE]  }
0x28: {  	s2 =	sld [smem:$0x3FAF]  }
0x29: {  	s4 =	sld [smem:$0x3FB1]  }
0x2a: {  	p0 =	seq.s32 s5, $0x0;
	s5 =	sld [smem:$0x3FB2]  }
0x2b: {  	s6 =	sld [smem:$0x3FB3]  }
0x2c: {  	s7 =	sld [smem:$0x3FB4]  }
0x2d: {  	s3 =	simm.s32 $0x108;
	s8 =	sld [smem:$0x3FB5]  }
0x2e: {  	s3 =	simm.s32 @!p0 $0x1082;
	s9 =	sld [smem:$0x3FB6]  }
0x2f: {  	lr =	sadd.s32 s0, s3;
	s0 =	sld [smem:$0x3FAD]  }
0x30: {  	s3 =	sld [smem:$0x3FB0]  }
0x31: {  	[smem:$0x3FB9] =	sst s10  }
0x32: {  	s10 =	sld [smem:$0x3FB7];
	_ =	sdelay $0x3  }
0x33: {  	p0 =	seq.s32 s10, $0x1;
	s10 =	sld [smem:$0x3FB9];
	_ =	sdelay $0x3  }
0x34: {  	[smem:$0x3FB9] =	sst s10  }
0x35: {  	s10 =	sld [smem:$0x3FB8];
	_ =	sdelay $0x3  }
0x36: {  	p1 =	seq.s32 s10, $0x1;
	s10 =	sld [smem:$0x3FB9];
	_ =	sdelay $0x3  }
0x37: {  	[smem:$0x3FB9] =	sst s10  }
0x38: {  	s10 =	sld [smem:$0x3FBA]  }
0x39: {  	_ = 	snop;
	(pc) =	sbr.ind lr, $3  }
0x3a: {  	_ = 	snop  }
0x3b: {  	_ = 	snop  }
0x3c: {  	p2 =	seq.s32 s10, $0x1;
	s10 =	sld [smem:$0x3FB9]  }
0x3d: {  	_ =	shalt  }
0x3e: {  	_ =	shalt  }
0x3f: {  	_ =	shalt  }
0x40: {  	_ =	shalt  }
0x41: {  	_ =	shalt  }
0x42: {  	_ =	shalt  }
0x43: {  	_ =	shalt  }
0x44: {  	_ =	shalt  }
0x45: {  	_ =	shalt  }
0x46: {  	_ =	shalt  }
0x47: {  	_ =	shalt  }
0x48: {  	_ =	shalt  }
0x49: {  	_ =	shalt  }
0x4a: {  	_ =	shalt  }
0x4b: {  	_ =	shalt  }
0x4c: {  	_ =	shalt  }
0x4d: {  	_ =	shalt  }
0x4e: {  	_ =	shalt  }
0x4f: {  	_ =	shalt  }
0x50: {  	_ =	shalt  }
0x51: {  	_ =	shalt  }
0x52: {  	_ =	shalt  }
0x53: {  	_ =	shalt  }
0x54: {  	_ =	shalt  }
0x55: {  	_ =	shalt  }
0x56: {  	_ =	shalt  }
0x57: {  	_ =	shalt  }
0x58: {  	_ =	shalt  }
0x59: {  	_ =	shalt  }
0x5a: {  	_ =	shalt  }
0x5b: {  	_ =	shalt  }
0x5c: {  	_ =	shalt  }
0x5d: {  	_ =	shalt  }
0x5e: {  	_ =	shalt  }
0x5f: {  	_ =	shalt  }
0x60: {  	_ =	shalt  }
0x61: {  	_ =	shalt  }
0x62: {  	_ =	shalt  }
0x63: {  	_ =	shalt  }
0x64: {  	_ =	shalt  }
0x65: {  	_ =	shalt  }
0x66: {  	_ =	shalt  }
0x67: {  	_ =	shalt  }
0x68: {  	_ =	shalt  }
0x69: {  	_ =	shalt  }
0x6a: {  	_ =	shalt  }
0x6b: {  	_ =	shalt  }
0x6c: {  	_ =	shalt  }
0x6d: {  	_ =	shalt  }
0x6e: {  	_ =	shalt  }
0x6f: {  	_ =	shalt  }
0x70: {  	_ =	shalt  }
0x71: {  	_ =	shalt  }
0x72: {  	_ =	shalt  }
0x73: {  	_ =	shalt  }
0x74: {  	_ =	shalt  }
0x75: {  	_ =	shalt  }
0x76: {  	_ =	shalt  }
0x77: {  	_ =	shalt  }
0x78: {  	_ =	shalt  }
0x79: {  	_ =	shalt  }
0x7a: {  	_ =	shalt  }
0x7b: {  	_ =	shalt  }
0x7c: {  	_ =	shalt  }
0x7d: {  	_ =	shalt  }
0x7e: {  	_ =	shalt  }
0x7f: {  	_ =	shalt  }
0x80: {  	_ =	shalt  }
0x81: {  	_ =	shalt  }
0x82: {  	_ =	shalt  }
0x83: {  	_ =	shalt  }
0x84: {  	_ =	shalt  }
0x85: {  	_ =	shalt  }
0x86: {  	_ =	shalt  }
0x87: {  	_ =	shalt  }
.Lfunc_end0:
.L_simem_size_0:
called_computation_lowered:
.L_overlay_start_0:
0x88: {  	s2 =	sld [smem:$0x3FD9]  }
0x89: {  	s3 =	sld [smem:$0x3FFE];
	_ =	sdelay $0x1  }
0x8a: {  	s1 =	srdreg.scid  }
0x8b: {  	s0 =	sand.u32 $0x1, s1  }
0x8c: {  	s17 =	sshll.u32 s0, $0xA;
	s2 =	sadd.s32 s3, s2  }
0x8d: {  	s2 =	sadd.s32 s2, s17  }
0x8e: {  	[smem:$0x3FC5] =	sst s2  }
0x8f: {  	_ = 	snop  }
0x90: {  	s2 =	sld [smem:$0x3FC8]  }
0x91: {  	s18 =	sld [smem:$0x3FC7];
	(tm) =	ssettm $0x1  }
0x92: {  	s4 =	sld [smem:$0x3FFB];
	_ =	sdelay $0x3  }
0x93: {  	_ =	strace s4  }
0x94: {  	s4 =	sld [smem:$0x3FFC];
	_ =	sdelay $0x3  }
0x95: {  	_ =	strace s4  }
0x96: {  	s4 =	sld [smem:$0x3FFD];
	_ =	sdelay $0x3  }
0x97: {  	_ =	strace s4  }
0x98: {  	_ =	strace $0x8FFFFFFF  }
0x99: {  	s19 =	sld [smem:$0x3FDB];
	_ =	sdelay $0x1  }
0x9a: {  	s5 =	simm.s32 $_scs_section_size  }
0x9b: {  	s6 =	simm.s32 $_size__tile_overlayer_lowered;
	s7 =	simm.s32 $_tile_overlayer_lowered  }
0x9c: {  	s22 =	simm.s32 $0x1BFF;
	s21 =	sshll.u32 s7, $0x1;
	s4 =	sadd.s32 s5, s19  }
0x9d: {  	s8 =	simm.s32 $0x0;
	s20 =	sshll.u32 s6, $0x1;
	s6 =	sadd.s32 s21, s4  }
0x9e: {  	[timem:s8], [sflag:s22] =	dma.local [hbm:s6], s20  }
0x9f: {  	_ =	swait.ge [sflag:s22], s20  }
0xa0: {  	s5 =	ssub.s32 $0x0, s20;
	[sflag:s22] =	ssyncset.done $0x0  }
0xa1: {  	[sflag:s22] =	ssyncadd.s32 s5;
	_ =	sdelay $0x1  }
0xa2: {  	s23 =	simm.s32 $0x1B8B  }
0xa3: {  	_ =	swait.ge [sflag:s23], $0x1  }
0xa4: {  	[sflag:s23] =	ssyncset.done $0x0  }
0xa5: {  	s25 =	simm.s32 $0x1B8E;
	s24 =	sld [smem:$0x3FFE];
	[sflag:s23] =	ssyncadd.s32 $0xFFFFFFFF  }
0xa6: {  	s26 =	simm.s32 $execute0_lowered;
	[smem:$0x3FD2] =	sst s25  }
0xa7: {  	s6 =	sshll.u32 s26, $0x1;
	_ =	strace $0x80000046;
	[dreg:$0x1] =	wrdreg $0xFFFFFFFF  }
0xa8: {  	s28 =	simm.s32 $_size_execute0_lowered;
	s4 =	sadd.s32 s4, s6;
	[dreg:$0x0] =	wrdreg $0x0  }
0xa9: {  	s6 =	sshll.u32 s28, $0x1;
	[dreg:$0x2] =	wrdreg s4  }
0xaa: {  	[dreg:$0x3] =	wrdreg s6  }
0xab: {  	[dreg:$0x4] =	wrdreg $0xC0  }
0xac: {  	_ =	task [dreg:s8], $0x5FFFF  }
0xad: {  	[dreg:$0x1] =	wrdreg $0xFFFFFFFF  }
0xae: {  	[dreg:$0x0] =	wrdreg $0x60  }
0xaf: {  	[dreg:$0x2] =	wrdreg s2  }
0xb0: {  	[dreg:$0x3] =	wrdreg s18  }
0xb1: {  	[dreg:$0x4] =	wrdreg s24  }
0xb2: {  	[dreg:$0x5] =	wrdreg $0xC3800  }
0xb3: {  	[dreg:$0x6] =	wrdreg $0x9  }
0xb4: {  	_ =	task.clear_ibuf [dreg:s8], $0x7FFFF;
	_ =	strace $0x90000046  }
0xb5: {  	s29 =	simm.s32 $0x9;
	_ =	strace $0x80000048  }
0xb6: {  	_ =	swait.ge [sflag:s29], $0x1  }
0xb7: {  	[sflag:s29] =	ssyncadd.s32 $0xFFFFFFFF  }
0xb8: {  	_ =	strace $0x90000048  }
0xb9: {  	_ =	sfence  }
0xba: {  	s30 =	sld [smem:$0x0];
	_ =	sdelay $0x2  }
0xbb: {  	s31 =	sshll.u32 s1, $0xD;
	s1 =	sshrl.u32 s1, $0x2  }
0xbc: {  	s3 =	sand.u32 $0x4000, s31;
	s1 =	sadd.s32 s1, s30  }
0xbd: {  	s0 =	sor.u32 s3, s0;
	s1 =	sshll.u32 s1, $0x11  }
0xbe: {  	s0 =	sor.u32 s1, s0  }
0xbf: {  	s0 =	sadd.s32 $0x8F2B, s0  }
0xc0: {  	[sflag:s0] =	ssyncadd.remote.s32 $0x1  }
0xc1: {  	_ =	sfence.sel $0xFFFF  }
0xc2: {  	[dreg:$0x0] =	wrdreg $0xFFFFFFFF;
	(pc) =	sbr.abs _section_cstart, $3  }
0xc3: {  	[dreg:$0x1] =	wrdreg $0xFFFFFFFF  }
0xc4: {  	_ =	task.clear_ibuf [dreg:s8], $0x2FFFF;
	_ =	strace $0x9FFFFFFF  }
0xc5: {  	(tm) =	ssettm $0x7FFFFFFF  }
tec
execute0_lowered:
.L_overlay_start_1:
0x0: {  	(tag) =	ssettag $0x1  }
0x1: {  	s5 =	rddreg [dreg:$0x0]  }
0x2: {  	s4 =	rddreg [dreg:$0x1]  }
0x3: {  	s8 =	rddreg [dreg:$0x2]  }
0x4: {  	s1 =	rddreg [dreg:$0x3]  }
0x5: {  	s0 =	rddreg [dreg:$0x4];
	s2 =	simm.s32 $0x0  }
0x6: {  	s3 =	srdreg.scid;
	s12 =	simm.s32 $0x2;
	s13 =	simm.s32 $0x1  }
0x7: {  	s14 =	simm.s32 $0x8000;
	s15 =	simm.s32 $0x3;
	s16 =	simm.s32 $0x8400  }
0x8: {  	s17 =	simm.s32 $0xC300;
	s18 =	simm.s32 $0x0;
	[smem:$0x7FF] =	sst s2  }
0x9: {  	s6 =	sand.u32 $0x1, s3;
	s3 =	stileid.u32;
	_ =	strace $0x80000047  }
0xa: {  	s7 =	ssub.s32 $0x2, s6;
	p0 =	seq.s32 s3, $0xF;
	s10 =	sshll.u32 s3, $0xC  }
0xb: {  	s11 =	sshll.u32 s3, $0x5;
	s6 =	sshll.u32 s6, $0x4;
	s9 =	sshrl.u32 s7, $0x1  }
0xc: {  	s10 =	simm.s32 @p0 $0xEA00;
	s11 =	sor.u32 s6, s11;
	s9 =	ssub.s32 s7, s9  }
0xd: {  	s4 =	sadd.s32 s4, s10;
	s5 =	sadd.s32 s5, s11;
	s31 =	sshrl.u32 s10, $0x2  }
0xe: {  	s8 =	sadd.s32 s8, s11;
	s10 =	simm.s32 $0xC280;
	s11 =	simm.s32 $0x4000  }
0xf: {  	s6 =	sadd.s32 $0x800, s4;
	s7 =	sadd.s32 s31, s1;
	s9 =	smax.u32 s9, $0x1  }
.LBB2_1:
0x10: {  	[tilespmem:s10], [sflag:$0x1] =	stream.linear.gather [hbm4b:s5+s2], $0x80, $0x38;
	[tilespmem:$0xC768] =	vst v63  }
0x11: {  	_ = 	snop  }
0x12: {  	[tilespmem:s2], [sflag:$0x2] =	stream.linear.gather [hbm4b:s4+s2], $0x4000, $0x38;
	[tilespmem:$0xC768] =	vst v63  }
0x13: {  	_ = 	snop  }
0x14: {  	[tilespmem:s11], [sflag:$0x2] =	stream.linear.gather [hbm4b:s6+s2], $0x4000, $0x38;
	[tilespmem:$0xC768] =	vst v63  }
0x15: {  	_ =	swait.ge [sflag:s12], $0x4000  }
0x16: {  	s20 =	sand.u32 $0x3000, s2;
	s19 =	sand.u32 $0x200, s2;
	[sflag:s12] =	ssyncset.done $0x0  }
0x17: {  	s21 =	sor.u32 s19, s20;
	[sflag:s12] =	ssyncadd.s32 $0xFFFFC000  }
0x18: {  	v0 =	vld [tilespmem:s21+$0x0]  }
0x19: {  	v1 =	vld [tilespmem:s21+$0x10];
	_ =	sdelay $0x1  }
0x1a: {  	v2 =	vld [tilespmem:s21+$0x20];
	_ =	sdelay $0x1  }
0x1b: {  	v3 =	vld [tilespmem:s21+$0x30]  }
0x1c: {  	v0 =	vmul.f32 v0, v0;
	v1 =	vmul.f32 v1, v1  }
0x1d: {  	v4 =	vld [tilespmem:s21+$0x40]  }
0x1e: {  	v2 =	vmul.f32 v2, v2;
	v0 =	vadd.f32 v1, v0  }
0x1f: {  	v1 =	vld [tilespmem:s21+$0x50]  }
0x20: {  	v3 =	vmul.f32 v3, v3;
	v0 =	vadd.f32 v2, v0  }
0x21: {  	v2 =	vld [tilespmem:s21+$0x60]  }
0x22: {  	v4 =	vmul.f32 v4, v4;
	v0 =	vadd.f32 v3, v0  }
0x23: {  	v3 =	vld [tilespmem:s21+$0x70]  }
0x24: {  	v1 =	vmul.f32 v1, v1;
	v0 =	vadd.f32 v4, v0  }
0x25: {  	v31 =	vld [tilespmem:s21+$0x400]  }
0x26: {  	v2 =	vmul.f32 v2, v2;
	v0 =	vadd.f32 v1, v0  }
0x27: {  	v1 =	vld [tilespmem:s21+$0x410]  }
0x28: {  	v3 =	vmul.f32 v3, v3;
	v0 =	vadd.f32 v2, v0  }
0x29: {  	v2 =	vld [tilespmem:s21+$0x420]  }
0x2a: {  	v4 =	vmul.f32 v31, v31;
	v0 =	vadd.f32 v3, v0  }
0x2b: {  	v3 =	vld [tilespmem:s21+$0x430]  }
0x2c: {  	v1 =	vmul.f32 v1, v1;
	v0 =	vadd.f32 v4, v0  }
0x2d: {  	v32 =	vld [tilespmem:s21+$0x440]  }
0x2e: {  	v2 =	vmul.f32 v2, v2;
	v0 =	vadd.f32 v1, v0  }
0x2f: {  	v1 =	vld [tilespmem:s21+$0x450]  }
0x30: {  	p0 =	por $0x0, $0x0;
	s19 =	simm.s32 $0x1;
	v3 =	vmul.f32 v3, v3;
	v0 =	vadd.f32 v2, v0  }
0x31: {  	s19 =	simm.s32 @!p0 $0x0;
	v2 =	vld [tilespmem:s21+$0x460]  }
0x32: {  	s19 =	sshll.u32 s19, $0x9;
	v4 =	vmul.f32 v32, v32;
	v0 =	vadd.f32 v3, v0  }
0x33: {  	s19 =	sadd.s32 $0x0, s19;
	v3 =	vld [tilespmem:s21+$0x470]  }
0x34: {  	s31 =	sor.u32 $0x800, s19;
	v1 =	vmul.f32 v1, v1;
	v0 =	vadd.f32 v4, v0  }
0x35: {  	v33 =	vld [tilespmem:s31+$0x0]  }
0x36: {  	s22 =	sor.u32 $0x810, s19;
	v2 =	vmul.f32 v2, v2;
	v0 =	vadd.f32 v1, v0  }
0x37: {  	v1 =	vld [tilespmem:s22+$0x0]  }
0x38: {  	s23 =	sor.u32 $0x820, s19;
	v3 =	vmul.f32 v3, v3;
	v0 =	vadd.f32 v2, v0  }
0x39: {  	v2 =	vld [tilespmem:s23+$0x0]  }
0x3a: {  	s24 =	sor.u32 $0x830, s19;
	v4 =	vmul.f32 v33, v33;
	v0 =	vadd.f32 v3, v0  }
0x3b: {  	v3 =	vld [tilespmem:s24+$0x0]  }
0x3c: {  	s25 =	sor.u32 $0x840, s19;
	v1 =	vmul.f32 v1, v1;
	v0 =	vadd.f32 v4, v0  }
0x3d: {  	v34 =	vld [tilespmem:s25+$0x0]  }
0x3e: {  	s26 =	sor.u32 $0x850, s19;
	v2 =	vmul.f32 v2, v2;
	v0 =	vadd.f32 v1, v0  }
0x3f: {  	v1 =	vld [tilespmem:s26+$0x0]  }
0x40: {  	s28 =	sor.u32 $0x860, s19;
	v3 =	vmul.f32 v3, v3;
	v0 =	vadd.f32 v2, v0  }
0x41: {  	v2 =	vld [tilespmem:s28+$0x0]  }
0x42: {  	s29 =	sor.u32 $0x870, s19;
	v4 =	vmul.f32 v34, v34;
	v0 =	vadd.f32 v3, v0  }
0x43: {  	v3 =	vld [tilespmem:s29+$0x0]  }
0x44: {  	s30 =	sor.u32 $0xC00, s19;
	v1 =	vmul.f32 v1, v1;
	v0 =	vadd.f32 v4, v0  }
0x45: {  	v35 =	vld [tilespmem:s30+$0x0]  }
0x46: {  	s31 =	sor.u32 $0xC10, s19;
	v2 =	vmul.f32 v2, v2;
	v0 =	vadd.f32 v1, v0  }
0x47: {  	v1 =	vld [tilespmem:s31+$0x0]  }
0x48: {  	s22 =	sor.u32 $0xC20, s19;
	v3 =	vmul.f32 v3, v3;
	v0 =	vadd.f32 v2, v0  }
0x49: {  	v2 =	vld [tilespmem:s22+$0x0]  }
0x4a: {  	s23 =	sor.u32 $0xC30, s19;
	v4 =	vmul.f32 v35, v35;
	v0 =	vadd.f32 v3, v0  }
0x4b: {  	v3 =	vld [tilespmem:s23+$0x0]  }
0x4c: {  	s24 =	sor.u32 $0xC40, s19;
	v1 =	vmul.f32 v1, v1;
	v0 =	vadd.f32 v4, v0  }
0x4d: {  	v36 =	vld [tilespmem:s24+$0x0]  }
0x4e: {  	s25 =	sor.u32 $0xC50, s19;
	v2 =	vmul.f32 v2, v2;
	v0 =	vadd.f32 v1, v0  }
0x4f: {  	v1 =	vld [tilespmem:s25+$0x0]  }
0x50: {  	s26 =	sor.u32 $0xC60, s19;
	v3 =	vmul.f32 v3, v3;
	v0 =	vadd.f32 v2, v0  }
0x51: {  	v2 =	vld [tilespmem:s26+$0x0]  }
0x52: {  	s19 =	sor.u32 $0xC70, s19;
	v4 =	vmul.f32 v36, v36;
	v0 =	vadd.f32 v3, v0  }
0x53: {  	v3 =	vld [tilespmem:s19+$0x0]  }
0x54: {  	v1 =	vmul.f32 v1, v1;
	v0 =	vadd.f32 v4, v0;
	_ =	sdelay $0x1  }
0x55: {  	v2 =	vmul.f32 v2, v2;
	v0 =	vadd.f32 v1, v0;
	_ =	sdelay $0x1  }
0x56: {  	v1 =	vmul.f32 v3, v3;
	v0 =	vadd.f32 v2, v0;
	_ =	sdelay $0x1  }
0x57: {  	s28 =	simm.s32 $0x80;
	v0 =	vadd.f32 v1, v0  }
0x58: {  	s21 =	sand.u32 $0x280, s28;
	s19 =	simm.s32 $0x8020  }
0x59: {  	s22 =	sor.u32 s21, s20;
	[tilespmem:s19+$0xFFFFFFE0] =	vst v0  }
0x5a: {  	v0 =	vld [tilespmem:s22+$0x0]  }
0x5b: {  	v1 =	vld [tilespmem:s22+$0x10];
	_ =	sdelay $0x1  }
0x5c: {  	v2 =	vld [tilespmem:s22+$0x20];
	_ =	sdelay $0x1  }
0x5d: {  	v3 =	vld [tilespmem:s22+$0x30]  }
0x5e: {  	v0 =	vmul.f32 v0, v0;
	v1 =	vmul.f32 v1, v1  }
0x5f: {  	v37 =	vld [tilespmem:s22+$0x40]  }
0x60: {  	v0 =	vadd.f32 v1, v0;
	v1 =	vmul.f32 v2, v2  }
0x61: {  	v2 =	vld [tilespmem:s22+$0x50]  }
0x62: {  	v0 =	vadd.f32 v1, v0;
	v1 =	vmul.f32 v3, v3  }
0x63: {  	v3 =	vld [tilespmem:s22+$0x60]  }
0x64: {  	v0 =	vadd.f32 v1, v0;
	v1 =	vmul.f32 v37, v37  }
0x65: {  	v38 =	vld [tilespmem:s22+$0x70]  }
0x66: {  	v0 =	vadd.f32 v1, v0;
	v1 =	vmul.f32 v2, v2  }
0x67: {  	v2 =	vld [tilespmem:s22+$0x400]  }
0x68: {  	v0 =	vadd.f32 v1, v0;
	v1 =	vmul.f32 v3, v3  }
0x69: {  	v3 =	vld [tilespmem:s22+$0x410]  }
0x6a: {  	v0 =	vadd.f32 v1, v0;
	v1 =	vmul.f32 v38, v38  }
0x6b: {  	v39 =	vld [tilespmem:s22+$0x420]  }
0x6c: {  	v0 =	vadd.f32 v1, v0;
	v1 =	vmul.f32 v2, v2  }
0x6d: {  	v2 =	vld [tilespmem:s22+$0x430]  }
0x6e: {  	v0 =	vadd.f32 v1, v0;
	v1 =	vmul.f32 v3, v3  }
0x6f: {  	v3 =	vld [tilespmem:s22+$0x440]  }
0x70: {  	v0 =	vadd.f32 v1, v0;
	v1 =	vmul.f32 v39, v39  }
0x71: {  	v40 =	vld [tilespmem:s22+$0x450]  }
0x72: {  	s29 =	sand.u32 $0x7, s2;
	v0 =	vadd.f32 v1, v0;
	v1 =	vmul.f32 v2, v2  }
0x73: {  	s21 =	sshll.u32 s29, $0x7;
	v2 =	vld [tilespmem:s22+$0x460]  }
0x74: {  	s21 =	sadd.s32 $0x0, s21;
	v0 =	vadd.f32 v1, v0;
	v1 =	vmul.f32 v3, v3  }
0x75: {  	v3 =	vld [tilespmem:s22+$0x470];
	s22 =	sadd.s32 $0x80, s21  }
0x76: {  	s23 =	sor.u32 $0x800, s22;
	v0 =	vadd.f32 v1, v0;
	v1 =	vmul.f32 v40, v40  }
0x77: {  	v41 =	vld [tilespmem:s23+$0x0]  }
0x78: {  	s30 =	sor.u32 $0x810, s22;
	v0 =	vadd.f32 v1, v0;
	v1 =	vmul.f32 v2, v2  }
0x79: {  	v2 =	vld [tilespmem:s30+$0x0]  }
0x7a: {  	s31 =	sor.u32 $0x820, s22;
	v0 =	vadd.f32 v1, v0;
	v1 =	vmul.f32 v3, v3  }
0x7b: {  	v3 =	vld [tilespmem:s31+$0x0]  }
0x7c: {  	s24 =	sor.u32 $0x830, s22;
	v0 =	vadd.f32 v1, v0;
	v1 =	vmul.f32 v41, v41  }
0x7d: {  	v42 =	vld [tilespmem:s24+$0x0]  }
0x7e: {  	s25 =	sor.u32 $0x840, s22;
	v0 =	vadd.f32 v1, v0;
	v1 =	vmul.f32 v2, v2  }
0x7f: {  	v2 =	vld [tilespmem:s25+$0x0]  }
0x80: {  	s26 =	sor.u32 $0x850, s22;
	v0 =	vadd.f32 v1, v0;
	v1 =	vmul.f32 v3, v3  }
0x81: {  	v3 =	vld [tilespmem:s26+$0x0]  }
0x82: {  	s28 =	sor.u32 $0x860, s22;
	v0 =	vadd.f32 v1, v0;
	v1 =	vmul.f32 v42, v42  }
0x83: {  	v43 =	vld [tilespmem:s28+$0x0]  }
0x84: {  	s29 =	sor.u32 $0x870, s22;
	v0 =	vadd.f32 v1, v0;
	v1 =	vmul.f32 v2, v2  }
0x85: {  	v2 =	vld [tilespmem:s29+$0x0]  }
0x86: {  	s30 =	sor.u32 $0xC00, s22;
	v0 =	vadd.f32 v1, v0;
	v1 =	vmul.f32 v3, v3  }
0x87: {  	v3 =	vld [tilespmem:s30+$0x0]  }
0x88: {  	s31 =	sor.u32 $0xC10, s22;
	v0 =	vadd.f32 v1, v0;
	v1 =	vmul.f32 v43, v43  }
0x89: {  	v44 =	vld [tilespmem:s31+$0x0]  }
0x8a: {  	s24 =	sor.u32 $0xC20, s22;
	v0 =	vadd.f32 v1, v0;
	v1 =	vmul.f32 v2, v2  }
0x8b: {  	v2 =	vld [tilespmem:s24+$0x0]  }
0x8c: {  	s25 =	sor.u32 $0xC30, s22;
	v0 =	vadd.f32 v1, v0;
	v1 =	vmul.f32 v3, v3  }
0x8d: {  	v3 =	vld [tilespmem:s25+$0x0]  }
0x8e: {  	s26 =	sor.u32 $0xC40, s22;
	v0 =	vadd.f32 v1, v0;
	v1 =	vmul.f32 v44, v44  }
0x8f: {  	v45 =	vld [tilespmem:s26+$0x0]  }
0x90: {  	s28 =	sor.u32 $0xC50, s22;
	v0 =	vadd.f32 v1, v0;
	v1 =	vmul.f32 v2, v2  }
0x91: {  	v2 =	vld [tilespmem:s28+$0x0]  }
0x92: {  	s29 =	sor.u32 $0xC60, s22;
	v0 =	vadd.f32 v1, v0;
	v1 =	vmul.f32 v3, v3  }
0x93: {  	v3 =	vld [tilespmem:s29+$0x0]  }
0x94: {  	s22 =	sor.u32 $0xC70, s22;
	v0 =	vadd.f32 v1, v0;
	v1 =	vmul.f32 v45, v45  }
0x95: {  	v46 =	vld [tilespmem:s22+$0x0]  }
0x96: {  	v0 =	vadd.f32 v1, v0;
	v1 =	vmul.f32 v2, v2;
	_ =	sdelay $0x1  }
0x97: {  	v0 =	vadd.f32 v1, v0;
	v1 =	vmul.f32 v3, v3;
	_ =	sdelay $0x1  }
0x98: {  	v0 =	vadd.f32 v1, v0;
	v1 =	vmul.f32 v46, v46;
	_ =	sdelay $0x1  }
0x99: {  	s30 =	simm.s32 $0x100;
	v0 =	vadd.f32 v1, v0  }
0x9a: {  	s22 =	sand.u32 $0x300, s30  }
0x9b: {  	s22 =	sor.u32 s22, s20;
	[tilespmem:s19+$0xFFFFFFF0] =	vst v0  }
0x9c: {  	v0 =	vld [tilespmem:s22+$0x0]  }
0x9d: {  	v1 =	vld [tilespmem:s22+$0x10];
	_ =	sdelay $0x1  }
0x9e: {  	v2 =	vld [tilespmem:s22+$0x20];
	_ =	sdelay $0x1  }
0x9f: {  	v3 =	vld [tilespmem:s22+$0x30]  }
0xa0: {  	v0 =	vmul.f32 v0, v0;
	v1 =	vmul.f32 v1, v1  }
0xa1: {  	v47 =	vld [tilespmem:s22+$0x40]  }
0xa2: {  	v0 =	vadd.f32 v1, v0;
	v1 =	vmul.f32 v2, v2  }
0xa3: {  	v2 =	vld [tilespmem:s22+$0x50]  }
0xa4: {  	v0 =	vadd.f32 v1, v0;
	v1 =	vmul.f32 v3, v3  }
0xa5: {  	v3 =	vld [tilespmem:s22+$0x60]  }
0xa6: {  	v0 =	vadd.f32 v1, v0;
	v1 =	vmul.f32 v47, v47  }
0xa7: {  	v48 =	vld [tilespmem:s22+$0x70]  }
0xa8: {  	v0 =	vadd.f32 v1, v0;
	v1 =	vmul.f32 v2, v2  }
0xa9: {  	v2 =	vld [tilespmem:s22+$0x400]  }
0xaa: {  	v0 =	vadd.f32 v1, v0;
	v1 =	vmul.f32 v3, v3  }
0xab: {  	v3 =	vld [tilespmem:s22+$0x410]  }
0xac: {  	v0 =	vadd.f32 v1, v0;
	v1 =	vmul.f32 v48, v48  }
0xad: {  	v49 =	vld [tilespmem:s22+$0x420]  }
0xae: {  	v0 =	vadd.f32 v1, v0;
	v1 =	vmul.f32 v2, v2  }
0xaf: {  	v2 =	vld [tilespmem:s22+$0x430]  }
0xb0: {  	v0 =	vadd.f32 v1, v0;
	v1 =	vmul.f32 v3, v3  }
0xb1: {  	v3 =	vld [tilespmem:s22+$0x440]  }
0xb2: {  	v0 =	vadd.f32 v1, v0;
	v1 =	vmul.f32 v49, v49  }
0xb3: {  	v50 =	vld [tilespmem:s22+$0x450]  }
0xb4: {  	s31 =	sand.u32 $0x3, s2;
	v0 =	vadd.f32 v1, v0;
	v1 =	vmul.f32 v2, v2  }
0xb5: {  	s23 =	sshll.u32 s31, $0x8;
	v2 =	vld [tilespmem:s22+$0x460]  }
0xb6: {  	s23 =	sadd.s32 $0x0, s23;
	v0 =	vadd.f32 v1, v0;
	v1 =	vmul.f32 v3, v3  }
0xb7: {  	v3 =	vld [tilespmem:s22+$0x470];
	s22 =	sadd.s32 $0x100, s23  }
0xb8: {  	s23 =	sor.u32 $0x800, s22;
	v0 =	vadd.f32 v1, v0;
	v1 =	vmul.f32 v50, v50  }
0xb9: {  	v51 =	vld [tilespmem:s23+$0x0]  }
0xba: {  	s24 =	sor.u32 $0x810, s22;
	v0 =	vadd.f32 v1, v0;
	v1 =	vmul.f32 v2, v2  }
0xbb: {  	v2 =	vld [tilespmem:s24+$0x0]  }
0xbc: {  	s25 =	sor.u32 $0x820, s22;
	v0 =	vadd.f32 v1, v0;
	v1 =	vmul.f32 v3, v3  }
0xbd: {  	v3 =	vld [tilespmem:s25+$0x0]  }
0xbe: {  	s26 =	sor.u32 $0x830, s22;
	v0 =	vadd.f32 v1, v0;
	v1 =	vmul.f32 v51, v51  }
0xbf: {  	v52 =	vld [tilespmem:s26+$0x0]  }
0xc0: {  	s28 =	sor.u32 $0x840, s22;
	v0 =	vadd.f32 v1, v0;
	v1 =	vmul.f32 v2, v2  }
0xc1: {  	v2 =	vld [tilespmem:s28+$0x0]  }
0xc2: {  	s29 =	sor.u32 $0x850, s22;
	v0 =	vadd.f32 v1, v0;
	v1 =	vmul.f32 v3, v3  }
0xc3: {  	v3 =	vld [tilespmem:s29+$0x0]  }
0xc4: {  	s30 =	sor.u32 $0x860, s22;
	v0 =	vadd.f32 v1, v0;
	v1 =	vmul.f32 v52, v52  }
0xc5: {  	v53 =	vld [tilespmem:s30+$0x0]  }
0xc6: {  	s31 =	sor.u32 $0x870, s22;
	v0 =	vadd.f32 v1, v0;
	v1 =	vmul.f32 v2, v2  }
0xc7: {  	v2 =	vld [tilespmem:s31+$0x0]  }
0xc8: {  	s24 =	sor.u32 $0xC00, s22;
	v0 =	vadd.f32 v1, v0;
	v1 =	vmul.f32 v3, v3  }
0xc9: {  	v3 =	vld [tilespmem:s24+$0x0]  }
0xca: {  	s25 =	sor.u32 $0xC10, s22;
	v0 =	vadd.f32 v1, v0;
	v1 =	vmul.f32 v53, v53  }
0xcb: {  	v54 =	vld [tilespmem:s25+$0x0]  }
0xcc: {  	s26 =	sor.u32 $0xC20, s22;
	v0 =	vadd.f32 v1, v0;
	v1 =	vmul.f32 v2, v2  }
0xcd: {  	v2 =	vld [tilespmem:s26+$0x0]  }
0xce: {  	s28 =	sor.u32 $0xC30, s22;
	v0 =	vadd.f32 v1, v0;
	v1 =	vmul.f32 v3, v3  }
0xcf: {  	v3 =	vld [tilespmem:s28+$0x0]  }
0xd0: {  	s29 =	sor.u32 $0xC40, s22;
	v0 =	vadd.f32 v1, v0;
	v1 =	vmul.f32 v54, v54  }
0xd1: {  	v55 =	vld [tilespmem:s29+$0x0]  }
0xd2: {  	s30 =	sor.u32 $0xC50, s22;
	v0 =	vadd.f32 v1, v0;
	v1 =	vmul.f32 v2, v2  }
0xd3: {  	v2 =	vld [tilespmem:s30+$0x0]  }
0xd4: {  	s31 =	sor.u32 $0xC60, s22;
	v0 =	vadd.f32 v1, v0;
	v1 =	vmul.f32 v3, v3  }
0xd5: {  	v3 =	vld [tilespmem:s31+$0x0]  }
0xd6: {  	s22 =	sor.u32 $0xC70, s22;
	v0 =	vadd.f32 v1, v0;
	v1 =	vmul.f32 v55, v55  }
0xd7: {  	v56 =	vld [tilespmem:s22+$0x0]  }
0xd8: {  	v0 =	vadd.f32 v1, v0;
	v1 =	vmul.f32 v2, v2;
	_ =	sdelay $0x1  }
0xd9: {  	v0 =	vadd.f32 v1, v0;
	v1 =	vmul.f32 v3, v3;
	_ =	sdelay $0x1  }
0xda: {  	v0 =	vadd.f32 v1, v0;
	v1 =	vmul.f32 v56, v56;
	_ =	sdelay $0x1  }
0xdb: {  	s23 =	simm.s32 $0x180;
	v0 =	vadd.f32 v1, v0  }
0xdc: {  	s22 =	sand.u32 $0x380, s23  }
0xdd: {  	s20 =	sor.u32 s22, s20;
	[tilespmem:s19+$0x0] =	vst v0  }
0xde: {  	v0 =	vld [tilespmem:s20+$0x0]  }
0xdf: {  	v1 =	vld [tilespmem:s20+$0x10];
	_ =	sdelay $0x1  }
0xe0: {  	v2 =	vld [tilespmem:s20+$0x20];
	_ =	sdelay $0x1  }
0xe1: {  	v3 =	vld [tilespmem:s20+$0x30]  }
0xe2: {  	v0 =	vmul.f32 v0, v0;
	v1 =	vmul.f32 v1, v1  }
0xe3: {  	v57 =	vld [tilespmem:s20+$0x40]  }
0xe4: {  	v2 =	vmul.f32 v2, v2;
	v0 =	vadd.f32 v1, v0  }
0xe5: {  	v1 =	vld [tilespmem:s20+$0x50]  }
0xe6: {  	v3 =	vmul.f32 v3, v3;
	v0 =	vadd.f32 v2, v0  }
0xe7: {  	v2 =	vld [tilespmem:s20+$0x60]  }
0xe8: {  	v4 =	vmul.f32 v57, v57;
	v0 =	vadd.f32 v3, v0  }
0xe9: {  	v3 =	vld [tilespmem:s20+$0x70]  }
0xea: {  	v1 =	vmul.f32 v1, v1;
	v0 =	vadd.f32 v4, v0  }
0xeb: {  	v58 =	vld [tilespmem:s20+$0x400]  }
0xec: {  	v2 =	vmul.f32 v2, v2;
	v0 =	vadd.f32 v1, v0  }
0xed: {  	v1 =	vld [tilespmem:s20+$0x410]  }
0xee: {  	v3 =	vmul.f32 v3, v3;
	v0 =	vadd.f32 v2, v0  }
0xef: {  	v2 =	vld [tilespmem:s20+$0x420]  }
0xf0: {  	v4 =	vmul.f32 v58, v58;
	v0 =	vadd.f32 v3, v0  }
0xf1: {  	v3 =	vld [tilespmem:s20+$0x430]  }
0xf2: {  	v1 =	vmul.f32 v1, v1;
	v0 =	vadd.f32 v4, v0  }
0xf3: {  	v59 =	vld [tilespmem:s20+$0x440]  }
0xf4: {  	v2 =	vmul.f32 v2, v2;
	v0 =	vadd.f32 v1, v0  }
0xf5: {  	v1 =	vld [tilespmem:s20+$0x450]  }
0xf6: {  	v3 =	vmul.f32 v3, v3;
	v0 =	vadd.f32 v2, v0  }
0xf7: {  	v2 =	vld [tilespmem:s20+$0x460]  }
0xf8: {  	v4 =	vmul.f32 v59, v59;
	v0 =	vadd.f32 v3, v0  }
0xf9: {  	s21 =	sadd.s32 $0x180, s21;
	v3 =	vld [tilespmem:s20+$0x470]  }
0xfa: {  	s24 =	sor.u32 $0x800, s21;
	v1 =	vmul.f32 v1, v1;
	v0 =	vadd.f32 v4, v0  }
0xfb: {  	v60 =	vld [tilespmem:s24+$0x0]  }
0xfc: {  	s25 =	sor.u32 $0x810, s21;
	v2 =	vmul.f32 v2, v2;
	v0 =	vadd.f32 v1, v0  }
0xfd: {  	v1 =	vld [tilespmem:s25+$0x0]  }
0xfe: {  	s26 =	sor.u32 $0x820, s21;
	v3 =	vmul.f32 v3, v3;
	v0 =	vadd.f32 v2, v0  }
0xff: {  	v2 =	vld [tilespmem:s26+$0x0]  }
0x100: {  	s28 =	sor.u32 $0x830, s21;
	v4 =	vmul.f32 v60, v60;
	v0 =	vadd.f32 v3, v0  }
0x101: {  	v3 =	vld [tilespmem:s28+$0x0]  }
0x102: {  	s29 =	sor.u32 $0x840, s21;
	v1 =	vmul.f32 v1, v1;
	v0 =	vadd.f32 v4, v0  }
0x103: {  	v61 =	vld [tilespmem:s29+$0x0]  }
0x104: {  	s30 =	sor.u32 $0x850, s21;
	v2 =	vmul.f32 v2, v2;
	v0 =	vadd.f32 v1, v0  }
0x105: {  	v1 =	vld [tilespmem:s30+$0x0]  }
0x106: {  	s31 =	sor.u32 $0x860, s21;
	v3 =	vmul.f32 v3, v3;
	v0 =	vadd.f32 v2, v0  }
0x107: {  	v2 =	vld [tilespmem:s31+$0x0]  }
0x108: {  	s22 =	sor.u32 $0x870, s21;
	v4 =	vmul.f32 v61, v61;
	v0 =	vadd.f32 v3, v0  }
0x109: {  	v3 =	vld [tilespmem:s22+$0x0]  }
0x10a: {  	s23 =	sor.u32 $0xC00, s21;
	v1 =	vmul.f32 v1, v1;
	v0 =	vadd.f32 v4, v0  }
0x10b: {  	v62 =	vld [tilespmem:s23+$0x0]  }
0x10c: {  	s24 =	sor.u32 $0xC10, s21;
	v2 =	vmul.f32 v2, v2;
	v0 =	vadd.f32 v1, v0  }
0x10d: {  	v1 =	vld [tilespmem:s24+$0x0]  }
0x10e: {  	s25 =	sor.u32 $0xC20, s21;
	v3 =	vmul.f32 v3, v3;
	v0 =	vadd.f32 v2, v0  }
0x10f: {  	v2 =	vld [tilespmem:s25+$0x0]  }
0x110: {  	s26 =	sor.u32 $0xC30, s21;
	v4 =	vmul.f32 v62, v62;
	v0 =	vadd.f32 v3, v0  }
0x111: {  	v3 =	vld [tilespmem:s26+$0x0]  }
0x112: {  	s28 =	sor.u32 $0xC40, s21;
	v1 =	vmul.f32 v1, v1;
	v0 =	vadd.f32 v4, v0  }
0x113: {  	v63 =	vld [tilespmem:s28+$0x0]  }
0x114: {  	s29 =	sor.u32 $0xC50, s21;
	v2 =	vmul.f32 v2, v2;
	v0 =	vadd.f32 v1, v0  }
0x115: {  	s30 =	sor.u32 $0xC60, s21;
	v1 =	vld [tilespmem:s29+$0x0]  }
0x116: {  	v5 =	vld [tilespmem:s30+$0x0];
	s31 =	sor.u32 $0xC70, s21;
	v3 =	vmul.f32 v3, v3;
	v0 =	vadd.f32 v2, v0  }
0x117: {  	v2 =	vld [tilespmem:s31+$0x0]  }
0x118: {  	v4 =	vmul.f32 v63, v63;
	v0 =	vadd.f32 v3, v0;
	_ =	sdelay $0x1  }
0x119: {  	v3 =	vmul.f32 v1, v1;
	v4 =	vadd.f32 v4, v0  }
0x11a: {  	p0 =	por !p0, !p0;
	s23 =	simm.s32 $0x0;
	s20 =	simm.s32 $0x800  }
0x11b: {  	s21 =	simm.s32 $0x2;
	s22 =	simm.s32 $0x8060;
	s24 =	simm.s32 $0x0;
	v1 =	vmul.f32 v5, v5;
	v0 =	vmul.f32 v2, v2;
	v2 =	vadd.f32 v3, v4  }
.LBB2_2:
0x11c: {  	s25 =	simm.s32 $0x1;
	s23 =	sadd.s32 $0x200, s23  }
0x11d: {  	s24 =	sadd.s32 $0x4, s24;
	s26 =	smov.u32 s20;
	s25 =	simm.s32 @!p0 $0x0  }
0x11e: {  	p1 =	sne.s32 s20, $0x3800;
	s20 =	sadd.s32 $0x800, s20;
	v1 =	vadd.f32 v1, v2;
	s25 =	sshll.u32 s25, $0x9  }
0x11f: {  	s28 =	sadd.s32 s25, s26  }
0x120: {  	v0 =	vadd.f32 v0, v1  }
0x121: {  	s29 =	sand.u32 $0x200, s23;
	s25 =	sand.u32 $0x3000, s26  }
0x122: {  	s29 =	sor.u32 s29, s25;
	[tilespmem:s19+$0x10] =	vst v0;
	s19 =	smov.u32 s22  }
0x123: {  	v0 =	vld [tilespmem:s29+$0x0]  }
0x124: {  	v1 =	vld [tilespmem:s29+$0x10]  }
0x125: {  	v2 =	vld [tilespmem:s29+$0x20];
	_ =	sdelay $0x1  }
0x126: {  	v3 =	vld [tilespmem:s29+$0x30]  }
0x127: {  	v0 =	vmul.f32 v0, v0  }
0x128: {  	v1 =	vmul.f32 v1, v1;
	v4 =	vld [tilespmem:s29+$0x40]  }
0x129: {  	v2 =	vmul.f32 v2, v2  }
0x12a: {  	v0 =	vadd.f32 v1, v0;
	v1 =	vld [tilespmem:s29+$0x50]  }
0x12b: {  	v3 =	vmul.f32 v3, v3  }
0x12c: {  	v0 =	vadd.f32 v2, v0;
	v2 =	vld [tilespmem:s29+$0x60]  }
0x12d: {  	v4 =	vmul.f32 v4, v4  }
0x12e: {  	v0 =	vadd.f32 v3, v0;
	v3 =	vld [tilespmem:s29+$0x70]  }
0x12f: {  	v1 =	vmul.f32 v1, v1  }
0x130: {  	v0 =	vadd.f32 v4, v0;
	v4 =	vld [tilespmem:s29+$0x400]  }
0x131: {  	v2 =	vmul.f32 v2, v2  }
0x132: {  	v0 =	vadd.f32 v1, v0;
	v1 =	vld [tilespmem:s29+$0x410]  }
0x133: {  	v3 =	vmul.f32 v3, v3  }
0x134: {  	v0 =	vadd.f32 v2, v0;
	v2 =	vld [tilespmem:s29+$0x420]  }
0x135: {  	v4 =	vmul.f32 v4, v4  }
0x136: {  	v0 =	vadd.f32 v3, v0;
	v3 =	vld [tilespmem:s29+$0x430]  }
0x137: {  	v1 =	vmul.f32 v1, v1  }
0x138: {  	v0 =	vadd.f32 v4, v0;
	v4 =	vld [tilespmem:s29+$0x440]  }
0x139: {  	v2 =	vmul.f32 v2, v2  }
0x13a: {  	v0 =	vadd.f32 v1, v0;
	v1 =	vld [tilespmem:s29+$0x450]  }
0x13b: {  	v3 =	vmul.f32 v3, v3  }
0x13c: {  	v0 =	vadd.f32 v2, v0;
	v2 =	vld [tilespmem:s29+$0x460]  }
0x13d: {  	v4 =	vmul.f32 v4, v4  }
0x13e: {  	v0 =	vadd.f32 v3, v0;
	v3 =	vld [tilespmem:s29+$0x470]  }
0x13f: {  	s29 =	sor.u32 $0x800, s28;
	v1 =	vmul.f32 v1, v1  }
0x140: {  	v0 =	vadd.f32 v4, v0;
	v4 =	vld [tilespmem:s29+$0x0]  }
0x141: {  	s29 =	sor.u32 $0x810, s28;
	v2 =	vmul.f32 v2, v2  }
0x142: {  	v0 =	vadd.f32 v1, v0;
	v1 =	vld [tilespmem:s29+$0x0]  }
0x143: {  	s29 =	sor.u32 $0x820, s28;
	v3 =	vmul.f32 v3, v3  }
0x144: {  	v0 =	vadd.f32 v2, v0;
	v2 =	vld [tilespmem:s29+$0x0]  }
0x145: {  	s29 =	sor.u32 $0x830, s28;
	v4 =	vmul.f32 v4, v4  }
0x146: {  	v0 =	vadd.f32 v3, v0;
	v3 =	vld [tilespmem:s29+$0x0]  }
0x147: {  	s29 =	sor.u32 $0x840, s28;
	v1 =	vmul.f32 v1, v1  }
0x148: {  	v0 =	vadd.f32 v4, v0;
	v4 =	vld [tilespmem:s29+$0x0]  }
0x149: {  	s29 =	sor.u32 $0x850, s28;
	v2 =	vmul.f32 v2, v2  }
0x14a: {  	v0 =	vadd.f32 v1, v0;
	v1 =	vld [tilespmem:s29+$0x0]  }
0x14b: {  	s29 =	sor.u32 $0x860, s28;
	v3 =	vmul.f32 v3, v3  }
0x14c: {  	v0 =	vadd.f32 v2, v0;
	v2 =	vld [tilespmem:s29+$0x0]  }
0x14d: {  	s29 =	sor.u32 $0x870, s28;
	v4 =	vmul.f32 v4, v4  }
0x14e: {  	v0 =	vadd.f32 v3, v0;
	v3 =	vld [tilespmem:s29+$0x0]  }
0x14f: {  	s29 =	sor.u32 $0xC00, s28;
	v1 =	vmul.f32 v1, v1  }
0x150: {  	v0 =	vadd.f32 v4, v0;
	v4 =	vld [tilespmem:s29+$0x0]  }
0x151: {  	s29 =	sor.u32 $0xC10, s28;
	v2 =	vmul.f32 v2, v2  }
0x152: {  	v0 =	vadd.f32 v1, v0;
	v1 =	vld [tilespmem:s29+$0x0]  }
0x153: {  	s29 =	sor.u32 $0xC20, s28;
	v3 =	vmul.f32 v3, v3  }
0x154: {  	v0 =	vadd.f32 v2, v0;
	v2 =	vld [tilespmem:s29+$0x0]  }
0x155: {  	s29 =	sor.u32 $0xC30, s28;
	v4 =	vmul.f32 v4, v4  }
0x156: {  	v0 =	vadd.f32 v3, v0;
	v3 =	vld [tilespmem:s29+$0x0]  }
0x157: {  	s29 =	sor.u32 $0xC40, s28;
	v1 =	vmul.f32 v1, v1  }
0x158: {  	v0 =	vadd.f32 v4, v0;
	v4 =	vld [tilespmem:s29+$0x0]  }
0x159: {  	s29 =	sor.u32 $0xC50, s28;
	v2 =	vmul.f32 v2, v2  }
0x15a: {  	v0 =	vadd.f32 v1, v0;
	v1 =	vld [tilespmem:s29+$0x0]  }
0x15b: {  	s29 =	sor.u32 $0xC60, s28;
	v3 =	vmul.f32 v3, v3  }
0x15c: {  	v0 =	vadd.f32 v2, v0;
	v2 =	vld [tilespmem:s29+$0x0]  }
0x15d: {  	s28 =	sor.u32 $0xC70, s28;
	v4 =	vmul.f32 v4, v4  }
0x15e: {  	v0 =	vadd.f32 v3, v0;
	v3 =	vld [tilespmem:s28+$0x0]  }
0x15f: {  	v1 =	vmul.f32 v1, v1  }
0x160: {  	v0 =	vadd.f32 v4, v0  }
0x161: {  	v2 =	vmul.f32 v2, v2  }
0x162: {  	v0 =	vadd.f32 v1, v0  }
0x163: {  	v1 =	vmul.f32 v3, v3  }
0x164: {  	v0 =	vadd.f32 v2, v0;
	_ =	sdelay $0x1  }
0x165: {  	s28 =	sadd.s32 $0x80, s23;
	v0 =	vadd.f32 v1, v0  }
0x166: {  	s28 =	sand.u32 $0x280, s28  }
0x167: {  	s29 =	sor.u32 s28, s25;
	[tilespmem:s22+$0xFFFFFFE0] =	vst v0  }
0x168: {  	v0 =	vld [tilespmem:s29+$0x20]  }
0x169: {  	v1 =	vld [tilespmem:s29+$0x0]  }
0x16a: {  	v2 =	vld [tilespmem:s29+$0x10];
	_ =	sdelay $0x3  }
0x16b: {  	v3 =	vld [tilespmem:s29+$0x30]  }
0x16c: {  	v1 =	vmul.f32 v1, v1;
	v2 =	vmul.f32 v2, v2  }
0x16d: {  	v4 =	vld [tilespmem:s29+$0x40]  }
0x16e: {  	v0 =	vmul.f32 v0, v0;
	v1 =	vadd.f32 v2, v1  }
0x16f: {  	v2 =	vld [tilespmem:s29+$0x50]  }
0x170: {  	v0 =	vadd.f32 v0, v1;
	v1 =	vmul.f32 v3, v3  }
0x171: {  	v3 =	vld [tilespmem:s29+$0x60]  }
0x172: {  	v0 =	vadd.f32 v1, v0;
	v1 =	vmul.f32 v4, v4  }
0x173: {  	v4 =	vld [tilespmem:s29+$0x70]  }
0x174: {  	v0 =	vadd.f32 v1, v0;
	v1 =	vmul.f32 v2, v2  }
0x175: {  	v2 =	vld [tilespmem:s29+$0x400]  }
0x176: {  	v0 =	vadd.f32 v1, v0;
	v1 =	vmul.f32 v3, v3  }
0x177: {  	v3 =	vld [tilespmem:s29+$0x410]  }
0x178: {  	v0 =	vadd.f32 v1, v0;
	v1 =	vmul.f32 v4, v4  }
0x179: {  	v4 =	vld [tilespmem:s29+$0x420]  }
0x17a: {  	v0 =	vadd.f32 v1, v0;
	v1 =	vmul.f32 v2, v2  }
0x17b: {  	v2 =	vld [tilespmem:s29+$0x430]  }
0x17c: {  	v0 =	vadd.f32 v1, v0;
	v1 =	vmul.f32 v3, v3  }
0x17d: {  	v3 =	vld [tilespmem:s29+$0x440]  }
0x17e: {  	v0 =	vadd.f32 v1, v0;
	v1 =	vmul.f32 v4, v4  }
0x17f: {  	v4 =	vld [tilespmem:s29+$0x450]  }
0x180: {  	s28 =	sand.u32 $0x7, s24;
	v0 =	vadd.f32 v1, v0;
	v1 =	vmul.f32 v2, v2  }
0x181: {  	s28 =	sshll.u32 s28, $0x7;
	v2 =	vld [tilespmem:s29+$0x460]  }
0x182: {  	s28 =	sadd.s32 s26, s28;
	v0 =	vadd.f32 v1, v0;
	v1 =	vmul.f32 v3, v3  }
0x183: {  	v3 =	vld [tilespmem:s29+$0x470];
	s29 =	sadd.s32 $0x80, s28  }
0x184: {  	v0 =	vadd.f32 v1, v0;
	v1 =	vmul.f32 v4, v4;
	s30 =	sor.u32 $0x800, s29  }
0x185: {  	v4 =	vld [tilespmem:s30+$0x0]  }
0x186: {  	s30 =	sor.u32 $0x810, s29;
	v0 =	vadd.f32 v1, v0;
	v1 =	vmul.f32 v2, v2  }
0x187: {  	v2 =	vld [tilespmem:s30+$0x0]  }
0x188: {  	s30 =	sor.u32 $0x820, s29;
	v0 =	vadd.f32 v1, v0;
	v1 =	vmul.f32 v3, v3  }
0x189: {  	v3 =	vld [tilespmem:s30+$0x0]  }
0x18a: {  	s30 =	sor.u32 $0x830, s29;
	v0 =	vadd.f32 v1, v0;
	v1 =	vmul.f32 v4, v4  }
0x18b: {  	v4 =	vld [tilespmem:s30+$0x0]  }
0x18c: {  	s30 =	sor.u32 $0x840, s29;
	v0 =	vadd.f32 v1, v0;
	v1 =	vmul.f32 v2, v2  }
0x18d: {  	v2 =	vld [tilespmem:s30+$0x0]  }
0x18e: {  	s30 =	sor.u32 $0x850, s29;
	v0 =	vadd.f32 v1, v0;
	v1 =	vmul.f32 v3, v3  }
0x18f: {  	v3 =	vld [tilespmem:s30+$0x0]  }
0x190: {  	s30 =	sor.u32 $0x860, s29;
	v0 =	vadd.f32 v1, v0;
	v1 =	vmul.f32 v4, v4  }
0x191: {  	v4 =	vld [tilespmem:s30+$0x0]  }
0x192: {  	s30 =	sor.u32 $0x870, s29;
	v0 =	vadd.f32 v1, v0;
	v1 =	vmul.f32 v2, v2  }
0x193: {  	v2 =	vld [tilespmem:s30+$0x0]  }
0x194: {  	s30 =	sor.u32 $0xC00, s29;
	v0 =	vadd.f32 v1, v0;
	v1 =	vmul.f32 v3, v3  }
0x195: {  	v3 =	vld [tilespmem:s30+$0x0]  }
0x196: {  	s30 =	sor.u32 $0xC10, s29;
	v0 =	vadd.f32 v1, v0;
	v1 =	vmul.f32 v4, v4  }
0x197: {  	v4 =	vld [tilespmem:s30+$0x0]  }
0x198: {  	s30 =	sor.u32 $0xC20, s29;
	v0 =	vadd.f32 v1, v0;
	v1 =	vmul.f32 v2, v2  }
0x199: {  	v2 =	vld [tilespmem:s30+$0x0]  }
0x19a: {  	s30 =	sor.u32 $0xC30, s29;
	v0 =	vadd.f32 v1, v0;
	v1 =	vmul.f32 v3, v3  }
0x19b: {  	v3 =	vld [tilespmem:s30+$0x0]  }
0x19c: {  	s30 =	sor.u32 $0xC40, s29;
	v0 =	vadd.f32 v1, v0;
	v1 =	vmul.f32 v4, v4  }
0x19d: {  	v4 =	vld [tilespmem:s30+$0x0]  }
0x19e: {  	s30 =	sor.u32 $0xC50, s29;
	v0 =	vadd.f32 v1, v0;
	v1 =	vmul.f32 v2, v2  }
0x19f: {  	v2 =	vld [tilespmem:s30+$0x0]  }
0x1a0: {  	s30 =	sor.u32 $0xC60, s29;
	v0 =	vadd.f32 v1, v0;
	v1 =	vmul.f32 v3, v3  }
0x1a1: {  	v3 =	vld [tilespmem:s30+$0x0]  }
0x1a2: {  	s29 =	sor.u32 $0xC70, s29;
	v0 =	vadd.f32 v1, v0;
	v1 =	vmul.f32 v4, v4  }
0x1a3: {  	v4 =	vld [tilespmem:s29+$0x0]  }
0x1a4: {  	v0 =	vadd.f32 v1, v0;
	v1 =	vmul.f32 v2, v2;
	_ =	sdelay $0x1  }
0x1a5: {  	v0 =	vadd.f32 v1, v0;
	v1 =	vmul.f32 v3, v3;
	_ =	sdelay $0x1  }
0x1a6: {  	v0 =	vadd.f32 v1, v0;
	v1 =	vmul.f32 v4, v4;
	_ =	sdelay $0x1  }
0x1a7: {  	s29 =	sadd.s32 $0x100, s23;
	v0 =	vadd.f32 v1, v0  }
0x1a8: {  	s29 =	sand.u32 $0x300, s29  }
0x1a9: {  	s29 =	sor.u32 s29, s25;
	[tilespmem:s22+$0xFFFFFFF0] =	vst v0  }
0x1aa: {  	v0 =	vld [tilespmem:s29+$0x0]  }
0x1ab: {  	v1 =	vld [tilespmem:s29+$0x10];
	_ =	sdelay $0x1  }
0x1ac: {  	v2 =	vld [tilespmem:s29+$0x20];
	_ =	sdelay $0x1  }
0x1ad: {  	v3 =	vld [tilespmem:s29+$0x30]  }
0x1ae: {  	v0 =	vmul.f32 v0, v0;
	v1 =	vmul.f32 v1, v1  }
0x1af: {  	v4 =	vld [tilespmem:s29+$0x40]  }
0x1b0: {  	v0 =	vadd.f32 v1, v0;
	v1 =	vmul.f32 v2, v2  }
0x1b1: {  	v2 =	vld [tilespmem:s29+$0x50]  }
0x1b2: {  	v0 =	vadd.f32 v1, v0;
	v1 =	vmul.f32 v3, v3  }
0x1b3: {  	v3 =	vld [tilespmem:s29+$0x60]  }
0x1b4: {  	v0 =	vadd.f32 v1, v0;
	v1 =	vmul.f32 v4, v4  }
0x1b5: {  	v4 =	vld [tilespmem:s29+$0x70]  }
0x1b6: {  	v0 =	vadd.f32 v1, v0;
	v1 =	vmul.f32 v2, v2  }
0x1b7: {  	v2 =	vld [tilespmem:s29+$0x400]  }
0x1b8: {  	v0 =	vadd.f32 v1, v0;
	v1 =	vmul.f32 v3, v3  }
0x1b9: {  	v3 =	vld [tilespmem:s29+$0x410]  }
0x1ba: {  	v0 =	vadd.f32 v1, v0;
	v1 =	vmul.f32 v4, v4  }
0x1bb: {  	v4 =	vld [tilespmem:s29+$0x420]  }
0x1bc: {  	v0 =	vadd.f32 v1, v0;
	v1 =	vmul.f32 v2, v2  }
0x1bd: {  	v2 =	vld [tilespmem:s29+$0x430]  }
0x1be: {  	v0 =	vadd.f32 v1, v0;
	v1 =	vmul.f32 v3, v3  }
0x1bf: {  	v3 =	vld [tilespmem:s29+$0x440]  }
0x1c0: {  	v0 =	vadd.f32 v1, v0;
	v1 =	vmul.f32 v4, v4  }
0x1c1: {  	v4 =	vld [tilespmem:s29+$0x450]  }
0x1c2: {  	s30 =	sand.u32 $0x3, s21;
	v0 =	vadd.f32 v1, v0;
	v1 =	vmul.f32 v2, v2  }
0x1c3: {  	s30 =	sshll.u32 s30, $0x8;
	v2 =	vld [tilespmem:s29+$0x460]  }
0x1c4: {  	s26 =	sadd.s32 s26, s30;
	v0 =	vadd.f32 v1, v0;
	v1 =	vmul.f32 v3, v3  }
0x1c5: {  	s26 =	sadd.s32 $0x100, s26;
	v3 =	vld [tilespmem:s29+$0x470]  }
0x1c6: {  	s29 =	sor.u32 $0x800, s26;
	v0 =	vadd.f32 v1, v0;
	v1 =	vmul.f32 v4, v4  }
0x1c7: {  	v4 =	vld [tilespmem:s29+$0x0]  }
0x1c8: {  	s29 =	sor.u32 $0x810, s26;
	v0 =	vadd.f32 v1, v0;
	v1 =	vmul.f32 v2, v2  }
0x1c9: {  	v2 =	vld [tilespmem:s29+$0x0]  }
0x1ca: {  	s29 =	sor.u32 $0x820, s26;
	v0 =	vadd.f32 v1, v0;
	v1 =	vmul.f32 v3, v3  }
0x1cb: {  	v3 =	vld [tilespmem:s29+$0x0]  }
0x1cc: {  	s29 =	sor.u32 $0x830, s26;
	v0 =	vadd.f32 v1, v0;
	v1 =	vmul.f32 v4, v4  }
0x1cd: {  	v4 =	vld [tilespmem:s29+$0x0]  }
0x1ce: {  	s29 =	sor.u32 $0x840, s26;
	v0 =	vadd.f32 v1, v0;
	v1 =	vmul.f32 v2, v2  }
0x1cf: {  	v2 =	vld [tilespmem:s29+$0x0]  }
0x1d0: {  	s29 =	sor.u32 $0x850, s26;
	v0 =	vadd.f32 v1, v0;
	v1 =	vmul.f32 v3, v3  }
0x1d1: {  	v3 =	vld [tilespmem:s29+$0x0]  }
0x1d2: {  	s29 =	sor.u32 $0x860, s26;
	v0 =	vadd.f32 v1, v0;
	v1 =	vmul.f32 v4, v4  }
0x1d3: {  	v4 =	vld [tilespmem:s29+$0x0]  }
0x1d4: {  	s29 =	sor.u32 $0x870, s26;
	v0 =	vadd.f32 v1, v0;
	v1 =	vmul.f32 v2, v2  }
0x1d5: {  	v2 =	vld [tilespmem:s29+$0x0]  }
0x1d6: {  	s29 =	sor.u32 $0xC00, s26;
	v0 =	vadd.f32 v1, v0;
	v1 =	vmul.f32 v3, v3  }
0x1d7: {  	v3 =	vld [tilespmem:s29+$0x0]  }
0x1d8: {  	s29 =	sor.u32 $0xC10, s26;
	v0 =	vadd.f32 v1, v0;
	v1 =	vmul.f32 v4, v4  }
0x1d9: {  	v4 =	vld [tilespmem:s29+$0x0]  }
0x1da: {  	s29 =	sor.u32 $0xC20, s26;
	v0 =	vadd.f32 v1, v0;
	v1 =	vmul.f32 v2, v2  }
0x1db: {  	v2 =	vld [tilespmem:s29+$0x0]  }
0x1dc: {  	s29 =	sor.u32 $0xC30, s26;
	v0 =	vadd.f32 v1, v0;
	v1 =	vmul.f32 v3, v3  }
0x1dd: {  	v3 =	vld [tilespmem:s29+$0x0]  }
0x1de: {  	s29 =	sor.u32 $0xC40, s26;
	v0 =	vadd.f32 v1, v0;
	v1 =	vmul.f32 v4, v4  }
0x1df: {  	v4 =	vld [tilespmem:s29+$0x0]  }
0x1e0: {  	s29 =	sor.u32 $0xC50, s26;
	v0 =	vadd.f32 v1, v0;
	v1 =	vmul.f32 v2, v2  }
0x1e1: {  	v2 =	vld [tilespmem:s29+$0x0]  }
0x1e2: {  	s29 =	sor.u32 $0xC60, s26;
	v0 =	vadd.f32 v1, v0;
	v1 =	vmul.f32 v3, v3  }
0x1e3: {  	v3 =	vld [tilespmem:s29+$0x0]  }
0x1e4: {  	s26 =	sor.u32 $0xC70, s26;
	v0 =	vadd.f32 v1, v0;
	v1 =	vmul.f32 v4, v4  }
0x1e5: {  	v4 =	vld [tilespmem:s26+$0x0]  }
0x1e6: {  	v0 =	vadd.f32 v1, v0;
	v1 =	vmul.f32 v2, v2;
	_ =	sdelay $0x1  }
0x1e7: {  	v0 =	vadd.f32 v1, v0;
	v1 =	vmul.f32 v3, v3;
	_ =	sdelay $0x1  }
0x1e8: {  	v0 =	vadd.f32 v1, v0;
	v1 =	vmul.f32 v4, v4;
	_ =	sdelay $0x1  }
0x1e9: {  	s26 =	sadd.s32 $0x180, s23;
	v0 =	vadd.f32 v1, v0  }
0x1ea: {  	s26 =	sand.u32 $0x380, s26  }
0x1eb: {  	s26 =	sor.u32 s26, s25;
	[tilespmem:s22+$0x0] =	vst v0  }
0x1ec: {  	v0 =	vld [tilespmem:s26+$0x0]  }
0x1ed: {  	v1 =	vld [tilespmem:s26+$0x10]  }
0x1ee: {  	v2 =	vld [tilespmem:s26+$0x20]  }
0x1ef: {  	v3 =	vld [tilespmem:s26+$0x30]  }
0x1f0: {  	v4 =	vld [tilespmem:s26+$0x40]  }
0x1f1: {  	v0 =	vmul.f32 v0, v0;
	v5 =	vld [tilespmem:s26+$0x50]  }
0x1f2: {  	v1 =	vmul.f32 v1, v1;
	v6 =	vld [tilespmem:s26+$0x60]  }
0x1f3: {  	v2 =	vmul.f32 v2, v2;
	v7 =	vld [tilespmem:s26+$0x70]  }
0x1f4: {  	v0 =	vadd.f32 v1, v0;
	v1 =	vld [tilespmem:s26+$0x400]  }
0x1f5: {  	v3 =	vmul.f32 v3, v3;
	v8 =	vld [tilespmem:s26+$0x410]  }
0x1f6: {  	v0 =	vadd.f32 v2, v0;
	v2 =	vld [tilespmem:s26+$0x420]  }
0x1f7: {  	v4 =	vmul.f32 v4, v4;
	v9 =	vld [tilespmem:s26+$0x430]  }
0x1f8: {  	v0 =	vadd.f32 v3, v0;
	v3 =	vld [tilespmem:s26+$0x440]  }
0x1f9: {  	v5 =	vmul.f32 v5, v5;
	v10 =	vld [tilespmem:s26+$0x450]  }
0x1fa: {  	s25 =	sadd.s32 $0x180, s28;
	v0 =	vadd.f32 v4, v0;
	v4 =	vld [tilespmem:s26+$0x460]  }
0x1fb: {  	v6 =	vmul.f32 v6, v6;
	v11 =	vld [tilespmem:s26+$0x470];
	s26 =	sor.u32 $0x800, s25  }
0x1fc: {  	v0 =	vadd.f32 v5, v0;
	v5 =	vld [tilespmem:s26+$0x0];
	s26 =	sor.u32 $0x810, s25  }
0x1fd: {  	v7 =	vmul.f32 v7, v7;
	v12 =	vld [tilespmem:s26+$0x0];
	s26 =	sor.u32 $0x820, s25  }
0x1fe: {  	v0 =	vadd.f32 v6, v0;
	v6 =	vld [tilespmem:s26+$0x0];
	s26 =	sor.u32 $0x830, s25  }
0x1ff: {  	v1 =	vmul.f32 v1, v1;
	v13 =	vld [tilespmem:s26+$0x0];
	s26 =	sor.u32 $0x840, s25  }
0x200: {  	v0 =	vadd.f32 v7, v0;
	v7 =	vld [tilespmem:s26+$0x0];
	s26 =	sor.u32 $0x850, s25  }
0x201: {  	v8 =	vmul.f32 v8, v8;
	v14 =	vld [tilespmem:s26+$0x0];
	s26 =	sor.u32 $0x860, s25  }
0x202: {  	v0 =	vadd.f32 v1, v0;
	v1 =	vld [tilespmem:s26+$0x0];
	s26 =	sor.u32 $0x870, s25  }
0x203: {  	v2 =	vmul.f32 v2, v2;
	v15 =	vld [tilespmem:s26+$0x0];
	s26 =	sor.u32 $0xC00, s25  }
0x204: {  	v0 =	vadd.f32 v8, v0;
	v8 =	vld [tilespmem:s26+$0x0];
	s26 =	sor.u32 $0xC10, s25  }
0x205: {  	v9 =	vmul.f32 v9, v9;
	v16 =	vld [tilespmem:s26+$0x0];
	s26 =	sor.u32 $0xC20, s25  }
0x206: {  	v0 =	vadd.f32 v2, v0;
	v2 =	vld [tilespmem:s26+$0x0];
	s26 =	sor.u32 $0xC30, s25  }
0x207: {  	v3 =	vmul.f32 v3, v3;
	v17 =	vld [tilespmem:s26+$0x0];
	s26 =	sor.u32 $0xC40, s25  }
0x208: {  	v0 =	vadd.f32 v9, v0;
	v9 =	vld [tilespmem:s26+$0x0];
	s26 =	sor.u32 $0xC50, s25  }
0x209: {  	v10 =	vmul.f32 v10, v10;
	v18 =	vld [tilespmem:s26+$0x0];
	s26 =	sor.u32 $0xC60, s25  }
0x20a: {  	s25 =	sor.u32 $0xC70, s25;
	v0 =	vadd.f32 v3, v0;
	v3 =	vld [tilespmem:s26+$0x0]  }
0x20b: {  	v4 =	vmul.f32 v4, v4;
	v19 =	vld [tilespmem:s25+$0x0]  }
0x20c: {  	v0 =	vadd.f32 v10, v0  }
0x20d: {  	v10 =	vmul.f32 v11, v11  }
0x20e: {  	v0 =	vadd.f32 v4, v0  }
0x20f: {  	v4 =	vmul.f32 v5, v5  }
0x210: {  	v5 =	vadd.f32 v10, v0;
	v0 =	vmul.f32 v19, v19  }
0x211: {  	v10 =	vmul.f32 v12, v12  }
0x212: {  	v4 =	vadd.f32 v4, v5  }
0x213: {  	v5 =	vmul.f32 v6, v6  }
0x214: {  	v4 =	vadd.f32 v10, v4  }
0x215: {  	v6 =	vmul.f32 v13, v13  }
0x216: {  	v4 =	vadd.f32 v5, v4  }
0x217: {  	v5 =	vmul.f32 v7, v7  }
0x218: {  	v4 =	vadd.f32 v6, v4  }
0x219: {  	v6 =	vmul.f32 v14, v14  }
0x21a: {  	v4 =	vadd.f32 v5, v4  }
0x21b: {  	v1 =	vmul.f32 v1, v1  }
0x21c: {  	v4 =	vadd.f32 v6, v4  }
0x21d: {  	v5 =	vmul.f32 v15, v15  }
0x21e: {  	v1 =	vadd.f32 v1, v4  }
0x21f: {  	v4 =	vmul.f32 v8, v8  }
0x220: {  	v1 =	vadd.f32 v5, v1  }
0x221: {  	v5 =	vmul.f32 v16, v16  }
0x222: {  	v1 =	vadd.f32 v4, v1  }
0x223: {  	v2 =	vmul.f32 v2, v2  }
0x224: {  	v1 =	vadd.f32 v5, v1  }
0x225: {  	v4 =	vmul.f32 v17, v17  }
0x226: {  	v1 =	vadd.f32 v2, v1  }
0x227: {  	v2 =	vmul.f32 v9, v9  }
.Ltmp0:
0x228: {  	v1 =	vadd.f32 v4, v1;
	(pc) =	sbr.rel @p1 .LBB2_2-.Ltmp0, $4  }
0x229: {  	v4 =	vmul.f32 v18, v18  }
0x22a: {  	v2 =	vadd.f32 v2, v1  }
0x22b: {  	v1 =	vmul.f32 v3, v3  }
0x22c: {  	p0 =	por !p0, !p0;
	s21 =	sadd.s32 $0x2, s21;
	s22 =	sadd.s32 $0x40, s22;
	v2 =	vadd.f32 v4, v2  }
0x22d: {  	_ = 	snop  }
0x22e: {  	v1 =	vadd.f32 v1, v2;
	_ =	sdelay $0x1  }
0x22f: {  	v0 =	vadd.f32 v0, v1;
	_ =	sdelay $0x1  }
0x230: {  	[tilespmem:s19+$0x10] =	vst v0  }
0x231: {  	s19 =	simm.s32 $0x0;
	_ =	swait.ge [sflag:s12], $0x4000  }
0x232: {  	s20 =	sand.u32 $0x3000, s19;
	s21 =	sand.u32 $0x200, s19;
	[sflag:s12] =	ssyncset.done $0x0  }
0x233: {  	s21 =	sor.u32 s21, s20;
	[sflag:s12] =	ssyncadd.s32 $0xFFFFC000  }
0x234: {  	v0 =	vld [tilespmem:s21+$0x4000]  }
0x235: {  	v1 =	vld [tilespmem:s21+$0x4010];
	_ =	sdelay $0x1  }
0x236: {  	v2 =	vld [tilespmem:s21+$0x4020];
	_ =	sdelay $0x1  }
0x237: {  	v3 =	vld [tilespmem:s21+$0x4030]  }
0x238: {  	v0 =	vmul.f32 v0, v0;
	v1 =	vmul.f32 v1, v1  }
0x239: {  	v4 =	vld [tilespmem:s21+$0x4040]  }
0x23a: {  	v0 =	vadd.f32 v1, v0;
	v1 =	vmul.f32 v2, v2  }
0x23b: {  	v2 =	vld [tilespmem:s21+$0x4050]  }
0x23c: {  	v0 =	vadd.f32 v1, v0;
	v1 =	vmul.f32 v3, v3  }
0x23d: {  	v3 =	vld [tilespmem:s21+$0x4060]  }
0x23e: {  	v0 =	vadd.f32 v1, v0;
	v1 =	vmul.f32 v4, v4  }
0x23f: {  	v28 =	vld [tilespmem:s21+$0x4070]  }
0x240: {  	v0 =	vadd.f32 v1, v0;
	v1 =	vmul.f32 v2, v2  }
0x241: {  	v2 =	vld [tilespmem:s21+$0x4400]  }
0x242: {  	v0 =	vadd.f32 v1, v0;
	v1 =	vmul.f32 v3, v3  }
0x243: {  	v3 =	vld [tilespmem:s21+$0x4410]  }
0x244: {  	v0 =	vadd.f32 v1, v0;
	v1 =	vmul.f32 v28, v28  }
0x245: {  	v29 =	vld [tilespmem:s21+$0x4420]  }
0x246: {  	v0 =	vadd.f32 v1, v0;
	v1 =	vmul.f32 v2, v2  }
0x247: {  	v2 =	vld [tilespmem:s21+$0x4430]  }
0x248: {  	v0 =	vadd.f32 v1, v0;
	v1 =	vmul.f32 v3, v3  }
0x249: {  	v3 =	vld [tilespmem:s21+$0x4440]  }
0x24a: {  	v0 =	vadd.f32 v1, v0;
	v1 =	vmul.f32 v29, v29  }
0x24b: {  	v30 =	vld [tilespmem:s21+$0x4450]  }
0x24c: {  	p0 =	por $0x0, $0x0;
	s20 =	simm.s32 $0x1;
	v0 =	vadd.f32 v1, v0;
	v1 =	vmul.f32 v2, v2  }
0x24d: {  	s20 =	simm.s32 @!p0 $0x0;
	v2 =	vld [tilespmem:s21+$0x4460]  }
0x24e: {  	s20 =	sshll.u32 s20, $0x9;
	v0 =	vadd.f32 v1, v0;
	v1 =	vmul.f32 v3, v3  }
0x24f: {  	s22 =	sadd.s32 $0x0, s20;
	v3 =	vld [tilespmem:s21+$0x4470]  }
0x250: {  	s20 =	sor.u32 $0x4800, s22;
	v0 =	vadd.f32 v1, v0;
	v1 =	vmul.f32 v30, v30  }
0x251: {  	v31 =	vld [tilespmem:s20+$0x0]  }
0x252: {  	v0 =	vadd.f32 v1, v0;
	v1 =	vmul.f32 v2, v2  }
0x253: {  	v2 =	vld [tilespmem:s20+$0x10]  }
0x254: {  	v0 =	vadd.f32 v1, v0;
	v1 =	vmul.f32 v3, v3  }
0x255: {  	v3 =	vld [tilespmem:s20+$0x20]  }
0x256: {  	v0 =	vadd.f32 v1, v0;
	v1 =	vmul.f32 v31, v31  }
0x257: {  	v32 =	vld [tilespmem:s20+$0x30]  }
0x258: {  	v0 =	vadd.f32 v1, v0;
	v1 =	vmul.f32 v2, v2  }
0x259: {  	v2 =	vld [tilespmem:s20+$0x40]  }
0x25a: {  	v0 =	vadd.f32 v1, v0;
	v1 =	vmul.f32 v3, v3  }
0x25b: {  	v3 =	vld [tilespmem:s20+$0x50]  }
0x25c: {  	v0 =	vadd.f32 v1, v0;
	v1 =	vmul.f32 v32, v32  }
0x25d: {  	v33 =	vld [tilespmem:s20+$0x60]  }
0x25e: {  	v0 =	vadd.f32 v1, v0;
	v1 =	vmul.f32 v2, v2  }
0x25f: {  	s25 =	sor.u32 s19, s19;
	v2 =	vld [tilespmem:s20+$0x70]  }
0x260: {  	s20 =	sor.u32 $0x4C00, s25;
	v0 =	vadd.f32 v1, v0;
	v1 =	vmul.f32 v3, v3  }
0x261: {  	v3 =	vld [tilespmem:s20+$0x0]  }
0x262: {  	v0 =	vadd.f32 v1, v0;
	v1 =	vmul.f32 v33, v33  }
0x263: {  	v34 =	vld [tilespmem:s20+$0x10]  }
0x264: {  	v0 =	vadd.f32 v1, v0;
	v1 =	vmul.f32 v2, v2  }
0x265: {  	v2 =	vld [tilespmem:s20+$0x20]  }
0x266: {  	v0 =	vadd.f32 v1, v0;
	v1 =	vmul.f32 v3, v3  }
0x267: {  	v3 =	vld [tilespmem:s20+$0x30]  }
0x268: {  	v0 =	vadd.f32 v1, v0;
	v1 =	vmul.f32 v34, v34  }
0x269: {  	v35 =	vld [tilespmem:s20+$0x40]  }
0x26a: {  	v0 =	vadd.f32 v1, v0;
	v1 =	vmul.f32 v2, v2  }
0x26b: {  	v2 =	vld [tilespmem:s20+$0x50]  }
0x26c: {  	v0 =	vadd.f32 v1, v0;
	v1 =	vmul.f32 v3, v3  }
0x26d: {  	v3 =	vld [tilespmem:s20+$0x60]  }
0x26e: {  	v0 =	vadd.f32 v1, v0;
	v1 =	vmul.f32 v35, v35  }
0x26f: {  	v36 =	vld [tilespmem:s20+$0x70]  }
0x270: {  	v0 =	vadd.f32 v1, v0;
	v1 =	vmul.f32 v2, v2;
	_ =	sdelay $0x1  }
0x271: {  	v0 =	vadd.f32 v1, v0;
	v1 =	vmul.f32 v3, v3;
	_ =	sdelay $0x1  }
0x272: {  	v0 =	vadd.f32 v1, v0;
	v1 =	vmul.f32 v36, v36;
	_ =	sdelay $0x1  }
0x273: {  	v0 =	vadd.f32 v1, v0  }
0x274: {  	s26 =	sand.u32 $0x1C0, s19  }
0x275: {  	[tilespmem:s26+$0x8200] =	vst v0  }
0x276: {  	v0 =	vld [tilespmem:s21+$0x4080]  }
0x277: {  	v1 =	vld [tilespmem:s21+$0x4090];
	_ =	sdelay $0x1  }
0x278: {  	v2 =	vld [tilespmem:s21+$0x40A0];
	_ =	sdelay $0x1  }
0x279: {  	v3 =	vld [tilespmem:s21+$0x40B0]  }
0x27a: {  	v0 =	vmul.f32 v0, v0;
	v1 =	vmul.f32 v1, v1  }
0x27b: {  	v37 =	vld [tilespmem:s21+$0x40C0]  }
0x27c: {  	v0 =	vadd.f32 v1, v0;
	v1 =	vmul.f32 v2, v2  }
0x27d: {  	v2 =	vld [tilespmem:s21+$0x40D0]  }
0x27e: {  	v0 =	vadd.f32 v1, v0;
	v1 =	vmul.f32 v3, v3  }
0x27f: {  	v3 =	vld [tilespmem:s21+$0x40E0]  }
0x280: {  	v0 =	vadd.f32 v1, v0;
	v1 =	vmul.f32 v37, v37  }
0x281: {  	v38 =	vld [tilespmem:s21+$0x40F0]  }
0x282: {  	v0 =	vadd.f32 v1, v0;
	v1 =	vmul.f32 v2, v2  }
0x283: {  	v2 =	vld [tilespmem:s21+$0x4480]  }
0x284: {  	v0 =	vadd.f32 v1, v0;
	v1 =	vmul.f32 v3, v3  }
0x285: {  	v3 =	vld [tilespmem:s21+$0x4490]  }
0x286: {  	v0 =	vadd.f32 v1, v0;
	v1 =	vmul.f32 v38, v38  }
0x287: {  	v39 =	vld [tilespmem:s21+$0x44A0]  }
0x288: {  	v0 =	vadd.f32 v1, v0;
	v1 =	vmul.f32 v2, v2  }
0x289: {  	v2 =	vld [tilespmem:s21+$0x44B0]  }
0x28a: {  	v0 =	vadd.f32 v1, v0;
	v1 =	vmul.f32 v3, v3  }
0x28b: {  	v3 =	vld [tilespmem:s21+$0x44C0]  }
0x28c: {  	v0 =	vadd.f32 v1, v0;
	v1 =	vmul.f32 v39, v39  }
0x28d: {  	v40 =	vld [tilespmem:s21+$0x44D0]  }
0x28e: {  	v0 =	vadd.f32 v1, v0;
	v1 =	vmul.f32 v2, v2  }
0x28f: {  	v2 =	vld [tilespmem:s21+$0x44E0]  }
0x290: {  	v0 =	vadd.f32 v1, v0;
	v1 =	vmul.f32 v3, v3  }
0x291: {  	s28 =	sadd.s32 $0x80, s22;
	v3 =	vld [tilespmem:s21+$0x44F0]  }
0x292: {  	s23 =	sor.u32 $0x4800, s28;
	v0 =	vadd.f32 v1, v0;
	v1 =	vmul.f32 v40, v40  }
0x293: {  	v41 =	vld [tilespmem:s23+$0x0]  }
0x294: {  	v0 =	vadd.f32 v1, v0;
	v1 =	vmul.f32 v2, v2  }
0x295: {  	v2 =	vld [tilespmem:s23+$0x10]  }
0x296: {  	v0 =	vadd.f32 v1, v0;
	v1 =	vmul.f32 v3, v3  }
0x297: {  	v3 =	vld [tilespmem:s23+$0x20]  }
0x298: {  	v0 =	vadd.f32 v1, v0;
	v1 =	vmul.f32 v41, v41  }
0x299: {  	v42 =	vld [tilespmem:s23+$0x30]  }
0x29a: {  	v0 =	vadd.f32 v1, v0;
	v1 =	vmul.f32 v2, v2  }
0x29b: {  	v2 =	vld [tilespmem:s23+$0x40]  }
0x29c: {  	v0 =	vadd.f32 v1, v0;
	v1 =	vmul.f32 v3, v3  }
0x29d: {  	v3 =	vld [tilespmem:s23+$0x50]  }
0x29e: {  	v0 =	vadd.f32 v1, v0;
	v1 =	vmul.f32 v42, v42  }
0x29f: {  	v43 =	vld [tilespmem:s23+$0x60]  }
0x2a0: {  	v0 =	vadd.f32 v1, v0;
	v1 =	vmul.f32 v2, v2  }
0x2a1: {  	v2 =	vld [tilespmem:s23+$0x70]  }
0x2a2: {  	s20 =	sor.u32 $0x4C00, s28;
	v0 =	vadd.f32 v1, v0;
	v1 =	vmul.f32 v3, v3  }
0x2a3: {  	v3 =	vld [tilespmem:s20+$0x0]  }
0x2a4: {  	v0 =	vadd.f32 v1, v0;
	v1 =	vmul.f32 v43, v43  }
0x2a5: {  	v44 =	vld [tilespmem:s20+$0x10]  }
0x2a6: {  	v0 =	vadd.f32 v1, v0;
	v1 =	vmul.f32 v2, v2  }
0x2a7: {  	v2 =	vld [tilespmem:s20+$0x20]  }
0x2a8: {  	v0 =	vadd.f32 v1, v0;
	v1 =	vmul.f32 v3, v3  }
0x2a9: {  	v3 =	vld [tilespmem:s20+$0x30]  }
0x2aa: {  	v0 =	vadd.f32 v1, v0;
	v1 =	vmul.f32 v44, v44  }
0x2ab: {  	v45 =	vld [tilespmem:s20+$0x40]  }
0x2ac: {  	v0 =	vadd.f32 v1, v0;
	v1 =	vmul.f32 v2, v2  }
0x2ad: {  	v2 =	vld [tilespmem:s20+$0x50]  }
0x2ae: {  	v0 =	vadd.f32 v1, v0;
	v1 =	vmul.f32 v3, v3  }
0x2af: {  	v3 =	vld [tilespmem:s20+$0x60]  }
0x2b0: {  	v0 =	vadd.f32 v1, v0;
	v1 =	vmul.f32 v45, v45  }
0x2b1: {  	v46 =	vld [tilespmem:s20+$0x70]  }
0x2b2: {  	v0 =	vadd.f32 v1, v0;
	v1 =	vmul.f32 v2, v2;
	_ =	sdelay $0x1  }
0x2b3: {  	v0 =	vadd.f32 v1, v0;
	v1 =	vmul.f32 v3, v3;
	_ =	sdelay $0x1  }
0x2b4: {  	v0 =	vadd.f32 v1, v0;
	v1 =	vmul.f32 v46, v46;
	_ =	sdelay $0x1  }
0x2b5: {  	v0 =	vadd.f32 v1, v0  }
0x2b6: {  	s20 =	simm.s32 $0x8230  }
0x2b7: {  	[tilespmem:s20+$0xFFFFFFE0] =	vst v0  }
0x2b8: {  	v0 =	vld [tilespmem:s21+$0x4100]  }
0x2b9: {  	v1 =	vld [tilespmem:s21+$0x4110];
	_ =	sdelay $0x1  }
0x2ba: {  	v2 =	vld [tilespmem:s21+$0x4120];
	_ =	sdelay $0x1  }
0x2bb: {  	v3 =	vld [tilespmem:s21+$0x4130]  }
0x2bc: {  	v0 =	vmul.f32 v0, v0;
	v1 =	vmul.f32 v1, v1  }
0x2bd: {  	v47 =	vld [tilespmem:s21+$0x4140]  }
0x2be: {  	v0 =	vadd.f32 v1, v0;
	v1 =	vmul.f32 v2, v2  }
0x2bf: {  	v2 =	vld [tilespmem:s21+$0x4150]  }
0x2c0: {  	v0 =	vadd.f32 v1, v0;
	v1 =	vmul.f32 v3, v3  }
0x2c1: {  	v3 =	vld [tilespmem:s21+$0x4160]  }
0x2c2: {  	v0 =	vadd.f32 v1, v0;
	v1 =	vmul.f32 v47, v47  }
0x2c3: {  	v48 =	vld [tilespmem:s21+$0x4170]  }
0x2c4: {  	v0 =	vadd.f32 v1, v0;
	v1 =	vmul.f32 v2, v2  }
0x2c5: {  	v2 =	vld [tilespmem:s21+$0x4500]  }
0x2c6: {  	v0 =	vadd.f32 v1, v0;
	v1 =	vmul.f32 v3, v3  }
0x2c7: {  	v3 =	vld [tilespmem:s21+$0x4510]  }
0x2c8: {  	v0 =	vadd.f32 v1, v0;
	v1 =	vmul.f32 v48, v48  }
0x2c9: {  	v49 =	vld [tilespmem:s21+$0x4520]  }
0x2ca: {  	v0 =	vadd.f32 v1, v0;
	v1 =	vmul.f32 v2, v2  }
0x2cb: {  	v2 =	vld [tilespmem:s21+$0x4530]  }
0x2cc: {  	v0 =	vadd.f32 v1, v0;
	v1 =	vmul.f32 v3, v3  }
0x2cd: {  	v3 =	vld [tilespmem:s21+$0x4540]  }
0x2ce: {  	v0 =	vadd.f32 v1, v0;
	v1 =	vmul.f32 v49, v49  }
0x2cf: {  	v50 =	vld [tilespmem:s21+$0x4550]  }
0x2d0: {  	v0 =	vadd.f32 v1, v0;
	v1 =	vmul.f32 v2, v2  }
0x2d1: {  	v2 =	vld [tilespmem:s21+$0x4560]  }
0x2d2: {  	v0 =	vadd.f32 v1, v0;
	v1 =	vmul.f32 v3, v3  }
0x2d3: {  	s29 =	sadd.s32 $0x100, s22;
	v3 =	vld [tilespmem:s21+$0x4570]  }
0x2d4: {  	s24 =	sor.u32 $0x4800, s29;
	v0 =	vadd.f32 v1, v0;
	v1 =	vmul.f32 v50, v50  }
0x2d5: {  	v51 =	vld [tilespmem:s24+$0x0]  }
0x2d6: {  	v0 =	vadd.f32 v1, v0;
	v1 =	vmul.f32 v2, v2  }
0x2d7: {  	v2 =	vld [tilespmem:s24+$0x10]  }
0x2d8: {  	v0 =	vadd.f32 v1, v0;
	v1 =	vmul.f32 v3, v3  }
0x2d9: {  	v3 =	vld [tilespmem:s24+$0x20]  }
0x2da: {  	v0 =	vadd.f32 v1, v0;
	v1 =	vmul.f32 v51, v51  }
0x2db: {  	v52 =	vld [tilespmem:s24+$0x30]  }
0x2dc: {  	v0 =	vadd.f32 v1, v0;
	v1 =	vmul.f32 v2, v2  }
0x2dd: {  	v2 =	vld [tilespmem:s24+$0x40]  }
0x2de: {  	v0 =	vadd.f32 v1, v0;
	v1 =	vmul.f32 v3, v3  }
0x2df: {  	v3 =	vld [tilespmem:s24+$0x50]  }
0x2e0: {  	v0 =	vadd.f32 v1, v0;
	v1 =	vmul.f32 v52, v52  }
0x2e1: {  	v53 =	vld [tilespmem:s24+$0x60]  }
0x2e2: {  	v0 =	vadd.f32 v1, v0;
	v1 =	vmul.f32 v2, v2  }
0x2e3: {  	v2 =	vld [tilespmem:s24+$0x70]  }
0x2e4: {  	s23 =	sor.u32 $0x4C00, s29;
	v0 =	vadd.f32 v1, v0;
	v1 =	vmul.f32 v3, v3  }
0x2e5: {  	v3 =	vld [tilespmem:s23+$0x0]  }
0x2e6: {  	v0 =	vadd.f32 v1, v0;
	v1 =	vmul.f32 v53, v53  }
0x2e7: {  	v54 =	vld [tilespmem:s23+$0x10]  }
0x2e8: {  	v0 =	vadd.f32 v1, v0;
	v1 =	vmul.f32 v2, v2  }
0x2e9: {  	v2 =	vld [tilespmem:s23+$0x20]  }
0x2ea: {  	v0 =	vadd.f32 v1, v0;
	v1 =	vmul.f32 v3, v3  }
0x2eb: {  	v3 =	vld [tilespmem:s23+$0x30]  }
0x2ec: {  	v0 =	vadd.f32 v1, v0;
	v1 =	vmul.f32 v54, v54  }
0x2ed: {  	v55 =	vld [tilespmem:s23+$0x40]  }
0x2ee: {  	v0 =	vadd.f32 v1, v0;
	v1 =	vmul.f32 v2, v2  }
0x2ef: {  	v2 =	vld [tilespmem:s23+$0x50]  }
0x2f0: {  	v0 =	vadd.f32 v1, v0;
	v1 =	vmul.f32 v3, v3  }
0x2f1: {  	v3 =	vld [tilespmem:s23+$0x60]  }
0x2f2: {  	v0 =	vadd.f32 v1, v0;
	v1 =	vmul.f32 v55, v55  }
0x2f3: {  	v56 =	vld [tilespmem:s23+$0x70]  }
0x2f4: {  	v0 =	vadd.f32 v1, v0;
	v1 =	vmul.f32 v2, v2;
	_ =	sdelay $0x1  }
0x2f5: {  	v0 =	vadd.f32 v1, v0;
	v1 =	vmul.f32 v3, v3;
	_ =	sdelay $0x1  }
0x2f6: {  	v0 =	vadd.f32 v1, v0;
	v1 =	vmul.f32 v56, v56;
	_ =	sdelay $0x1  }
0x2f7: {  	v0 =	vadd.f32 v1, v0;
	_ =	sdelay $0x1  }
0x2f8: {  	[tilespmem:s20+$0xFFFFFFF0] =	vst v0  }
0x2f9: {  	v0 =	vld [tilespmem:s21+$0x4180]  }
0x2fa: {  	v1 =	vld [tilespmem:s21+$0x4190];
	_ =	sdelay $0x1  }
0x2fb: {  	v2 =	vld [tilespmem:s21+$0x41A0];
	_ =	sdelay $0x1  }
0x2fc: {  	v3 =	vld [tilespmem:s21+$0x41B0]  }
0x2fd: {  	v0 =	vmul.f32 v0, v0;
	v1 =	vmul.f32 v1, v1  }
0x2fe: {  	v57 =	vld [tilespmem:s21+$0x41C0]  }
0x2ff: {  	v2 =	vmul.f32 v2, v2;
	v0 =	vadd.f32 v1, v0  }
0x300: {  	v1 =	vld [tilespmem:s21+$0x41D0]  }
0x301: {  	v3 =	vmul.f32 v3, v3;
	v0 =	vadd.f32 v2, v0  }
0x302: {  	v2 =	vld [tilespmem:s21+$0x41E0]  }
0x303: {  	v4 =	vmul.f32 v57, v57;
	v0 =	vadd.f32 v3, v0  }
0x304: {  	v3 =	vld [tilespmem:s21+$0x41F0]  }
0x305: {  	v1 =	vmul.f32 v1, v1;
	v0 =	vadd.f32 v4, v0  }
0x306: {  	v58 =	vld [tilespmem:s21+$0x4580]  }
0x307: {  	v2 =	vmul.f32 v2, v2;
	v0 =	vadd.f32 v1, v0  }
0x308: {  	v1 =	vld [tilespmem:s21+$0x4590]  }
0x309: {  	v3 =	vmul.f32 v3, v3;
	v0 =	vadd.f32 v2, v0  }
0x30a: {  	v2 =	vld [tilespmem:s21+$0x45A0]  }
0x30b: {  	v4 =	vmul.f32 v58, v58;
	v0 =	vadd.f32 v3, v0  }
0x30c: {  	v3 =	vld [tilespmem:s21+$0x45B0]  }
0x30d: {  	v1 =	vmul.f32 v1, v1;
	v0 =	vadd.f32 v4, v0  }
0x30e: {  	v59 =	vld [tilespmem:s21+$0x45C0]  }
0x30f: {  	v2 =	vmul.f32 v2, v2;
	v0 =	vadd.f32 v1, v0  }
0x310: {  	v1 =	vld [tilespmem:s21+$0x45D0]  }
0x311: {  	v3 =	vmul.f32 v3, v3;
	v0 =	vadd.f32 v2, v0  }
0x312: {  	v2 =	vld [tilespmem:s21+$0x45E0]  }
0x313: {  	v4 =	vmul.f32 v59, v59;
	v0 =	vadd.f32 v3, v0  }
0x314: {  	s22 =	sadd.s32 $0x180, s22;
	v3 =	vld [tilespmem:s21+$0x45F0]  }
0x315: {  	s30 =	sor.u32 $0x4800, s22;
	v1 =	vmul.f32 v1, v1;
	v0 =	vadd.f32 v4, v0  }
0x316: {  	v60 =	vld [tilespmem:s30+$0x0]  }
0x317: {  	v2 =	vmul.f32 v2, v2;
	v0 =	vadd.f32 v1, v0  }
0x318: {  	v1 =	vld [tilespmem:s30+$0x10]  }
0x319: {  	v3 =	vmul.f32 v3, v3;
	v0 =	vadd.f32 v2, v0  }
0x31a: {  	v2 =	vld [tilespmem:s30+$0x20]  }
0x31b: {  	v4 =	vmul.f32 v60, v60;
	v0 =	vadd.f32 v3, v0  }
0x31c: {  	v3 =	vld [tilespmem:s30+$0x30]  }
0x31d: {  	v1 =	vmul.f32 v1, v1;
	v0 =	vadd.f32 v4, v0  }
0x31e: {  	v61 =	vld [tilespmem:s30+$0x40]  }
0x31f: {  	v2 =	vmul.f32 v2, v2;
	v0 =	vadd.f32 v1, v0  }
0x320: {  	v1 =	vld [tilespmem:s30+$0x50]  }
0x321: {  	v3 =	vmul.f32 v3, v3;
	v0 =	vadd.f32 v2, v0  }
0x322: {  	v2 =	vld [tilespmem:s30+$0x60]  }
0x323: {  	v4 =	vmul.f32 v61, v61;
	v0 =	vadd.f32 v3, v0  }
0x324: {  	v3 =	vld [tilespmem:s30+$0x70]  }
0x325: {  	s31 =	sor.u32 $0x4C00, s22;
	v1 =	vmul.f32 v1, v1;
	v0 =	vadd.f32 v4, v0  }
0x326: {  	v62 =	vld [tilespmem:s31+$0x0]  }
0x327: {  	v2 =	vmul.f32 v2, v2;
	v0 =	vadd.f32 v1, v0  }
0x328: {  	v1 =	vld [tilespmem:s31+$0x10]  }
0x329: {  	v3 =	vmul.f32 v3, v3;
	v0 =	vadd.f32 v2, v0  }
0x32a: {  	v2 =	vld [tilespmem:s31+$0x20]  }
0x32b: {  	v4 =	vmul.f32 v62, v62;
	v0 =	vadd.f32 v3, v0  }
0x32c: {  	v3 =	vld [tilespmem:s31+$0x30]  }
0x32d: {  	v1 =	vmul.f32 v1, v1;
	v0 =	vadd.f32 v4, v0  }
0x32e: {  	v63 =	vld [tilespmem:s31+$0x40]  }
0x32f: {  	v2 =	vmul.f32 v2, v2;
	v0 =	vadd.f32 v1, v0  }
0x330: {  	v1 =	vld [tilespmem:s31+$0x50]  }
0x331: {  	v5 =	vld [tilespmem:s31+$0x60];
	v3 =	vmul.f32 v3, v3;
	v0 =	vadd.f32 v2, v0  }
0x332: {  	v2 =	vld [tilespmem:s31+$0x70]  }
0x333: {  	v4 =	vmul.f32 v63, v63;
	v0 =	vadd.f32 v3, v0;
	_ =	sdelay $0x1  }
0x334: {  	v3 =	vmul.f32 v1, v1;
	v4 =	vadd.f32 v4, v0;
	_ =	sdelay $0x1  }
0x335: {  	s22 =	simm.s32 $0x8230;
	s23 =	simm.s32 $0x200;
	s21 =	simm.s32 $0x800;
	v1 =	vmul.f32 v5, v5;
	v0 =	vmul.f32 v2, v2;
	v2 =	vadd.f32 v3, v4  }
.LBB2_4:
0x336: {  	p0 =	por !p0, !p0;
	s20 =	sadd.s32 $0x40, s20;
	s19 =	sadd.s32 $0x40, s19  }
0x337: {  	p1 =	sne.s32 s21, $0x3800;
	s29 =	smov.u32 s21;
	s21 =	sadd.s32 $0x800, s21;
	v1 =	vadd.f32 v1, v2  }
0x338: {  	_ = 	snop  }
0x339: {  	s25 =	sand.u32 $0x200, s23;
	s24 =	sand.u32 $0x3000, s29;
	v0 =	vadd.f32 v0, v1  }
0x33a: {  	s24 =	sor.u32 s25, s24  }
0x33b: {  	[tilespmem:s22+$0x0] =	vst v0;
	s22 =	smov.u32 s20  }
0x33c: {  	v0 =	vld [tilespmem:s24+$0x4000]  }
0x33d: {  	v1 =	vld [tilespmem:s24+$0x4010];
	_ =	sdelay $0x1  }
0x33e: {  	v2 =	vld [tilespmem:s24+$0x4020];
	_ =	sdelay $0x1  }
0x33f: {  	v3 =	vld [tilespmem:s24+$0x4030]  }
0x340: {  	v0 =	vmul.f32 v0, v0;
	v1 =	vmul.f32 v1, v1  }
0x341: {  	v4 =	vld [tilespmem:s24+$0x4040]  }
0x342: {  	v0 =	vadd.f32 v1, v0;
	v1 =	vmul.f32 v2, v2  }
0x343: {  	v2 =	vld [tilespmem:s24+$0x4050]  }
0x344: {  	v0 =	vadd.f32 v1, v0;
	v1 =	vmul.f32 v3, v3  }
0x345: {  	v3 =	vld [tilespmem:s24+$0x4060]  }
0x346: {  	v0 =	vadd.f32 v1, v0;
	v1 =	vmul.f32 v4, v4  }
0x347: {  	v4 =	vld [tilespmem:s24+$0x4070]  }
0x348: {  	v0 =	vadd.f32 v1, v0;
	v1 =	vmul.f32 v2, v2  }
0x349: {  	v2 =	vld [tilespmem:s24+$0x4400]  }
0x34a: {  	v0 =	vadd.f32 v1, v0;
	v1 =	vmul.f32 v3, v3  }
0x34b: {  	v3 =	vld [tilespmem:s24+$0x4410]  }
0x34c: {  	v0 =	vadd.f32 v1, v0;
	v1 =	vmul.f32 v4, v4  }
0x34d: {  	v4 =	vld [tilespmem:s24+$0x4420]  }
0x34e: {  	v0 =	vadd.f32 v1, v0;
	v1 =	vmul.f32 v2, v2  }
0x34f: {  	v2 =	vld [tilespmem:s24+$0x4430]  }
0x350: {  	v0 =	vadd.f32 v1, v0;
	v1 =	vmul.f32 v3, v3  }
0x351: {  	v3 =	vld [tilespmem:s24+$0x4440]  }
0x352: {  	v0 =	vadd.f32 v1, v0;
	v1 =	vmul.f32 v4, v4  }
0x353: {  	v4 =	vld [tilespmem:s24+$0x4450]  }
0x354: {  	s25 =	simm.s32 $0x1;
	v0 =	vadd.f32 v1, v0;
	v1 =	vmul.f32 v2, v2  }
0x355: {  	s25 =	simm.s32 @!p0 $0x0;
	v2 =	vld [tilespmem:s24+$0x4460]  }
0x356: {  	s25 =	sshll.u32 s25, $0x9;
	v0 =	vadd.f32 v1, v0;
	v1 =	vmul.f32 v3, v3  }
0x357: {  	s25 =	sadd.s32 s25, s29;
	v3 =	vld [tilespmem:s24+$0x4470]  }
0x358: {  	s30 =	sor.u32 $0x4800, s25;
	s26 =	sadd.s32 $0x100, s25;
	s28 =	sadd.s32 $0x80, s25;
	v0 =	vadd.f32 v1, v0;
	v1 =	vmul.f32 v4, v4  }
0x359: {  	s25 =	sadd.s32 $0x180, s25;
	v4 =	vld [tilespmem:s30+$0x0]  }
0x35a: {  	v0 =	vadd.f32 v1, v0;
	v1 =	vmul.f32 v2, v2  }
0x35b: {  	v2 =	vld [tilespmem:s30+$0x10]  }
0x35c: {  	v0 =	vadd.f32 v1, v0;
	v1 =	vmul.f32 v3, v3  }
0x35d: {  	v3 =	vld [tilespmem:s30+$0x20]  }
0x35e: {  	v0 =	vadd.f32 v1, v0;
	v1 =	vmul.f32 v4, v4  }
0x35f: {  	v4 =	vld [tilespmem:s30+$0x30]  }
0x360: {  	v0 =	vadd.f32 v1, v0;
	v1 =	vmul.f32 v2, v2  }
0x361: {  	v2 =	vld [tilespmem:s30+$0x40]  }
0x362: {  	v0 =	vadd.f32 v1, v0;
	v1 =	vmul.f32 v3, v3  }
0x363: {  	v3 =	vld [tilespmem:s30+$0x50]  }
0x364: {  	v0 =	vadd.f32 v1, v0;
	v1 =	vmul.f32 v4, v4  }
0x365: {  	v4 =	vld [tilespmem:s30+$0x60]  }
0x366: {  	v0 =	vadd.f32 v1, v0;
	v1 =	vmul.f32 v2, v2  }
0x367: {  	s29 =	sor.u32 s29, s23;
	v2 =	vld [tilespmem:s30+$0x70]  }
0x368: {  	s29 =	sor.u32 $0x4C00, s29;
	v0 =	vadd.f32 v1, v0;
	v1 =	vmul.f32 v3, v3  }
0x369: {  	v3 =	vld [tilespmem:s29+$0x0]  }
0x36a: {  	v0 =	vadd.f32 v1, v0;
	v1 =	vmul.f32 v4, v4  }
0x36b: {  	v4 =	vld [tilespmem:s29+$0x10]  }
0x36c: {  	v0 =	vadd.f32 v1, v0;
	v1 =	vmul.f32 v2, v2  }
0x36d: {  	v2 =	vld [tilespmem:s29+$0x20]  }
0x36e: {  	v0 =	vadd.f32 v1, v0;
	v1 =	vmul.f32 v3, v3  }
0x36f: {  	v3 =	vld [tilespmem:s29+$0x30]  }
0x370: {  	v0 =	vadd.f32 v1, v0;
	v1 =	vmul.f32 v4, v4  }
0x371: {  	v4 =	vld [tilespmem:s29+$0x40]  }
0x372: {  	v0 =	vadd.f32 v1, v0;
	v1 =	vmul.f32 v2, v2  }
0x373: {  	v2 =	vld [tilespmem:s29+$0x50]  }
0x374: {  	v0 =	vadd.f32 v1, v0;
	v1 =	vmul.f32 v3, v3  }
0x375: {  	v3 =	vld [tilespmem:s29+$0x60]  }
0x376: {  	v0 =	vadd.f32 v1, v0;
	v1 =	vmul.f32 v4, v4  }
0x377: {  	v4 =	vld [tilespmem:s29+$0x70]  }
0x378: {  	v0 =	vadd.f32 v1, v0;
	v1 =	vmul.f32 v2, v2;
	_ =	sdelay $0x1  }
0x379: {  	v0 =	vadd.f32 v1, v0;
	v1 =	vmul.f32 v3, v3;
	_ =	sdelay $0x1  }
0x37a: {  	v0 =	vadd.f32 v1, v0;
	v1 =	vmul.f32 v4, v4;
	_ =	sdelay $0x1  }
0x37b: {  	v0 =	vadd.f32 v1, v0  }
0x37c: {  	s29 =	sand.u32 $0x1C0, s19  }
0x37d: {  	[tilespmem:s29+$0x8200] =	vst v0  }
0x37e: {  	v0 =	vld [tilespmem:s24+$0x4080]  }
0x37f: {  	v1 =	vld [tilespmem:s24+$0x4090];
	_ =	sdelay $0x1  }
0x380: {  	v2 =	vld [tilespmem:s24+$0x40A0];
	_ =	sdelay $0x1  }
0x381: {  	v3 =	vld [tilespmem:s24+$0x40B0]  }
0x382: {  	v0 =	vmul.f32 v0, v0;
	v1 =	vmul.f32 v1, v1  }
0x383: {  	v4 =	vld [tilespmem:s24+$0x40C0]  }
0x384: {  	v0 =	vadd.f32 v1, v0;
	v1 =	vmul.f32 v2, v2  }
0x385: {  	v2 =	vld [tilespmem:s24+$0x40D0]  }
0x386: {  	v0 =	vadd.f32 v1, v0;
	v1 =	vmul.f32 v3, v3  }
0x387: {  	v3 =	vld [tilespmem:s24+$0x40E0]  }
0x388: {  	v0 =	vadd.f32 v1, v0;
	v1 =	vmul.f32 v4, v4  }
0x389: {  	v4 =	vld [tilespmem:s24+$0x40F0]  }
0x38a: {  	v0 =	vadd.f32 v1, v0;
	v1 =	vmul.f32 v2, v2  }
0x38b: {  	v2 =	vld [tilespmem:s24+$0x4480]  }
0x38c: {  	v0 =	vadd.f32 v1, v0;
	v1 =	vmul.f32 v3, v3  }
0x38d: {  	v3 =	vld [tilespmem:s24+$0x4490]  }
0x38e: {  	v0 =	vadd.f32 v1, v0;
	v1 =	vmul.f32 v4, v4  }
0x38f: {  	v4 =	vld [tilespmem:s24+$0x44A0]  }
0x390: {  	v0 =	vadd.f32 v1, v0;
	v1 =	vmul.f32 v2, v2  }
0x391: {  	v2 =	vld [tilespmem:s24+$0x44B0]  }
0x392: {  	v0 =	vadd.f32 v1, v0;
	v1 =	vmul.f32 v3, v3  }
0x393: {  	v3 =	vld [tilespmem:s24+$0x44C0]  }
0x394: {  	v0 =	vadd.f32 v1, v0;
	v1 =	vmul.f32 v4, v4  }
0x395: {  	v4 =	vld [tilespmem:s24+$0x44D0]  }
0x396: {  	v0 =	vadd.f32 v1, v0;
	v1 =	vmul.f32 v2, v2  }
0x397: {  	v2 =	vld [tilespmem:s24+$0x44E0]  }
0x398: {  	v0 =	vadd.f32 v1, v0;
	v1 =	vmul.f32 v3, v3  }
0x399: {  	v3 =	vld [tilespmem:s24+$0x44F0]  }
0x39a: {  	s29 =	sor.u32 $0x4800, s28;
	v0 =	vadd.f32 v1, v0;
	v1 =	vmul.f32 v4, v4  }
0x39b: {  	v4 =	vld [tilespmem:s29+$0x0]  }
0x39c: {  	v0 =	vadd.f32 v1, v0;
	v1 =	vmul.f32 v2, v2  }
0x39d: {  	v2 =	vld [tilespmem:s29+$0x10]  }
0x39e: {  	v0 =	vadd.f32 v1, v0;
	v1 =	vmul.f32 v3, v3  }
0x39f: {  	v3 =	vld [tilespmem:s29+$0x20]  }
0x3a0: {  	v0 =	vadd.f32 v1, v0;
	v1 =	vmul.f32 v4, v4  }
0x3a1: {  	v4 =	vld [tilespmem:s29+$0x30]  }
0x3a2: {  	v0 =	vadd.f32 v1, v0;
	v1 =	vmul.f32 v2, v2  }
0x3a3: {  	v2 =	vld [tilespmem:s29+$0x40]  }
0x3a4: {  	v0 =	vadd.f32 v1, v0;
	v1 =	vmul.f32 v3, v3  }
0x3a5: {  	v3 =	vld [tilespmem:s29+$0x50]  }
0x3a6: {  	v0 =	vadd.f32 v1, v0;
	v1 =	vmul.f32 v4, v4  }
0x3a7: {  	v4 =	vld [tilespmem:s29+$0x60]  }
0x3a8: {  	v0 =	vadd.f32 v1, v0;
	v1 =	vmul.f32 v2, v2  }
0x3a9: {  	v2 =	vld [tilespmem:s29+$0x70]  }
0x3aa: {  	s28 =	sor.u32 $0x4C00, s28;
	v0 =	vadd.f32 v1, v0;
	v1 =	vmul.f32 v3, v3  }
0x3ab: {  	v3 =	vld [tilespmem:s28+$0x0]  }
0x3ac: {  	v0 =	vadd.f32 v1, v0;
	v1 =	vmul.f32 v4, v4  }
0x3ad: {  	v4 =	vld [tilespmem:s28+$0x10]  }
0x3ae: {  	v0 =	vadd.f32 v1, v0;
	v1 =	vmul.f32 v2, v2  }
0x3af: {  	v2 =	vld [tilespmem:s28+$0x20]  }
0x3b0: {  	v0 =	vadd.f32 v1, v0;
	v1 =	vmul.f32 v3, v3  }
0x3b1: {  	v3 =	vld [tilespmem:s28+$0x30]  }
0x3b2: {  	v0 =	vadd.f32 v1, v0;
	v1 =	vmul.f32 v4, v4  }
0x3b3: {  	v4 =	vld [tilespmem:s28+$0x40]  }
0x3b4: {  	v0 =	vadd.f32 v1, v0;
	v1 =	vmul.f32 v2, v2  }
0x3b5: {  	v2 =	vld [tilespmem:s28+$0x50]  }
0x3b6: {  	v0 =	vadd.f32 v1, v0;
	v1 =	vmul.f32 v3, v3  }
0x3b7: {  	v3 =	vld [tilespmem:s28+$0x60]  }
0x3b8: {  	v0 =	vadd.f32 v1, v0;
	v1 =	vmul.f32 v4, v4  }
0x3b9: {  	v4 =	vld [tilespmem:s28+$0x70]  }
0x3ba: {  	v0 =	vadd.f32 v1, v0;
	v1 =	vmul.f32 v2, v2;
	_ =	sdelay $0x1  }
0x3bb: {  	v0 =	vadd.f32 v1, v0;
	v1 =	vmul.f32 v3, v3;
	_ =	sdelay $0x1  }
0x3bc: {  	v0 =	vadd.f32 v1, v0;
	v1 =	vmul.f32 v4, v4;
	_ =	sdelay $0x1  }
0x3bd: {  	v0 =	vadd.f32 v1, v0;
	_ =	sdelay $0x1  }
0x3be: {  	[tilespmem:s20+$0xFFFFFFE0] =	vst v0  }
0x3bf: {  	v0 =	vld [tilespmem:s24+$0x4100]  }
0x3c0: {  	v1 =	vld [tilespmem:s24+$0x4110]  }
0x3c1: {  	v2 =	vld [tilespmem:s24+$0x4120]  }
0x3c2: {  	v3 =	vld [tilespmem:s24+$0x4130]  }
0x3c3: {  	v4 =	vld [tilespmem:s24+$0x4140]  }
0x3c4: {  	v0 =	vmul.f32 v0, v0;
	v5 =	vld [tilespmem:s24+$0x4150]  }
0x3c5: {  	v1 =	vmul.f32 v1, v1;
	v6 =	vld [tilespmem:s24+$0x4160]  }
0x3c6: {  	v7 =	vld [tilespmem:s24+$0x4170]  }
0x3c7: {  	v0 =	vadd.f32 v1, v0;
	v1 =	vmul.f32 v2, v2;
	v2 =	vld [tilespmem:s24+$0x4500]  }
0x3c8: {  	v8 =	vld [tilespmem:s24+$0x4510]  }
0x3c9: {  	v0 =	vadd.f32 v1, v0;
	v1 =	vmul.f32 v3, v3;
	v3 =	vld [tilespmem:s24+$0x4520]  }
0x3ca: {  	v9 =	vld [tilespmem:s24+$0x4530]  }
0x3cb: {  	v0 =	vadd.f32 v1, v0;
	v1 =	vmul.f32 v4, v4;
	v4 =	vld [tilespmem:s24+$0x4540]  }
0x3cc: {  	v10 =	vld [tilespmem:s24+$0x4550]  }
0x3cd: {  	v0 =	vadd.f32 v1, v0;
	v1 =	vmul.f32 v5, v5;
	v5 =	vld [tilespmem:s24+$0x4560]  }
0x3ce: {  	v11 =	vld [tilespmem:s24+$0x4570]  }
0x3cf: {  	v0 =	vadd.f32 v1, v0;
	v1 =	vmul.f32 v6, v6;
	_ =	sdelay $0x1  }
0x3d0: {  	v0 =	vadd.f32 v1, v0;
	v1 =	vmul.f32 v7, v7;
	_ =	sdelay $0x1  }
0x3d1: {  	v0 =	vadd.f32 v1, v0;
	v1 =	vmul.f32 v2, v2;
	_ =	sdelay $0x1  }
0x3d2: {  	v0 =	vadd.f32 v1, v0;
	v1 =	vmul.f32 v8, v8;
	_ =	sdelay $0x1  }
0x3d3: {  	v0 =	vadd.f32 v1, v0;
	v1 =	vmul.f32 v3, v3;
	_ =	sdelay $0x1  }
0x3d4: {  	v0 =	vadd.f32 v1, v0;
	v1 =	vmul.f32 v9, v9;
	_ =	sdelay $0x1  }
0x3d5: {  	v0 =	vadd.f32 v1, v0;
	v1 =	vmul.f32 v4, v4;
	_ =	sdelay $0x1  }
0x3d6: {  	s28 =	sor.u32 $0x4800, s26;
	v0 =	vadd.f32 v1, v0;
	v1 =	vmul.f32 v10, v10  }
0x3d7: {  	v2 =	vld [tilespmem:s28+$0x0]  }
0x3d8: {  	v0 =	vadd.f32 v1, v0;
	v1 =	vmul.f32 v5, v5  }
0x3d9: {  	v3 =	vld [tilespmem:s28+$0x10]  }
0x3da: {  	v0 =	vadd.f32 v1, v0;
	v1 =	vmul.f32 v11, v11  }
0x3db: {  	v4 =	vld [tilespmem:s28+$0x20]  }
0x3dc: {  	v0 =	vadd.f32 v1, v0;
	v1 =	vmul.f32 v2, v2  }
0x3dd: {  	v2 =	vld [tilespmem:s28+$0x30]  }
0x3de: {  	v0 =	vadd.f32 v1, v0;
	v1 =	vmul.f32 v3, v3  }
0x3df: {  	v3 =	vld [tilespmem:s28+$0x40]  }
0x3e0: {  	v0 =	vadd.f32 v1, v0;
	v1 =	vmul.f32 v4, v4  }
0x3e1: {  	v4 =	vld [tilespmem:s28+$0x50]  }
0x3e2: {  	v0 =	vadd.f32 v1, v0;
	v1 =	vmul.f32 v2, v2  }
0x3e3: {  	v2 =	vld [tilespmem:s28+$0x60]  }
0x3e4: {  	v0 =	vadd.f32 v1, v0;
	v1 =	vmul.f32 v3, v3  }
0x3e5: {  	v3 =	vld [tilespmem:s28+$0x70]  }
0x3e6: {  	s26 =	sor.u32 $0x4C00, s26;
	v0 =	vadd.f32 v1, v0;
	v1 =	vmul.f32 v4, v4  }
0x3e7: {  	v4 =	vld [tilespmem:s26+$0x0]  }
0x3e8: {  	v0 =	vadd.f32 v1, v0;
	v1 =	vmul.f32 v2, v2  }
0x3e9: {  	v2 =	vld [tilespmem:s26+$0x10]  }
0x3ea: {  	v0 =	vadd.f32 v1, v0;
	v1 =	vmul.f32 v3, v3  }
0x3eb: {  	v3 =	vld [tilespmem:s26+$0x20]  }
0x3ec: {  	v0 =	vadd.f32 v1, v0;
	v1 =	vmul.f32 v4, v4  }
0x3ed: {  	v4 =	vld [tilespmem:s26+$0x30]  }
0x3ee: {  	v0 =	vadd.f32 v1, v0;
	v1 =	vmul.f32 v2, v2  }
0x3ef: {  	v2 =	vld [tilespmem:s26+$0x40]  }
0x3f0: {  	v0 =	vadd.f32 v1, v0;
	v1 =	vmul.f32 v3, v3  }
0x3f1: {  	v3 =	vld [tilespmem:s26+$0x50]  }
0x3f2: {  	v0 =	vadd.f32 v1, v0;
	v1 =	vmul.f32 v4, v4  }
0x3f3: {  	v4 =	vld [tilespmem:s26+$0x60]  }
0x3f4: {  	v0 =	vadd.f32 v1, v0;
	v1 =	vmul.f32 v2, v2  }
0x3f5: {  	v2 =	vld [tilespmem:s26+$0x70]  }
0x3f6: {  	v0 =	vadd.f32 v1, v0;
	v1 =	vmul.f32 v3, v3;
	_ =	sdelay $0x1  }
0x3f7: {  	v0 =	vadd.f32 v1, v0;
	v1 =	vmul.f32 v4, v4;
	_ =	sdelay $0x1  }
0x3f8: {  	v0 =	vadd.f32 v1, v0;
	v1 =	vmul.f32 v2, v2;
	_ =	sdelay $0x1  }
0x3f9: {  	v0 =	vadd.f32 v1, v0;
	_ =	sdelay $0x1  }
0x3fa: {  	[tilespmem:s20+$0xFFFFFFF0] =	vst v0  }
0x3fb: {  	v0 =	vld [tilespmem:s24+$0x4180]  }
0x3fc: {  	v1 =	vld [tilespmem:s24+$0x4190]  }
0x3fd: {  	v2 =	vld [tilespmem:s24+$0x41A0]  }
0x3fe: {  	v3 =	vld [tilespmem:s24+$0x41B0]  }
0x3ff: {  	v4 =	vld [tilespmem:s24+$0x41C0]  }
0x400: {  	v0 =	vmul.f32 v0, v0;
	v5 =	vld [tilespmem:s24+$0x41D0]  }
0x401: {  	v1 =	vmul.f32 v1, v1;
	v6 =	vld [tilespmem:s24+$0x41E0]  }
0x402: {  	v2 =	vmul.f32 v2, v2;
	v7 =	vld [tilespmem:s24+$0x41F0]  }
0x403: {  	v0 =	vadd.f32 v1, v0;
	v1 =	vld [tilespmem:s24+$0x4580]  }
0x404: {  	v3 =	vmul.f32 v3, v3;
	v8 =	vld [tilespmem:s24+$0x4590]  }
0x405: {  	v0 =	vadd.f32 v2, v0;
	v2 =	vld [tilespmem:s24+$0x45A0]  }
0x406: {  	v4 =	vmul.f32 v4, v4;
	v9 =	vld [tilespmem:s24+$0x45B0]  }
0x407: {  	v0 =	vadd.f32 v3, v0;
	v3 =	vld [tilespmem:s24+$0x45C0]  }
0x408: {  	v5 =	vmul.f32 v5, v5;
	v10 =	vld [tilespmem:s24+$0x45D0]  }
0x409: {  	v0 =	vadd.f32 v4, v0;
	v4 =	vld [tilespmem:s24+$0x45E0]  }
0x40a: {  	v6 =	vmul.f32 v6, v6;
	v11 =	vld [tilespmem:s24+$0x45F0];
	s24 =	sor.u32 $0x4800, s25  }
0x40b: {  	v0 =	vadd.f32 v5, v0;
	v5 =	vld [tilespmem:s24+$0x0]  }
0x40c: {  	v7 =	vmul.f32 v7, v7;
	v12 =	vld [tilespmem:s24+$0x10]  }
0x40d: {  	v0 =	vadd.f32 v6, v0;
	v6 =	vld [tilespmem:s24+$0x20]  }
0x40e: {  	v1 =	vmul.f32 v1, v1;
	v13 =	vld [tilespmem:s24+$0x30]  }
0x40f: {  	v0 =	vadd.f32 v7, v0;
	v7 =	vld [tilespmem:s24+$0x40]  }
0x410: {  	v8 =	vmul.f32 v8, v8;
	v14 =	vld [tilespmem:s24+$0x50]  }
0x411: {  	v0 =	vadd.f32 v1, v0;
	v1 =	vld [tilespmem:s24+$0x60]  }
0x412: {  	v2 =	vmul.f32 v2, v2;
	v15 =	vld [tilespmem:s24+$0x70];
	s24 =	sor.u32 $0x4C00, s25  }
0x413: {  	v0 =	vadd.f32 v8, v0;
	v8 =	vld [tilespmem:s24+$0x0]  }
0x414: {  	v9 =	vmul.f32 v9, v9;
	v16 =	vld [tilespmem:s24+$0x10]  }
0x415: {  	v0 =	vadd.f32 v2, v0;
	v2 =	vld [tilespmem:s24+$0x20]  }
0x416: {  	v3 =	vmul.f32 v3, v3;
	v17 =	vld [tilespmem:s24+$0x30]  }
0x417: {  	v0 =	vadd.f32 v9, v0;
	v9 =	vld [tilespmem:s24+$0x40]  }
0x418: {  	v10 =	vmul.f32 v10, v10;
	v18 =	vld [tilespmem:s24+$0x50]  }
0x419: {  	v0 =	vadd.f32 v3, v0;
	v3 =	vld [tilespmem:s24+$0x60]  }
0x41a: {  	v4 =	vmul.f32 v4, v4;
	v19 =	vld [tilespmem:s24+$0x70]  }
0x41b: {  	v0 =	vadd.f32 v10, v0  }
0x41c: {  	v10 =	vmul.f32 v11, v11  }
0x41d: {  	v0 =	vadd.f32 v4, v0  }
0x41e: {  	v4 =	vmul.f32 v5, v5  }
0x41f: {  	v5 =	vadd.f32 v10, v0;
	v0 =	vmul.f32 v19, v19  }
0x420: {  	v10 =	vmul.f32 v12, v12  }
0x421: {  	v4 =	vadd.f32 v4, v5  }
0x422: {  	v5 =	vmul.f32 v6, v6  }
0x423: {  	v4 =	vadd.f32 v10, v4  }
0x424: {  	v6 =	vmul.f32 v13, v13  }
0x425: {  	v4 =	vadd.f32 v5, v4  }
0x426: {  	v5 =	vmul.f32 v7, v7  }
0x427: {  	v4 =	vadd.f32 v6, v4  }
0x428: {  	v6 =	vmul.f32 v14, v14  }
0x429: {  	v4 =	vadd.f32 v5, v4  }
0x42a: {  	v1 =	vmul.f32 v1, v1  }
0x42b: {  	v4 =	vadd.f32 v6, v4  }
0x42c: {  	v5 =	vmul.f32 v15, v15  }
0x42d: {  	v1 =	vadd.f32 v1, v4  }
0x42e: {  	v4 =	vmul.f32 v8, v8  }
0x42f: {  	v1 =	vadd.f32 v5, v1  }
0x430: {  	v5 =	vmul.f32 v16, v16  }
0x431: {  	v1 =	vadd.f32 v4, v1  }
0x432: {  	v2 =	vmul.f32 v2, v2  }
0x433: {  	v1 =	vadd.f32 v5, v1  }
0x434: {  	v4 =	vmul.f32 v17, v17  }
0x435: {  	v1 =	vadd.f32 v2, v1  }
0x436: {  	v2 =	vmul.f32 v9, v9  }
.Ltmp1:
0x437: {  	v1 =	vadd.f32 v4, v1;
	(pc) =	sbr.rel @p1 .LBB2_4-.Ltmp1, $4  }
0x438: {  	v4 =	vmul.f32 v18, v18  }
0x439: {  	v2 =	vadd.f32 v2, v1  }
0x43a: {  	v1 =	vmul.f32 v3, v3  }
0x43b: {  	s23 =	sadd.s32 $0x200, s23;
	v2 =	vadd.f32 v4, v2  }
0x43c: {  	_ = 	snop  }
0x43d: {  	v1 =	vadd.f32 v1, v2;
	_ =	sdelay $0x1  }
0x43e: {  	v0 =	vadd.f32 v0, v1;
	_ =	sdelay $0x1  }
0x43f: {  	[tilespmem:s22+$0x0] =	vst v0  }
0x440: {  	[spmem:s7] =	stream.linear.scatter [tilespmem:s14], [sflag:$0x3], $0x400, $0x38;
	[tilespmem:$0xC768] =	vst v63  }
0x441: {  	_ =	swait.ge [sflag:s15], $0x400  }
0x442: {  	[sflag:s15] =	ssyncset.done $0x0  }
0x443: {  	[sflag:s15] =	ssyncadd.s32 $0xFFFFFC00  }
0x444: {  	[bflag:$0x0] =	sbarrier.arrive $0xFFFF  }
0x445: {  	[tilespmem:s16], [sflag:$0x3] =	stream.linear.gather [spmem:s1], $0x3E80, $0x38;
	[tilespmem:$0xC768] =	vst v63  }
0x446: {  	_ =	swait.ge [sflag:s15], $0x3E80  }
0x447: {  	[sflag:s15] =	ssyncset.done $0x0  }
0x448: {  	[sflag:s15] =	ssyncadd.s32 $0xFFFFC180  }
0x449: {  	_ =	swait.ge [sflag:s13], $0x80  }
0x44a: {  	[sflag:s13] =	ssyncset.done $0x0  }
0x44b: {  	s19 =	simm.s32 $0x0;
	[sflag:s13] =	ssyncadd.s32 $0xFFFFFF80  }
0x44c: {  	v0 =	vld [tilespmem:s19+$0xC280];
	_ =	sdelay $0x4  }
0x44d: {  	v0 =	vshll.u32 v0, $0x4  }
0x44e: {  	v0 =	vadd.s32 $0x8400, v0  }
0x44f: {  	(v2sf) =	vpush v0, $0x0;
	_ =	sdelay $0x1  }
0x450: {  	(v2sf) =	vpush v0, $0x1;
	_ =	sdelay $0x1  }
0x451: {  	(v2sf) =	vpush v0, $0x2;
	_ =	sdelay $0x1  }
0x452: {  	(v2sf) =	vpush v0, $0x3;
	_ =	sdelay $0x1  }
0x453: {  	(v2sf) =	vpush v0, $0x4;
	_ =	sdelay $0x1  }
0x454: {  	(v2sf) =	vpush v0, $0x5;
	_ =	sdelay $0x1  }
0x455: {  	(v2sf) =	vpush v0, $0x6;
	_ =	sdelay $0x1  }
0x456: {  	(v2sf) =	vpush v0, $0x7  }
0x457: {  	s28 =	spop (v2sf)  }
0x458: {  	(v2sf) =	vpush v0, $0x8;
	v2 =	vld [tilespmem:s28+$0x0]  }
0x459: {  	s29 =	spop (v2sf)  }
0x45a: {  	(v2sf) =	vpush v0, $0x9;
	v3 =	vld [tilespmem:s29+$0x0]  }
0x45b: {  	s30 =	spop (v2sf)  }
0x45c: {  	v4 =	vimm.f32 $0.0e+00;
	(v2sf) =	vpush v0, $0xA;
	v1 =	vld [tilespmem:s30+$0x0]  }
0x45d: {  	s31 =	spop (v2sf);
	v4 =	vadd.f32 v2, v4  }
0x45e: {  	(v2sf) =	vpush v0, $0xB;
	v2 =	vld [tilespmem:s31+$0x0]  }
0x45f: {  	s21 =	spop (v2sf);
	v4 =	vadd.f32 v3, v4  }
0x460: {  	s20 =	simm.s32 $0x10;
	s19 =	simm.s32 $0x80;
	(v2sf) =	vpush v0, $0xC;
	v3 =	vld [tilespmem:s21+$0x0]  }
.LBB2_6:
0x461: {  	p0 =	sne.s32 s19, $0x1C0;
	v5 =	vld [tilespmem:s20+$0xC280];
	v1 =	vadd.f32 v1, v4;
	s20 =	spop (v2sf)  }
0x462: {  	v4 =	vld [tilespmem:s20+$0x0];
	(v2sf) =	vpush v0, $0xD  }
0x463: {  	v1 =	vadd.f32 v2, v1;
	s20 =	spop (v2sf)  }
0x464: {  	v2 =	vld [tilespmem:s20+$0x0];
	(v2sf) =	vpush v0, $0xE  }
0x465: {  	v1 =	vadd.f32 v3, v1;
	s20 =	spop (v2sf)  }
0x466: {  	v3 =	vshll.u32 v5, $0x4;
	v5 =	vld [tilespmem:s20+$0x0];
	(v2sf) =	vpush v0, $0xF  }
0x467: {  	v0 =	vadd.s32 $0x8400, v3;
	v1 =	vadd.f32 v4, v1;
	s20 =	spop (v2sf)  }
0x468: {  	(v2sf) =	vpush v0, $0x0;
	v3 =	vld [tilespmem:s20+$0x0]  }
0x469: {  	v1 =	vadd.f32 v2, v1;
	s20 =	spop (v2sf)  }
0x46a: {  	(v2sf) =	vpush v0, $0x1;
	v2 =	vld [tilespmem:s20+$0x0]  }
0x46b: {  	v1 =	vadd.f32 v5, v1;
	s20 =	spop (v2sf)  }
0x46c: {  	(v2sf) =	vpush v0, $0x2;
	v4 =	vld [tilespmem:s20+$0x0]  }
0x46d: {  	v1 =	vadd.f32 v3, v1;
	s20 =	spop (v2sf)  }
0x46e: {  	(v2sf) =	vpush v0, $0x3;
	v3 =	vld [tilespmem:s20+$0x0]  }
0x46f: {  	v1 =	vadd.f32 v2, v1;
	s20 =	spop (v2sf)  }
0x470: {  	(v2sf) =	vpush v0, $0x4;
	v2 =	vld [tilespmem:s20+$0x0]  }
0x471: {  	v1 =	vadd.f32 v4, v1;
	s20 =	spop (v2sf)  }
0x472: {  	(v2sf) =	vpush v0, $0x5;
	v4 =	vld [tilespmem:s20+$0x0]  }
0x473: {  	v1 =	vadd.f32 v3, v1;
	s20 =	spop (v2sf)  }
0x474: {  	(v2sf) =	vpush v0, $0x6;
	v3 =	vld [tilespmem:s20+$0x0]  }
0x475: {  	v1 =	vadd.f32 v2, v1;
	s20 =	spop (v2sf)  }
0x476: {  	(v2sf) =	vpush v0, $0x7;
	v2 =	vld [tilespmem:s20+$0x0]  }
0x477: {  	s20 =	spop (v2sf);
	v1 =	vadd.f32 v4, v1  }
0x478: {  	v4 =	vld [tilespmem:s20+$0x0];
	(v2sf) =	vpush v0, $0x8  }
0x479: {  	s20 =	spop (v2sf);
	v1 =	vadd.f32 v3, v1  }
0x47a: {  	v3 =	vld [tilespmem:s20+$0x0];
	(v2sf) =	vpush v0, $0x9  }
0x47b: {  	s20 =	spop (v2sf);
	v2 =	vadd.f32 v2, v1  }
.Ltmp2:
0x47c: {  	v1 =	vld [tilespmem:s20+$0x0];
	(v2sf) =	vpush v0, $0xA;
	(pc) =	sbr.rel @p0 .LBB2_6-.Ltmp2, $4  }
0x47d: {  	v4 =	vadd.f32 v4, v2;
	s20 =	spop (v2sf)  }
0x47e: {  	v2 =	vld [tilespmem:s20+$0x0];
	(v2sf) =	vpush v0, $0xB  }
0x47f: {  	v4 =	vadd.f32 v3, v4;
	s21 =	spop (v2sf)  }
0x480: {  	s20 =	sshra.s32 s19, $0x2;
	s19 =	sadd.s32 $0x40, s19;
	v3 =	vld [tilespmem:s21+$0x0];
	(v2sf) =	vpush v0, $0xC  }
0x481: {  	v5 =	vld [tilespmem:s20+$0xC280];
	v1 =	vadd.f32 v1, v4;
	s19 =	spop (v2sf)  }
0x482: {  	(v2sf) =	vpush v0, $0xD;
	v34 =	vld [tilespmem:s19+$0x0]  }
0x483: {  	v1 =	vadd.f32 v2, v1;
	s28 =	spop (v2sf)  }
0x484: {  	(v2sf) =	vpush v0, $0xE;
	v35 =	vld [tilespmem:s28+$0x0]  }
0x485: {  	v1 =	vadd.f32 v3, v1;
	s29 =	spop (v2sf)  }
0x486: {  	(v2sf) =	vpush v0, $0xF;
	v36 =	vshll.u32 v5, $0x4;
	v37 =	vld [tilespmem:s29+$0x0]  }
0x487: {  	v38 =	vadd.s32 $0x8400, v36;
	v1 =	vadd.f32 v34, v1;
	s30 =	spop (v2sf)  }
0x488: {  	(v2sf) =	vpush v38, $0x0;
	v39 =	vld [tilespmem:s30+$0x0]  }
0x489: {  	v1 =	vadd.f32 v35, v1;
	s31 =	spop (v2sf)  }
0x48a: {  	(v2sf) =	vpush v38, $0x1;
	v40 =	vld [tilespmem:s31+$0x0]  }
0x48b: {  	v1 =	vadd.f32 v37, v1;
	s20 =	spop (v2sf)  }
0x48c: {  	(v2sf) =	vpush v38, $0x2;
	v41 =	vld [tilespmem:s20+$0x0]  }
0x48d: {  	v1 =	vadd.f32 v39, v1;
	s21 =	spop (v2sf)  }
0x48e: {  	(v2sf) =	vpush v38, $0x3;
	v42 =	vld [tilespmem:s21+$0x0]  }
0x48f: {  	v1 =	vadd.f32 v40, v1;
	s22 =	spop (v2sf)  }
0x490: {  	(v2sf) =	vpush v38, $0x4;
	v43 =	vld [tilespmem:s22+$0x0]  }
0x491: {  	s23 =	spop (v2sf);
	v1 =	vadd.f32 v41, v1  }
0x492: {  	(v2sf) =	vpush v38, $0x5;
	v44 =	vld [tilespmem:s23+$0x0]  }
0x493: {  	s24 =	spop (v2sf);
	v1 =	vadd.f32 v42, v1  }
0x494: {  	(v2sf) =	vpush v38, $0x6;
	v45 =	vld [tilespmem:s24+$0x0]  }
0x495: {  	s25 =	spop (v2sf);
	v1 =	vadd.f32 v43, v1  }
0x496: {  	(v2sf) =	vpush v38, $0x7;
	v46 =	vld [tilespmem:s25+$0x0]  }
0x497: {  	s26 =	spop (v2sf);
	v1 =	vadd.f32 v44, v1  }
0x498: {  	(v2sf) =	vpush v38, $0x8;
	v47 =	vld [tilespmem:s26+$0x0]  }
0x499: {  	s28 =	spop (v2sf);
	v1 =	vadd.f32 v45, v1  }
0x49a: {  	(v2sf) =	vpush v38, $0x9;
	v48 =	vld [tilespmem:s28+$0x0]  }
0x49b: {  	s29 =	spop (v2sf);
	v1 =	vadd.f32 v46, v1  }
0x49c: {  	(v2sf) =	vpush v38, $0xA;
	v49 =	vld [tilespmem:s29+$0x0]  }
0x49d: {  	s30 =	spop (v2sf);
	v1 =	vadd.f32 v47, v1  }
0x49e: {  	(v2sf) =	vpush v38, $0xB;
	v50 =	vld [tilespmem:s30+$0x0]  }
0x49f: {  	s31 =	spop (v2sf);
	v1 =	vadd.f32 v48, v1  }
0x4a0: {  	(v2sf) =	vpush v38, $0xC;
	v51 =	vld [tilespmem:s31+$0x0]  }
0x4a1: {  	s20 =	spop (v2sf);
	v1 =	vadd.f32 v49, v1  }
0x4a2: {  	(v2sf) =	vpush v38, $0xD;
	v52 =	vld [tilespmem:s20+$0x0]  }
0x4a3: {  	s21 =	spop (v2sf);
	v1 =	vadd.f32 v50, v1  }
0x4a4: {  	(v2sf) =	vpush v38, $0xE;
	v53 =	vld [tilespmem:s21+$0x0]  }
0x4a5: {  	s22 =	spop (v2sf);
	v1 =	vadd.f32 v51, v1  }
0x4a6: {  	(v2sf) =	vpush v38, $0xF;
	v54 =	vld [tilespmem:s22+$0x0]  }
0x4a7: {  	s23 =	spop (v2sf);
	v55 =	vadd.f32 v52, v1  }
0x4a8: {  	v56 =	vld [tilespmem:s23+$0x0]  }
0x4a9: {  	s24 =	spop (v2sf);
	v0 =	vadd.f32 v53, v55  }
0x4aa: {  	v57 =	vld [tilespmem:s24+$0x0]  }
0x4ab: {  	s25 =	spop (v2sf);
	v0 =	vadd.f32 v54, v0  }
0x4ac: {  	v58 =	vld [tilespmem:s25+$0x0]  }
0x4ad: {  	s26 =	spop (v2sf);
	v0 =	vadd.f32 v56, v0  }
0x4ae: {  	v59 =	vld [tilespmem:s26+$0x0]  }
0x4af: {  	s28 =	spop (v2sf);
	v0 =	vadd.f32 v57, v0  }
0x4b0: {  	v60 =	vld [tilespmem:s28+$0x0]  }
0x4b1: {  	s29 =	spop (v2sf);
	v0 =	vadd.f32 v58, v0  }
0x4b2: {  	v61 =	vld [tilespmem:s29+$0x0]  }
0x4b3: {  	s30 =	spop (v2sf);
	v0 =	vadd.f32 v59, v0  }
0x4b4: {  	v62 =	vld [tilespmem:s30+$0x0]  }
0x4b5: {  	s31 =	spop (v2sf);
	v0 =	vadd.f32 v60, v0  }
0x4b6: {  	v63 =	vld [tilespmem:s31+$0x0]  }
0x4b7: {  	v0 =	vadd.f32 v61, v0;
	_ =	sdelay $0x1  }
0x4b8: {  	v0 =	vadd.f32 v62, v0;
	_ =	sdelay $0x1  }
0x4b9: {  	s18 =	sadd.s32 $0x1, s18;
	v0 =	vadd.f32 v63, v0  }
0x4ba: {  	p0 =	sne.s32 s18, s9  }
.Ltmp3:
0x4bb: {  	[tilespmem:$0xC300] =	vst v0;
	(pc) =	sbr.rel @p0 .LBB2_1-.Ltmp3, $4  }
0x4bc: {  	[hbm4b:s8+s2] =	stream.linear.scatter [tilespmem:s17], [sflag:$0x3], $0x80, $0x38;
	[tilespmem:$0xC768] =	vst v63  }
0x4bd: {  	_ =	swait.ge [sflag:s15], $0x80  }
0x4be: {  	[sflag:s15] =	ssyncset.done $0x0  }
0x4bf: {  	[sflag:s15] =	ssyncadd.s32 $0xFFFFFF80  }
0x4c0: {  	_ =	sfence.sel $0x180000  }
0x4c1: {  	[bflag:$0x0] =	sbarrier.arrive $0xFFFF  }
0x4c2: {  	p0 =	sne.s32 s3, $0x0;
	_ =	strace $0x90000047  }
0x4c3: {  	s0 =	sadd.s32 @!p0 $0x100000, s0;
	[bflag:$0x2] =	sbarrier.arrive $0xFFFF  }
0x4c4: {  	[sflag:s0] =	ssyncadd.tile.s32 @!p0 $0x1;
	_ =	shalt  }
.Lfunc_end2:
_tile_overlayer_lowered:
.L_overlay_start_2:
0x4c5: {  	(tag) =	ssettag $0x2  }
0x4c6: {  	s0 =	rddreg [dreg:$0x0];
	s2 =	stileid.u32  }
0x4c7: {  	s1 =	rddreg [dreg:$0x1];
	p0 =	sne.s32 s2, $0x0  }
0x4c8: {  	s3 =	rddreg [dreg:$0x2];
	[bflag:$0x3] =	sbarrier.arrive $0xFFFF;
	s2 =	simm.s32 @!p0 $0x1C03  }
0x4c9: {  	[timem:s3], [sflag:s2] =	dma.local @!p0 [hbm:s0], s1  }
0x4ca: {  	s0 =	simm.s32 @!p0 $0x3  }
0x4cb: {  	_ =	swait.ge @!p0 [sflag:s0], s1  }
0x4cc: {  	s1 =	ssub.s32 @!p0 $0x0, s1;
	[sflag:s0] =	ssyncset.done @!p0 $0x0  }
0x4cd: {  	[sflag:s0] =	ssyncadd.s32 @!p0 s1  }
0x4ce: {  	[bflag:$0x3] =	sbarrier.arrive $0xFFFF  }
0x4cf: {  	_ =	shalt  }

</sc_bundles>
